<compile_context>
chip_gen: v7x
topology: tpu7x:2x2x1
jax: 0.10.2.dev20260603
libtpu: 0.0.44.dev20260713+nightly
codegen_flags: <defaults>
</compile_context>

<pallas_src>
import dataclasses
import functools

import jax
import jax.numpy as jnp
from jax import lax
from jax.experimental import pallas as pl
from jax.experimental.pallas import tpu as pltpu
from jax.experimental.pallas import tpu_sc as plsc

N = 10000
E = 320000
D = 128
HID = 128
G = 128

NC, NS = 2, 16
NW = NC * NS
EPC = E // NC
EPT = EPC // NS
CH = 80
NCHUNK = EPT // CH
RSTEP = 624
RSZ = 640

PG = 40
PR = PG * 8


def _sc_edge_aggregate(x, src, dst3d, zagg):
  mesh = plsc.VectorSubcoreMesh(core_axis_name="c", subcore_axis_name="s")
  cp = pltpu.CompilerParams()
  if "needs_layout_passes" in pltpu.CompilerParams.__dataclass_fields__:
    cp = dataclasses.replace(cp, needs_layout_passes=False)

  @functools.partial(
      pl.kernel,
      compiler_params=cp,
      out_type=(jax.ShapeDtypeStruct((NC, N, D), jnp.float32),
                jax.ShapeDtypeStruct((NW, N), jnp.float32)),
      mesh=mesh,
      scratch_types=[
          pltpu.VMEM((CH,), jnp.int32),
          pltpu.VMEM((CH,), jnp.int32),
          pltpu.VMEM((NCHUNK, CH), jnp.int32),
          pltpu.VMEM((CH, D), jnp.float32),
          pltpu.VMEM((CH, D), jnp.float32),
          pltpu.VMEM((N,), jnp.float32),
          pltpu.VMEM_SHARED((N, D), jnp.float32),
          pltpu.SemaphoreType.DMA,
          pltpu.SemaphoreType.DMA,
          pltpu.SemaphoreType.DMA,
          pltpu.SemaphoreType.DMA,
          pltpu.SemaphoreType.DMA,
          pltpu.SemaphoreType.DMA,
      ],
  )
  def k(x_hbm, src_hbm, dst_hbm, zagg_hbm, agg_hbm, deg_hbm,
        isrc0, isrc1, idstall, rows0, rows1, degl, sh_agg,
        semg0, semg1, semsrc0, semsrc1, semo0, semo1):
    c = lax.axis_index("c")
    s = lax.axis_index("s")
    wid3 = c * NS + s
    r0 = s * RSTEP

    @pl.loop(0, N // 16)
    def _(i):
      degl[pl.ds(i * 16, 16)] = jnp.zeros((16,), jnp.float32)

    pltpu.sync_copy(zagg_hbm, rows0)
    for t in range(RSZ // CH):
      pltpu.async_copy(rows0, sh_agg.at[pl.ds(r0 + t * CH, CH)], semg0)
    for t in range(RSZ // CH):
      pltpu.make_async_copy(zagg_hbm, rows0, semg0).wait()

    pltpu.sync_copy(dst_hbm.at[wid3], idstall)
    plsc.subcore_barrier()

    base_t = c * EPC + s * EPT
    ones16 = jnp.ones((16,), jnp.float32)

    def src_load(kk, isrc, sem):
      pltpu.async_copy(src_hbm.at[pl.ds(base_t + kk * CH, CH)], isrc, sem)

    def gather(isrc, rows, sem):
      pltpu.async_copy(x_hbm.at[isrc], rows, sem)

    def process(kk, rows, semg):
      pltpu.make_async_copy(x_hbm.at[pl.ds(0, CH)], rows, semg).wait()
      pltpu.sync_copy(rows, sh_agg.at[idstall.at[kk]], add=True)
      for i in range(CH // 16):
        plsc.addupdate_scatter(degl, [idstall[kk, pl.ds(i * 16, 16)]], ones16)

    def src_drain(isrc, sem):
      pltpu.make_async_copy(src_hbm.at[pl.ds(0, CH)], isrc, sem).wait()

    src_load(0, isrc0, semsrc0)
    src_drain(isrc0, semsrc0)
    gather(isrc0, rows0, semg0)
    src_load(1, isrc1, semsrc1)

    @pl.loop(0, (NCHUNK - 1) // 2)
    def _(t):
      k0 = 2 * t
      src_drain(isrc1, semsrc1)
      gather(isrc1, rows1, semg1)
      process(k0, rows0, semg0)
      src_load(jnp.minimum(k0 + 2, NCHUNK - 1), isrc0, semsrc0)
      src_drain(isrc0, semsrc0)
      gather(isrc0, rows0, semg0)
      process(k0 + 1, rows1, semg1)
      src_load(jnp.minimum(k0 + 3, NCHUNK - 1), isrc1, semsrc1)

    process(NCHUNK - 1, rows0, semg0)
    src_drain(isrc1, semsrc1)

    pltpu.sync_copy(degl, deg_hbm.at[s * NC + c])
    plsc.subcore_barrier()

    bufs = (rows0, rows1)
    sin = (semg0, semg1)
    sout = (semo0, semo1)
    NSL = RSZ // CH
    pltpu.async_copy(sh_agg.at[pl.ds(r0, CH)], rows0, semg0)
    pltpu.async_copy(sh_agg.at[pl.ds(r0 + CH, CH)], rows1, semg1)
    for t in range(NSL):
      p = t % 2
      rr = r0 + t * CH
      pltpu.make_async_copy(zagg_hbm, bufs[p], sin[p]).wait()
      pltpu.async_copy(bufs[p], agg_hbm.at[c, pl.ds(rr, CH)], sout[p])
      if t + 2 < NSL:
        pltpu.make_async_copy(zagg_hbm, bufs[p], sout[p]).wait()
        pltpu.async_copy(sh_agg.at[pl.ds(rr + 2 * CH, CH)], bufs[p], sin[p])
    pltpu.make_async_copy(zagg_hbm, bufs[(NSL - 2) % 2], sout[(NSL - 2) % 2]).wait()
    pltpu.make_async_copy(zagg_hbm, bufs[(NSL - 1) % 2], sout[(NSL - 1) % 2]).wait()

  return k(x, src, dst3d, zagg)


def _tc_h(x, agg, deg, wl, bl, wr):
  BN = 1000

  def body(x_ref, a_ref, d_ref, wl_ref, bl_ref, wr_ref, h_ref):
    a = a_ref[0] + a_ref[1]
    d = jnp.sum(d_ref[...], axis=1)[:, None]
    mean = a / jnp.clip(d, 1.0, None)
    acc = lax.dot_general(mean, wl_ref[...], (((1,), (1,)), ((), ())),
                          preferred_element_type=jnp.float32)
    acc += bl_ref[...]
    acc += lax.dot_general(x_ref[...], wr_ref[...], (((1,), (1,)), ((), ())),
                           preferred_element_type=jnp.float32)
    h_ref[...] = jnp.maximum(acc, 0.0)

  return pl.pallas_call(
      body,
      grid=(N // BN,),
      in_specs=[
          pl.BlockSpec((BN, D), lambda i: (i, 0)),
          pl.BlockSpec((NC, BN, D), lambda i: (0, i, 0)),
          pl.BlockSpec((BN, NW), lambda i: (i, 0)),
          pl.BlockSpec((HID, D), lambda i: (0, 0)),
          pl.BlockSpec((1, HID), lambda i: (0, 0)),
          pl.BlockSpec((HID, D), lambda i: (0, 0)),
      ],
      out_specs=pl.BlockSpec((BN, HID), lambda i: (i, 0)),
      out_shape=jax.ShapeDtypeStruct((N, HID), jnp.float32),
  )(x, agg, deg, wl, bl, wr)


def _sc_pool(h, batch1d):
  mesh = plsc.VectorSubcoreMesh(core_axis_name="c", subcore_axis_name="s")

  @functools.partial(
      pl.kernel,
      out_type=jax.ShapeDtypeStruct((NW, G, HID), jnp.float32),
      mesh=mesh,
      scratch_types=[
          pltpu.VMEM((PR, HID), jnp.float32),
          pltpu.VMEM((G, HID), jnp.float32),
          pltpu.VMEM((PR,), jnp.int32),
      ],
  )
  def k(h_hbm, b_hbm, out_hbm, hbuf, pool, bsm):
    c = lax.axis_index("c")
    s = lax.axis_index("s")
    wid = s * NC + c

    @pl.loop(0, G)
    def _(i):
      @pl.loop(0, HID // 16)
      def _(j):
        pool[i, pl.ds(j * 16, 16)] = jnp.full((16,), -jnp.inf, jnp.float32)

    def scan_rows(nblk):
      @pl.loop(0, nblk)
      def _(bi):
        bv = bsm[pl.ds(bi * 16, 16)]
        for ri in range(16):
          g = bv[ri]
          r = bi * 16 + ri

          @pl.loop(0, HID // 16)
          def _(j):
            v = hbuf[r, pl.ds(j * 16, 16)]
            cur = pool[g, pl.ds(j * 16, 16)]
            pool[g, pl.ds(j * 16, 16)] = jnp.maximum(cur, v)

    g0 = 8 * jnp.minimum(wid * (PG // 8), (1248 - PG) // 8)
    pltpu.sync_copy(h_hbm.at[pl.ds(g0 * 8, PR)], hbuf)
    pltpu.sync_copy(b_hbm.at[pl.ds(g0 * 8, PR)], bsm)
    scan_rows(PR // 16)

    @pl.when(wid == NW - 1)
    def _():
      pltpu.sync_copy(h_hbm.at[pl.ds(1248 * 8, 16)], hbuf.at[pl.ds(0, 16)])
      pltpu.sync_copy(b_hbm.at[pl.ds(1248 * 8, 16)], bsm.at[pl.ds(0, 16)])
      scan_rows(1)

    pltpu.sync_copy(pool, out_hbm.at[wid])

  return k(h, batch1d)


def _tc_head(pool32, batch_row, x, w0, b0, w1, b1, w2, b2):
  def body(p_ref, b_ref, x_ref, w0_ref, b0_ref, w1_ref, b1_ref, w2_ref,
           b2_ref, o_ref):
    pooled = jnp.max(p_ref[...], axis=0)
    b = b_ref[...]
    garange = lax.broadcasted_iota(jnp.int32, (G, 1), 0)
    cnt = jnp.sum((b < garange).astype(jnp.int32), axis=1, keepdims=True)
    root = jnp.clip(cnt, 0, N - 1)
    narange = lax.broadcasted_iota(jnp.int32, (G, N), 1)
    sel = (narange == root).astype(jnp.float32)
    news = lax.dot_general(sel, x_ref[...], (((1,), (0,)), ((), ())),
                           preferred_element_type=jnp.float32)
    news = jnp.maximum(
        lax.dot_general(news, w0_ref[...], (((1,), (1,)), ((), ())),
                        preferred_element_type=jnp.float32) + b0_ref[...],
        0.0)
    cat = jnp.concatenate([news, pooled], axis=-1)
    h1 = jnp.maximum(
        lax.dot_general(cat, w1_ref[...], (((1,), (1,)), ((), ())),
                        preferred_element_type=jnp.float32) + b1_ref[...],
        0.0)
    out = lax.dot_general(h1, w2_ref[...], (((1,), (1,)), ((), ())),
                          preferred_element_type=jnp.float32) + b2_ref[...]
    m = jnp.max(out, axis=-1, keepdims=True)
    z = out - m
    o_ref[...] = z - jnp.log(jnp.sum(jnp.exp(z), axis=-1, keepdims=True))

  return pl.pallas_call(
      body,
      out_shape=jax.ShapeDtypeStruct((G, 2), jnp.float32),
  )(pool32, batch_row, x, w0, b0, w1, b1, w2, b2)


def kernel(x, edge_index, batch, lin_l_w, lin_l_b, lin_r_w,
           lin0_w, lin0_b, lin1_w, lin1_b, lin2_w, lin2_b):
  src = edge_index[0]
  dst3d = edge_index[1].reshape(NW, NCHUNK, CH)
  zagg = jnp.zeros((CH, D), jnp.float32)
  agg, deg = _sc_edge_aggregate(x, src, dst3d, zagg)
  h = _tc_h(x, agg, deg.T, lin_l_w, lin_l_b.reshape(1, HID), lin_r_w)
  pool32 = _sc_pool(h, batch)
  return _tc_head(pool32, batch.reshape(1, N), x,
                  lin0_w, lin0_b.reshape(1, HID),
                  lin1_w, lin1_b.reshape(1, HID),
                  lin2_w, lin2_b.reshape(1, 2))

# --- scband reference (transcript-rebuilt; emitter-appended) ---
"""Pipeline reference for scband-net-14894946583457 (READ-ONLY COPY).

The authoritative reference and input builder live on the scoring server;
editing this copy changes nothing except your own understanding.
"""

import jax, jax.numpy as jnp
import numpy as np

N_NODES = 10000
N_EDGES = 320000
D_IN = 128
HID = 128
OUT = 2
N_GRAPHS = 128


def setup_inputs(seed: int = 0) -> dict:
    key = jax.random.key(seed)
    ks = jax.random.split(key, 12)
    x = jax.random.normal(ks[0], (N_NODES, D_IN), dtype=jnp.float32)
    edge_index = jax.random.randint(ks[1], (2, N_EDGES), 0, N_NODES, dtype=jnp.int32)
    batch = jnp.sort(jax.random.randint(ks[2], (N_NODES,), 0, N_GRAPHS, dtype=jnp.int32))
    s = 0.05
    return {
        "x": x,
        "edge_index": edge_index,
        "batch": batch,
        "lin_l_w": jax.random.normal(ks[3], (HID, D_IN), jnp.float32) * s,
        "lin_l_b": jnp.zeros((HID,), jnp.float32),
        "lin_r_w": jax.random.normal(ks[4], (HID, D_IN), jnp.float32) * s,
        "lin0_w": jax.random.normal(ks[5], (HID, D_IN), jnp.float32) * s,
        "lin0_b": jnp.zeros((HID,), jnp.float32),
        "lin1_w": jax.random.normal(ks[6], (HID, 2 * HID), jnp.float32) * s,
        "lin1_b": jnp.zeros((HID,), jnp.float32),
        "lin2_w": jax.random.normal(ks[7], (OUT, HID), jnp.float32) * s,
        "lin2_b": jnp.zeros((OUT,), jnp.float32),
    }


def reference(x, edge_index, batch, lin_l_w, lin_l_b, lin_r_w,
              lin0_w, lin0_b, lin1_w, lin1_b, lin2_w, lin2_b):
    n = x.shape[0]
    num_graphs = N_GRAPHS
    src = edge_index[0]
    dst = edge_index[1]
    # SAGEConv: mean aggregation of source features at destination nodes
    msg = jnp.take(x, src, axis=0)
    agg = jax.ops.segment_sum(msg, dst, num_segments=n)
    deg = jax.ops.segment_sum(jnp.ones((msg.shape[0],), x.dtype), dst, num_segments=n)
    mean = agg / jnp.clip(deg, 1.0, None)[:, None]
    h = mean @ lin_l_w.T + lin_l_b + x @ lin_r_w.T
    h = jax.nn.relu(h)
    # global max pool per graph
    pooled = jax.ops.segment_max(h, batch, num_segments=num_graphs)
    # root node of each graph (first node per graph, batch is sorted)
    root = jnp.searchsorted(batch, jnp.arange(num_graphs, dtype=batch.dtype))
    news = jnp.take(x, root, axis=0)
    news = jax.nn.relu(news @ lin0_w.T + lin0_b)
    h = jax.nn.relu(jnp.concatenate([news, pooled], axis=-1) @ lin1_w.T + lin1_b)
    h = h @ lin2_w.T + lin2_b
    return jax.nn.log_softmax(h, axis=-1)

if __name__ == "__main__":
    import jax
    _d = setup_inputs()
    print(jax.jit(kernel)(*tuple(_d.values())))

</pallas_src>

<mosaic_0001>
#map = affine_map<(d0, d1) -> (0, 0)>
#map1 = affine_map<(d0, d1) -> (0)>
#map2 = affine_map<(d0, d1) -> (0, 0, 0)>
module attributes {stable_mosaic.version = 14 : i64} {
  func.func @k(%arg0: i32, %arg1: i32, %arg2: memref<10000x128xf32, #tpu.memory_space<hbm>>, %arg3: memref<320000xi32, #tpu.memory_space<hbm>>, %arg4: memref<32x125x80xi32, #tpu.memory_space<hbm>>, %arg5: memref<80x128xf32, #tpu.memory_space<hbm>>, %arg6: memref<2x10000x128xf32, #tpu.memory_space<hbm>>, %arg7: memref<32x10000xf32, #tpu.memory_space<hbm>>, %arg8: memref<80xi32, #tpu.memory_space<vmem>>, %arg9: memref<80xi32, #tpu.memory_space<vmem>>, %arg10: memref<125x80xi32, #tpu.memory_space<vmem>>, %arg11: memref<80x128xf32, #tpu.memory_space<vmem>>, %arg12: memref<80x128xf32, #tpu.memory_space<vmem>>, %arg13: memref<10000xf32, #tpu.memory_space<vmem>>, %arg14: memref<10000x128xf32, #tpu.memory_space<vmem_shared>>, %arg15: memref<!tpu.dma_semaphore, #tpu.memory_space<semaphore_mem>>, %arg16: memref<!tpu.dma_semaphore, #tpu.memory_space<semaphore_mem>>, %arg17: memref<!tpu.dma_semaphore, #tpu.memory_space<semaphore_mem>>, %arg18: memref<!tpu.dma_semaphore, #tpu.memory_space<semaphore_mem>>, %arg19: memref<!tpu.dma_semaphore, #tpu.memory_space<semaphore_mem>>, %arg20: memref<!tpu.dma_semaphore, #tpu.memory_space<semaphore_mem>>) attributes {dimension_semantics = [#tpu.dimension_semantics<core_parallel>, #tpu.dimension_semantics<subcore_parallel>], iteration_bounds = array<i64: 2, 16>, scalar_prefetch = 0 : i64, scratch_operands = 13 : i64, tpu.core_type = #tpu.core_type<sc_vector_subcore>, window_params = [{transform_indices = #map}, {transform_indices = #map1}, {transform_indices = #map2}, {transform_indices = #map}, {transform_indices = #map2}, {transform_indices = #map}]} {
    %mul3A = arith.constant 16 : i32
    %mul3A_0 = arith.muli %arg0, %mul3A : i32
    %add3A = arith.addi %mul3A_0, %arg1 : i32
    %mul3A_1 = arith.constant 624 : i32
    %mul3A_2 = arith.muli %arg1, %mul3A_1 : i32
    %scan3A = arith.constant 0 : i32
    %scan3A_3 = arith.constant 625 : i32
    %scan3A_4 = arith.addi %scan3A, %scan3A_3 : i32
    %scan3A_5 = arith.constant 1 : i32
    scf.for %scan3A_222 = %scan3A to %scan3A_4 step %scan3A_5  : i32 {
      %mul3A_223 = arith.constant 1 : i32
      %mul3A_224 = arith.muli %scan3A_222, %mul3A_223 : i32
      %add3A_225 = arith.constant 0 : i32
      %add3A_226 = arith.addi %add3A_225, %mul3A_224 : i32
      %broadcast_in_dim3A_227 = arith.constant 0.000000e+00 : f32
      %broadcast_in_dim3A_228 = vector.broadcast %broadcast_in_dim3A_227 : f32 to vector<16xf32>
      %mul3A_229 = arith.constant 16 : i32
      %mul3A_230 = arith.muli %add3A_226, %mul3A_229 : i32
      %swap3A = arith.index_cast %mul3A_230 : i32 to index
      %swap3A_231 = tpu.vector_load %arg13[%swap3A] {strides = array<i32>} : memref<10000xf32, #tpu.memory_space<vmem>>, vector<16xf32>,
      tpu.vector_store %arg13[%swap3A], %broadcast_in_dim3A_228 {strides = array<i32>} : memref<10000xf32, #tpu.memory_space<vmem>>, vector<16xf32>,
    }
    %scan3A_6 = arith.constant 625 : i32
    "tpu.region"() ({
      %run_scoped3A_222 = tpu.sem_alloc : memref<!tpu.dma_semaphore, #tpu.memory_space<semaphore_mem>>
      tpu.enqueue_dma source(%arg5 : memref<80x128xf32, #tpu.memory_space<hbm>>) target(%arg11 : memref<80x128xf32, #tpu.memory_space<vmem>>) target_semaphore(%run_scoped3A_222 : memref<!tpu.dma_semaphore, #tpu.memory_space<semaphore_mem>>)
      tpu.wait_dma2 semaphore(%run_scoped3A_222 : memref<!tpu.dma_semaphore, #tpu.memory_space<semaphore_mem>>) src(%arg5 : memref<80x128xf32, #tpu.memory_space<hbm>>) dst(%arg11 : memref<80x128xf32, #tpu.memory_space<vmem>>)
      tpu.yield
    }) : () -> ()
    %add3A_7 = arith.constant 0 : i32
    %add3A_8 = arith.addi %mul3A_2, %add3A_7 : i32
    %dma_start3A = arith.constant 0 : i32
    %dma_start3A_9 = tpu.memref_slice %arg14[%add3A_8, %dma_start3A] : memref<10000x128xf32, #tpu.memory_space<vmem_shared>> -> memref<80x128xf32, #tpu.memory_space<vmem_shared>>
    %dma_start3A_10 = arith.constant 0 : i32
    %dma_start3A_11 = tpu.memref_slice %arg14[%add3A_8, %dma_start3A_10] : memref<10000x128xf32, #tpu.memory_space<vmem_shared>> -> memref<80x128xf32, #tpu.memory_space<vmem_shared>>
    tpu.enqueue_dma source(%arg11 : memref<80x128xf32, #tpu.memory_space<vmem>>) target(%dma_start3A_11 : memref<80x128xf32, #tpu.memory_space<vmem_shared>>) target_semaphore(%arg15 : memref<!tpu.dma_semaphore, #tpu.memory_space<semaphore_mem>>)
    %add3A_12 = arith.constant 80 : i32
    %add3A_13 = arith.addi %mul3A_2, %add3A_12 : i32
    %dma_start3A_14 = arith.constant 0 : i32
    %dma_start3A_15 = tpu.memref_slice %arg14[%add3A_13, %dma_start3A_14] : memref<10000x128xf32, #tpu.memory_space<vmem_shared>> -> memref<80x128xf32, #tpu.memory_space<vmem_shared>>
    %dma_start3A_16 = arith.constant 0 : i32
    %dma_start3A_17 = tpu.memref_slice %arg14[%add3A_13, %dma_start3A_16] : memref<10000x128xf32, #tpu.memory_space<vmem_shared>> -> memref<80x128xf32, #tpu.memory_space<vmem_shared>>
    tpu.enqueue_dma source(%arg11 : memref<80x128xf32, #tpu.memory_space<vmem>>) target(%dma_start3A_17 : memref<80x128xf32, #tpu.memory_space<vmem_shared>>) target_semaphore(%arg15 : memref<!tpu.dma_semaphore, #tpu.memory_space<semaphore_mem>>)
    %add3A_18 = arith.constant 160 : i32
    %add3A_19 = arith.addi %mul3A_2, %add3A_18 : i32
    %dma_start3A_20 = arith.constant 0 : i32
    %dma_start3A_21 = tpu.memref_slice %arg14[%add3A_19, %dma_start3A_20] : memref<10000x128xf32, #tpu.memory_space<vmem_shared>> -> memref<80x128xf32, #tpu.memory_space<vmem_shared>>
    %dma_start3A_22 = arith.constant 0 : i32
    %dma_start3A_23 = tpu.memref_slice %arg14[%add3A_19, %dma_start3A_22] : memref<10000x128xf32, #tpu.memory_space<vmem_shared>> -> memref<80x128xf32, #tpu.memory_space<vmem_shared>>
    tpu.enqueue_dma source(%arg11 : memref<80x128xf32, #tpu.memory_space<vmem>>) target(%dma_start3A_23 : memref<80x128xf32, #tpu.memory_space<vmem_shared>>) target_semaphore(%arg15 : memref<!tpu.dma_semaphore, #tpu.memory_space<semaphore_mem>>)
    %add3A_24 = arith.constant 240 : i32
    %add3A_25 = arith.addi %mul3A_2, %add3A_24 : i32
    %dma_start3A_26 = arith.constant 0 : i32
    %dma_start3A_27 = tpu.memref_slice %arg14[%add3A_25, %dma_start3A_26] : memref<10000x128xf32, #tpu.memory_space<vmem_shared>> -> memref<80x128xf32, #tpu.memory_space<vmem_shared>>
    %dma_start3A_28 = arith.constant 0 : i32
    %dma_start3A_29 = tpu.memref_slice %arg14[%add3A_25, %dma_start3A_28] : memref<10000x128xf32, #tpu.memory_space<vmem_shared>> -> memref<80x128xf32, #tpu.memory_space<vmem_shared>>
    tpu.enqueue_dma source(%arg11 : memref<80x128xf32, #tpu.memory_space<vmem>>) target(%dma_start3A_29 : memref<80x128xf32, #tpu.memory_space<vmem_shared>>) target_semaphore(%arg15 : memref<!tpu.dma_semaphore, #tpu.memory_space<semaphore_mem>>)
    %add3A_30 = arith.constant 320 : i32
    %add3A_31 = arith.addi %mul3A_2, %add3A_30 : i32
    %dma_start3A_32 = arith.constant 0 : i32
    %dma_start3A_33 = tpu.memref_slice %arg14[%add3A_31, %dma_start3A_32] : memref<10000x128xf32, #tpu.memory_space<vmem_shared>> -> memref<80x128xf32, #tpu.memory_space<vmem_shared>>
    %dma_start3A_34 = arith.constant 0 : i32
    %dma_start3A_35 = tpu.memref_slice %arg14[%add3A_31, %dma_start3A_34] : memref<10000x128xf32, #tpu.memory_space<vmem_shared>> -> memref<80x128xf32, #tpu.memory_space<vmem_shared>>
    tpu.enqueue_dma source(%arg11 : memref<80x128xf32, #tpu.memory_space<vmem>>) target(%dma_start3A_35 : memref<80x128xf32, #tpu.memory_space<vmem_shared>>) target_semaphore(%arg15 : memref<!tpu.dma_semaphore, #tpu.memory_space<semaphore_mem>>)
    %add3A_36 = arith.constant 400 : i32
    %add3A_37 = arith.addi %mul3A_2, %add3A_36 : i32
    %dma_start3A_38 = arith.constant 0 : i32
    %dma_start3A_39 = tpu.memref_slice %arg14[%add3A_37, %dma_start3A_38] : memref<10000x128xf32, #tpu.memory_space<vmem_shared>> -> memref<80x128xf32, #tpu.memory_space<vmem_shared>>
    %dma_start3A_40 = arith.constant 0 : i32
    %dma_start3A_41 = tpu.memref_slice %arg14[%add3A_37, %dma_start3A_40] : memref<10000x128xf32, #tpu.memory_space<vmem_shared>> -> memref<80x128xf32, #tpu.memory_space<vmem_shared>>
    tpu.enqueue_dma source(%arg11 : memref<80x128xf32, #tpu.memory_space<vmem>>) target(%dma_start3A_41 : memref<80x128xf32, #tpu.memory_space<vmem_shared>>) target_semaphore(%arg15 : memref<!tpu.dma_semaphore, #tpu.memory_space<semaphore_mem>>)
    %add3A_42 = arith.constant 480 : i32
    %add3A_43 = arith.addi %mul3A_2, %add3A_42 : i32
    %dma_start3A_44 = arith.constant 0 : i32
    %dma_start3A_45 = tpu.memref_slice %arg14[%add3A_43, %dma_start3A_44] : memref<10000x128xf32, #tpu.memory_space<vmem_shared>> -> memref<80x128xf32, #tpu.memory_space<vmem_shared>>
    %dma_start3A_46 = arith.constant 0 : i32
    %dma_start3A_47 = tpu.memref_slice %arg14[%add3A_43, %dma_start3A_46] : memref<10000x128xf32, #tpu.memory_space<vmem_shared>> -> memref<80x128xf32, #tpu.memory_space<vmem_shared>>
    tpu.enqueue_dma source(%arg11 : memref<80x128xf32, #tpu.memory_space<vmem>>) target(%dma_start3A_47 : memref<80x128xf32, #tpu.memory_space<vmem_shared>>) target_semaphore(%arg15 : memref<!tpu.dma_semaphore, #tpu.memory_space<semaphore_mem>>)
    %add3A_48 = arith.constant 560 : i32
    %add3A_49 = arith.addi %mul3A_2, %add3A_48 : i32
    %dma_start3A_50 = arith.constant 0 : i32
    %dma_start3A_51 = tpu.memref_slice %arg14[%add3A_49, %dma_start3A_50] : memref<10000x128xf32, #tpu.memory_space<vmem_shared>> -> memref<80x128xf32, #tpu.memory_space<vmem_shared>>
    %dma_start3A_52 = arith.constant 0 : i32
    %dma_start3A_53 = tpu.memref_slice %arg14[%add3A_49, %dma_start3A_52] : memref<10000x128xf32, #tpu.memory_space<vmem_shared>> -> memref<80x128xf32, #tpu.memory_space<vmem_shared>>
    tpu.enqueue_dma source(%arg11 : memref<80x128xf32, #tpu.memory_space<vmem>>) target(%dma_start3A_53 : memref<80x128xf32, #tpu.memory_space<vmem_shared>>) target_semaphore(%arg15 : memref<!tpu.dma_semaphore, #tpu.memory_space<semaphore_mem>>)
    tpu.wait_dma2 semaphore(%arg15 : memref<!tpu.dma_semaphore, #tpu.memory_space<semaphore_mem>>) src(%arg5 : memref<80x128xf32, #tpu.memory_space<hbm>>) dst(%arg11 : memref<80x128xf32, #tpu.memory_space<vmem>>)
    tpu.wait_dma2 semaphore(%arg15 : memref<!tpu.dma_semaphore, #tpu.memory_space<semaphore_mem>>) src(%arg5 : memref<80x128xf32, #tpu.memory_space<hbm>>) dst(%arg11 : memref<80x128xf32, #tpu.memory_space<vmem>>)
    tpu.wait_dma2 semaphore(%arg15 : memref<!tpu.dma_semaphore, #tpu.memory_space<semaphore_mem>>) src(%arg5 : memref<80x128xf32, #tpu.memory_space<hbm>>) dst(%arg11 : memref<80x128xf32, #tpu.memory_space<vmem>>)
    tpu.wait_dma2 semaphore(%arg15 : memref<!tpu.dma_semaphore, #tpu.memory_space<semaphore_mem>>) src(%arg5 : memref<80x128xf32, #tpu.memory_space<hbm>>) dst(%arg11 : memref<80x128xf32, #tpu.memory_space<vmem>>)
    tpu.wait_dma2 semaphore(%arg15 : memref<!tpu.dma_semaphore, #tpu.memory_space<semaphore_mem>>) src(%arg5 : memref<80x128xf32, #tpu.memory_space<hbm>>) dst(%arg11 : memref<80x128xf32, #tpu.memory_space<vmem>>)
    tpu.wait_dma2 semaphore(%arg15 : memref<!tpu.dma_semaphore, #tpu.memory_space<semaphore_mem>>) src(%arg5 : memref<80x128xf32, #tpu.memory_space<hbm>>) dst(%arg11 : memref<80x128xf32, #tpu.memory_space<vmem>>)
    tpu.wait_dma2 semaphore(%arg15 : memref<!tpu.dma_semaphore, #tpu.memory_space<semaphore_mem>>) src(%arg5 : memref<80x128xf32, #tpu.memory_space<hbm>>) dst(%arg11 : memref<80x128xf32, #tpu.memory_space<vmem>>)
    tpu.wait_dma2 semaphore(%arg15 : memref<!tpu.dma_semaphore, #tpu.memory_space<semaphore_mem>>) src(%arg5 : memref<80x128xf32, #tpu.memory_space<hbm>>) dst(%arg11 : memref<80x128xf32, #tpu.memory_space<vmem>>)
    "tpu.region"() ({
      %run_scoped3A_222 = tpu.sem_alloc : memref<!tpu.dma_semaphore, #tpu.memory_space<semaphore_mem>>
      %dma_start3A_223 = arith.constant 0 : i32
      %dma_start3A_224 = arith.constant 0 : i32
      %dma_start3A_225 = tpu.memref_slice %arg4[%add3A, %dma_start3A_223, %dma_start3A_224] : memref<32x125x80xi32, #tpu.memory_space<hbm>> -> memref<1x125x80xi32, #tpu.memory_space<hbm>>
      %dma_start3A_226 = tpu.memref_squeeze %dma_start3A_225 : memref<1x125x80xi32, #tpu.memory_space<hbm>> -> memref<125x80xi32, #tpu.memory_space<hbm>>
      %dma_start3A_227 = arith.constant 0 : i32
      %dma_start3A_228 = arith.constant 0 : i32
      %dma_start3A_229 = tpu.memref_slice %arg4[%add3A, %dma_start3A_227, %dma_start3A_228] : memref<32x125x80xi32, #tpu.memory_space<hbm>> -> memref<1x125x80xi32, #tpu.memory_space<hbm>>
      %dma_start3A_230 = tpu.memref_squeeze %dma_start3A_229 : memref<1x125x80xi32, #tpu.memory_space<hbm>> -> memref<125x80xi32, #tpu.memory_space<hbm>>
      tpu.enqueue_dma source(%dma_start3A_230 : memref<125x80xi32, #tpu.memory_space<hbm>>) target(%arg10 : memref<125x80xi32, #tpu.memory_space<vmem>>) target_semaphore(%run_scoped3A_222 : memref<!tpu.dma_semaphore, #tpu.memory_space<semaphore_mem>>)
      %dma_wait3A_231 = arith.constant 0 : i32
      %dma_wait3A_232 = arith.constant 0 : i32
      %dma_wait3A_233 = tpu.memref_slice %arg4[%add3A, %dma_wait3A_231, %dma_wait3A_232] : memref<32x125x80xi32, #tpu.memory_space<hbm>> -> memref<1x125x80xi32, #tpu.memory_space<hbm>>
      %dma_wait3A_234 = tpu.memref_squeeze %dma_wait3A_233 : memref<1x125x80xi32, #tpu.memory_space<hbm>> -> memref<125x80xi32, #tpu.memory_space<hbm>>
      %dma_wait3A_235 = arith.constant 0 : i32
      %dma_wait3A_236 = arith.constant 0 : i32
      %dma_wait3A_237 = tpu.memref_slice %arg4[%add3A, %dma_wait3A_235, %dma_wait3A_236] : memref<32x125x80xi32, #tpu.memory_space<hbm>> -> memref<1x125x80xi32, #tpu.memory_space<hbm>>
      %dma_wait3A_238 = tpu.memref_squeeze %dma_wait3A_237 : memref<1x125x80xi32, #tpu.memory_space<hbm>> -> memref<125x80xi32, #tpu.memory_space<hbm>>
      tpu.wait_dma2 semaphore(%run_scoped3A_222 : memref<!tpu.dma_semaphore, #tpu.memory_space<semaphore_mem>>) src(%dma_wait3A_238 : memref<125x80xi32, #tpu.memory_space<hbm>>) dst(%arg10 : memref<125x80xi32, #tpu.memory_space<vmem>>)
      tpu.yield
    }) : () -> ()
    %barrier3A = arith.constant 0 : index
    tpu.barrier barrier_id(%barrier3A)
    %mul3A_54 = arith.constant 160000 : i32
    %mul3A_55 = arith.muli %arg0, %mul3A_54 : i32
    %mul3A_56 = arith.constant 10000 : i32
    %mul3A_57 = arith.muli %arg1, %mul3A_56 : i32
    %add3A_58 = arith.addi %mul3A_55, %mul3A_57 : i32
    %broadcast_in_dim3A = arith.constant 1.000000e+00 : f32
    %broadcast_in_dim3A_59 = vector.broadcast %broadcast_in_dim3A : f32 to vector<16xf32>
    %add3A_60 = arith.constant 0 : i32
    %add3A_61 = arith.addi %add3A_58, %add3A_60 : i32
    %dma_start3A_62 = tpu.memref_slice %arg3[%add3A_61] : memref<320000xi32, #tpu.memory_space<hbm>> -> memref<80xi32, #tpu.memory_space<hbm>>
    %dma_start3A_63 = tpu.memref_slice %arg3[%add3A_61] : memref<320000xi32, #tpu.memory_space<hbm>> -> memref<80xi32, #tpu.memory_space<hbm>>
    tpu.enqueue_dma source(%dma_start3A_63 : memref<80xi32, #tpu.memory_space<hbm>>) target(%arg8 : memref<80xi32, #tpu.memory_space<vmem>>) target_semaphore(%arg17 : memref<!tpu.dma_semaphore, #tpu.memory_space<semaphore_mem>>)
    %dma_wait3A = arith.constant 0 : i32
    %dma_wait3A_64 = tpu.memref_slice %arg3[%dma_wait3A] : memref<320000xi32, #tpu.memory_space<hbm>> -> memref<80xi32, #tpu.memory_space<hbm>>
    %dma_wait3A_65 = arith.constant 0 : i32
    %dma_wait3A_66 = tpu.memref_slice %arg3[%dma_wait3A_65] : memref<320000xi32, #tpu.memory_space<hbm>> -> memref<80xi32, #tpu.memory_space<hbm>>
    tpu.wait_dma2 semaphore(%arg17 : memref<!tpu.dma_semaphore, #tpu.memory_space<semaphore_mem>>) src(%dma_wait3A_66 : memref<80xi32, #tpu.memory_space<hbm>>) dst(%arg8 : memref<80xi32, #tpu.memory_space<vmem>>)
    %dma_start3A_67 = arith.constant 0 : i32
    %dma_start3A_68 = arith.constant 0 : i32
    %dma_start3A_69 = tpu.memref_slice %arg2[%dma_start3A_67, %dma_start3A_68] : memref<10000x128xf32, #tpu.memory_space<hbm>> -> memref<10000x128xf32, #tpu.memory_space<hbm>>
    tpu.enqueue_indirect_dma source(%dma_start3A_69 : memref<10000x128xf32, #tpu.memory_space<hbm>>) target(%arg11 : memref<80x128xf32, #tpu.memory_space<vmem>>) offsets(%arg8 : memref<80xi32, #tpu.memory_space<vmem>>) semaphore(%arg15 : memref<!tpu.dma_semaphore, #tpu.memory_space<semaphore_mem>>)
    %add3A_70 = arith.constant 80 : i32
    %add3A_71 = arith.addi %add3A_58, %add3A_70 : i32
    %dma_start3A_72 = tpu.memref_slice %arg3[%add3A_71] : memref<320000xi32, #tpu.memory_space<hbm>> -> memref<80xi32, #tpu.memory_space<hbm>>
    %dma_start3A_73 = tpu.memref_slice %arg3[%add3A_71] : memref<320000xi32, #tpu.memory_space<hbm>> -> memref<80xi32, #tpu.memory_space<hbm>>
    tpu.enqueue_dma source(%dma_start3A_73 : memref<80xi32, #tpu.memory_space<hbm>>) target(%arg9 : memref<80xi32, #tpu.memory_space<vmem>>) target_semaphore(%arg18 : memref<!tpu.dma_semaphore, #tpu.memory_space<semaphore_mem>>)
    %scan3A_74 = arith.constant 0 : i32
    %scan3A_75 = arith.constant 62 : i32
    %scan3A_76 = arith.addi %scan3A_74, %scan3A_75 : i32
    %scan3A_77 = arith.constant 1 : i32
    scf.for %scan3A_222 = %scan3A_74 to %scan3A_76 step %scan3A_77  : i32 {
      %mul3A_223 = arith.constant 1 : i32
      %mul3A_224 = arith.muli %scan3A_222, %mul3A_223 : i32
      %add3A_225 = arith.constant 0 : i32
      %add3A_226 = arith.addi %add3A_225, %mul3A_224 : i32
      %mul3A_227 = arith.constant 2 : i32
      %mul3A_228 = arith.muli %mul3A_227, %add3A_226 : i32
      %dma_wait3A_229 = arith.constant 0 : i32
      %dma_wait3A_230 = tpu.memref_slice %arg3[%dma_wait3A_229] : memref<320000xi32, #tpu.memory_space<hbm>> -> memref<80xi32, #tpu.memory_space<hbm>>
      %dma_wait3A_231 = arith.constant 0 : i32
      %dma_wait3A_232 = tpu.memref_slice %arg3[%dma_wait3A_231] : memref<320000xi32, #tpu.memory_space<hbm>> -> memref<80xi32, #tpu.memory_space<hbm>>
      tpu.wait_dma2 semaphore(%arg18 : memref<!tpu.dma_semaphore, #tpu.memory_space<semaphore_mem>>) src(%dma_wait3A_232 : memref<80xi32, #tpu.memory_space<hbm>>) dst(%arg9 : memref<80xi32, #tpu.memory_space<vmem>>)
      %dma_start3A_233 = arith.constant 0 : i32
      %dma_start3A_234 = arith.constant 0 : i32
      %dma_start3A_235 = tpu.memref_slice %arg2[%dma_start3A_233, %dma_start3A_234] : memref<10000x128xf32, #tpu.memory_space<hbm>> -> memref<10000x128xf32, #tpu.memory_space<hbm>>
      tpu.enqueue_indirect_dma source(%dma_start3A_235 : memref<10000x128xf32, #tpu.memory_space<hbm>>) target(%arg12 : memref<80x128xf32, #tpu.memory_space<vmem>>) offsets(%arg9 : memref<80xi32, #tpu.memory_space<vmem>>) semaphore(%arg16 : memref<!tpu.dma_semaphore, #tpu.memory_space<semaphore_mem>>)
      %dma_wait3A_236 = arith.constant 0 : i32
      %dma_wait3A_237 = arith.constant 0 : i32
      %dma_wait3A_238 = tpu.memref_slice %arg2[%dma_wait3A_236, %dma_wait3A_237] : memref<10000x128xf32, #tpu.memory_space<hbm>> -> memref<80x128xf32, #tpu.memory_space<hbm>>
      %dma_wait3A_239 = arith.constant 0 : i32
      %dma_wait3A_240 = arith.constant 0 : i32
      %dma_wait3A_241 = tpu.memref_slice %arg2[%dma_wait3A_239, %dma_wait3A_240] : memref<10000x128xf32, #tpu.memory_space<hbm>> -> memref<80x128xf32, #tpu.memory_space<hbm>>
      tpu.wait_dma2 semaphore(%arg15 : memref<!tpu.dma_semaphore, #tpu.memory_space<semaphore_mem>>) src(%dma_wait3A_241 : memref<80x128xf32, #tpu.memory_space<hbm>>) dst(%arg11 : memref<80x128xf32, #tpu.memory_space<vmem>>)
      "tpu.region"() ({
        %run_scoped3A_304 = tpu.sem_alloc : memref<!tpu.dma_semaphore, #tpu.memory_space<semaphore_mem>>
        %dma_start3A_305 = arith.constant 0 : i32
        %dma_start3A_306 = tpu.memref_slice %arg10[%mul3A_228, %dma_start3A_305] : memref<125x80xi32, #tpu.memory_space<vmem>> -> memref<1x80xi32, #tpu.memory_space<vmem>>
        %dma_start3A_307 = tpu.memref_squeeze %dma_start3A_306 : memref<1x80xi32, #tpu.memory_space<vmem>> -> memref<80xi32, #tpu.memory_space<vmem>>
        %dma_start3A_308 = arith.constant 0 : i32
        %dma_start3A_309 = arith.constant 0 : i32
        %dma_start3A_310 = tpu.memref_slice %arg14[%dma_start3A_308, %dma_start3A_309] : memref<10000x128xf32, #tpu.memory_space<vmem_shared>> -> memref<10000x128xf32, #tpu.memory_space<vmem_shared>>
        tpu.enqueue_indirect_dma source(%arg11 : memref<80x128xf32, #tpu.memory_space<vmem>>) target(%dma_start3A_310 : memref<10000x128xf32, #tpu.memory_space<vmem_shared>>) offsets(%dma_start3A_307 : memref<80xi32, #tpu.memory_space<vmem>>) semaphore(%run_scoped3A_304 : memref<!tpu.dma_semaphore, #tpu.memory_space<semaphore_mem>>) {add = true}
        %dma_wait3A_311 = arith.constant 0 : i32
        %dma_wait3A_312 = tpu.memref_slice %arg10[%mul3A_228, %dma_wait3A_311] : memref<125x80xi32, #tpu.memory_space<vmem>> -> memref<1x80xi32, #tpu.memory_space<vmem>>
        %dma_wait3A_313 = tpu.memref_squeeze %dma_wait3A_312 : memref<1x80xi32, #tpu.memory_space<vmem>> -> memref<80xi32, #tpu.memory_space<vmem>>
        %dma_wait3A_314 = arith.constant 0 : i32
        %dma_wait3A_315 = arith.constant 0 : i32
        %dma_wait3A_316 = tpu.memref_slice %arg14[%dma_wait3A_314, %dma_wait3A_315] : memref<10000x128xf32, #tpu.memory_space<vmem_shared>> -> memref<10000x128xf32, #tpu.memory_space<vmem_shared>>
        tpu.wait_indirect_dma semaphore(%run_scoped3A_304 : memref<!tpu.dma_semaphore, #tpu.memory_space<semaphore_mem>>) src(%arg11 : memref<80x128xf32, #tpu.memory_space<vmem>>) dst(%dma_wait3A_316 : memref<10000x128xf32, #tpu.memory_space<vmem_shared>>)
        tpu.yield
      }) : () -> ()
      %get3A_242 = arith.index_cast %mul3A_228 : i32 to index
      %get3A_243 = arith.constant 0 : index
      %get3A_244 = tpu.vector_load %arg10[%get3A_242, %get3A_243] {strides = array<i32>} : memref<125x80xi32, #tpu.memory_space<vmem>>, vector<16xi32>,
      tpu.vector_store_idx %arg13[%get3A_244], %broadcast_in_dim3A_59 {add = true} : memref<10000xf32, #tpu.memory_space<vmem>>[vector<16xi32>], vector<16xf32>,
      %get3A_245 = arith.index_cast %mul3A_228 : i32 to index
      %get3A_246 = arith.constant 16 : index
      %get3A_247 = tpu.vector_load %arg10[%get3A_245, %get3A_246] {strides = array<i32>} : memref<125x80xi32, #tpu.memory_space<vmem>>, vector<16xi32>,
      tpu.vector_store_idx %arg13[%get3A_247], %broadcast_in_dim3A_59 {add = true} : memref<10000xf32, #tpu.memory_space<vmem>>[vector<16xi32>], vector<16xf32>,
      %get3A_248 = arith.index_cast %mul3A_228 : i32 to index
      %get3A_249 = arith.constant 32 : index
      %get3A_250 = tpu.vector_load %arg10[%get3A_248, %get3A_249] {strides = array<i32>} : memref<125x80xi32, #tpu.memory_space<vmem>>, vector<16xi32>,
      tpu.vector_store_idx %arg13[%get3A_250], %broadcast_in_dim3A_59 {add = true} : memref<10000xf32, #tpu.memory_space<vmem>>[vector<16xi32>], vector<16xf32>,
      %get3A_251 = arith.index_cast %mul3A_228 : i32 to index
      %get3A_252 = arith.constant 48 : index
      %get3A_253 = tpu.vector_load %arg10[%get3A_251, %get3A_252] {strides = array<i32>} : memref<125x80xi32, #tpu.memory_space<vmem>>, vector<16xi32>,
      tpu.vector_store_idx %arg13[%get3A_253], %broadcast_in_dim3A_59 {add = true} : memref<10000xf32, #tpu.memory_space<vmem>>[vector<16xi32>], vector<16xf32>,
      %get3A_254 = arith.index_cast %mul3A_228 : i32 to index
      %get3A_255 = arith.constant 64 : index
      %get3A_256 = tpu.vector_load %arg10[%get3A_254, %get3A_255] {strides = array<i32>} : memref<125x80xi32, #tpu.memory_space<vmem>>, vector<16xi32>,
      tpu.vector_store_idx %arg13[%get3A_256], %broadcast_in_dim3A_59 {add = true} : memref<10000xf32, #tpu.memory_space<vmem>>[vector<16xi32>], vector<16xf32>,
      %add3A_257 = arith.constant 2 : i32
      %add3A_258 = arith.addi %mul3A_228, %add3A_257 : i32
      %min3A = arith.constant 124 : i32
      %min3A_259 = arith.minsi %add3A_258, %min3A : i32
      %mul3A_260 = arith.constant 80 : i32
      %mul3A_261 = arith.muli %min3A_259, %mul3A_260 : i32
      %add3A_262 = arith.addi %add3A_58, %mul3A_261 : i32
      %dma_start3A_263 = tpu.memref_slice %arg3[%add3A_262] : memref<320000xi32, #tpu.memory_space<hbm>> -> memref<80xi32, #tpu.memory_space<hbm>>
      %dma_start3A_264 = tpu.memref_slice %arg3[%add3A_262] : memref<320000xi32, #tpu.memory_space<hbm>> -> memref<80xi32, #tpu.memory_space<hbm>>
      tpu.enqueue_dma source(%dma_start3A_264 : memref<80xi32, #tpu.memory_space<hbm>>) target(%arg8 : memref<80xi32, #tpu.memory_space<vmem>>) target_semaphore(%arg17 : memref<!tpu.dma_semaphore, #tpu.memory_space<semaphore_mem>>)
      %dma_wait3A_265 = arith.constant 0 : i32
      %dma_wait3A_266 = tpu.memref_slice %arg3[%dma_wait3A_265] : memref<320000xi32, #tpu.memory_space<hbm>> -> memref<80xi32, #tpu.memory_space<hbm>>
      %dma_wait3A_267 = arith.constant 0 : i32
      %dma_wait3A_268 = tpu.memref_slice %arg3[%dma_wait3A_267] : memref<320000xi32, #tpu.memory_space<hbm>> -> memref<80xi32, #tpu.memory_space<hbm>>
      tpu.wait_dma2 semaphore(%arg17 : memref<!tpu.dma_semaphore, #tpu.memory_space<semaphore_mem>>) src(%dma_wait3A_268 : memref<80xi32, #tpu.memory_space<hbm>>) dst(%arg8 : memref<80xi32, #tpu.memory_space<vmem>>)
      %dma_start3A_269 = arith.constant 0 : i32
      %dma_start3A_270 = arith.constant 0 : i32
      %dma_start3A_271 = tpu.memref_slice %arg2[%dma_start3A_269, %dma_start3A_270] : memref<10000x128xf32, #tpu.memory_space<hbm>> -> memref<10000x128xf32, #tpu.memory_space<hbm>>
      tpu.enqueue_indirect_dma source(%dma_start3A_271 : memref<10000x128xf32, #tpu.memory_space<hbm>>) target(%arg11 : memref<80x128xf32, #tpu.memory_space<vmem>>) offsets(%arg8 : memref<80xi32, #tpu.memory_space<vmem>>) semaphore(%arg15 : memref<!tpu.dma_semaphore, #tpu.memory_space<semaphore_mem>>)
      %add3A_272 = arith.constant 1 : i32
      %add3A_273 = arith.addi %mul3A_228, %add3A_272 : i32
      %dma_wait3A_274 = arith.constant 0 : i32
      %dma_wait3A_275 = arith.constant 0 : i32
      %dma_wait3A_276 = tpu.memref_slice %arg2[%dma_wait3A_274, %dma_wait3A_275] : memref<10000x128xf32, #tpu.memory_space<hbm>> -> memref<80x128xf32, #tpu.memory_space<hbm>>
      %dma_wait3A_277 = arith.constant 0 : i32
      %dma_wait3A_278 = arith.constant 0 : i32
      %dma_wait3A_279 = tpu.memref_slice %arg2[%dma_wait3A_277, %dma_wait3A_278] : memref<10000x128xf32, #tpu.memory_space<hbm>> -> memref<80x128xf32, #tpu.memory_space<hbm>>
      tpu.wait_dma2 semaphore(%arg16 : memref<!tpu.dma_semaphore, #tpu.memory_space<semaphore_mem>>) src(%dma_wait3A_279 : memref<80x128xf32, #tpu.memory_space<hbm>>) dst(%arg12 : memref<80x128xf32, #tpu.memory_space<vmem>>)
      "tpu.region"() ({
        %run_scoped3A_304 = tpu.sem_alloc : memref<!tpu.dma_semaphore, #tpu.memory_space<semaphore_mem>>
        %dma_start3A_305 = arith.constant 0 : i32
        %dma_start3A_306 = tpu.memref_slice %arg10[%add3A_273, %dma_start3A_305] : memref<125x80xi32, #tpu.memory_space<vmem>> -> memref<1x80xi32, #tpu.memory_space<vmem>>
        %dma_start3A_307 = tpu.memref_squeeze %dma_start3A_306 : memref<1x80xi32, #tpu.memory_space<vmem>> -> memref<80xi32, #tpu.memory_space<vmem>>
        %dma_start3A_308 = arith.constant 0 : i32
        %dma_start3A_309 = arith.constant 0 : i32
        %dma_start3A_310 = tpu.memref_slice %arg14[%dma_start3A_308, %dma_start3A_309] : memref<10000x128xf32, #tpu.memory_space<vmem_shared>> -> memref<10000x128xf32, #tpu.memory_space<vmem_shared>>
        tpu.enqueue_indirect_dma source(%arg12 : memref<80x128xf32, #tpu.memory_space<vmem>>) target(%dma_start3A_310 : memref<10000x128xf32, #tpu.memory_space<vmem_shared>>) offsets(%dma_start3A_307 : memref<80xi32, #tpu.memory_space<vmem>>) semaphore(%run_scoped3A_304 : memref<!tpu.dma_semaphore, #tpu.memory_space<semaphore_mem>>) {add = true}
        %dma_wait3A_311 = arith.constant 0 : i32
        %dma_wait3A_312 = tpu.memref_slice %arg10[%add3A_273, %dma_wait3A_311] : memref<125x80xi32, #tpu.memory_space<vmem>> -> memref<1x80xi32, #tpu.memory_space<vmem>>
        %dma_wait3A_313 = tpu.memref_squeeze %dma_wait3A_312 : memref<1x80xi32, #tpu.memory_space<vmem>> -> memref<80xi32, #tpu.memory_space<vmem>>
        %dma_wait3A_314 = arith.constant 0 : i32
        %dma_wait3A_315 = arith.constant 0 : i32
        %dma_wait3A_316 = tpu.memref_slice %arg14[%dma_wait3A_314, %dma_wait3A_315] : memref<10000x128xf32, #tpu.memory_space<vmem_shared>> -> memref<10000x128xf32, #tpu.memory_space<vmem_shared>>
        tpu.wait_indirect_dma semaphore(%run_scoped3A_304 : memref<!tpu.dma_semaphore, #tpu.memory_space<semaphore_mem>>) src(%arg12 : memref<80x128xf32, #tpu.memory_space<vmem>>) dst(%dma_wait3A_316 : memref<10000x128xf32, #tpu.memory_space<vmem_shared>>)
        tpu.yield
      }) : () -> ()
      %get3A_280 = arith.index_cast %add3A_273 : i32 to index
      %get3A_281 = arith.constant 0 : index
      %get3A_282 = tpu.vector_load %arg10[%get3A_280, %get3A_281] {strides = array<i32>} : memref<125x80xi32, #tpu.memory_space<vmem>>, vector<16xi32>,
      tpu.vector_store_idx %arg13[%get3A_282], %broadcast_in_dim3A_59 {add = true} : memref<10000xf32, #tpu.memory_space<vmem>>[vector<16xi32>], vector<16xf32>,
      %get3A_283 = arith.index_cast %add3A_273 : i32 to index
      %get3A_284 = arith.constant 16 : index
      %get3A_285 = tpu.vector_load %arg10[%get3A_283, %get3A_284] {strides = array<i32>} : memref<125x80xi32, #tpu.memory_space<vmem>>, vector<16xi32>,
      tpu.vector_store_idx %arg13[%get3A_285], %broadcast_in_dim3A_59 {add = true} : memref<10000xf32, #tpu.memory_space<vmem>>[vector<16xi32>], vector<16xf32>,
      %get3A_286 = arith.index_cast %add3A_273 : i32 to index
      %get3A_287 = arith.constant 32 : index
      %get3A_288 = tpu.vector_load %arg10[%get3A_286, %get3A_287] {strides = array<i32>} : memref<125x80xi32, #tpu.memory_space<vmem>>, vector<16xi32>,
      tpu.vector_store_idx %arg13[%get3A_288], %broadcast_in_dim3A_59 {add = true} : memref<10000xf32, #tpu.memory_space<vmem>>[vector<16xi32>], vector<16xf32>,
      %get3A_289 = arith.index_cast %add3A_273 : i32 to index
      %get3A_290 = arith.constant 48 : index
      %get3A_291 = tpu.vector_load %arg10[%get3A_289, %get3A_290] {strides = array<i32>} : memref<125x80xi32, #tpu.memory_space<vmem>>, vector<16xi32>,
      tpu.vector_store_idx %arg13[%get3A_291], %broadcast_in_dim3A_59 {add = true} : memref<10000xf32, #tpu.memory_space<vmem>>[vector<16xi32>], vector<16xf32>,
      %get3A_292 = arith.index_cast %add3A_273 : i32 to index
      %get3A_293 = arith.constant 64 : index
      %get3A_294 = tpu.vector_load %arg10[%get3A_292, %get3A_293] {strides = array<i32>} : memref<125x80xi32, #tpu.memory_space<vmem>>, vector<16xi32>,
      tpu.vector_store_idx %arg13[%get3A_294], %broadcast_in_dim3A_59 {add = true} : memref<10000xf32, #tpu.memory_space<vmem>>[vector<16xi32>], vector<16xf32>,
      %add3A_295 = arith.constant 3 : i32
      %add3A_296 = arith.addi %mul3A_228, %add3A_295 : i32
      %min3A_297 = arith.constant 124 : i32
      %min3A_298 = arith.minsi %add3A_296, %min3A_297 : i32
      %mul3A_299 = arith.constant 80 : i32
      %mul3A_300 = arith.muli %min3A_298, %mul3A_299 : i32
      %add3A_301 = arith.addi %add3A_58, %mul3A_300 : i32
      %dma_start3A_302 = tpu.memref_slice %arg3[%add3A_301] : memref<320000xi32, #tpu.memory_space<hbm>> -> memref<80xi32, #tpu.memory_space<hbm>>
      %dma_start3A_303 = tpu.memref_slice %arg3[%add3A_301] : memref<320000xi32, #tpu.memory_space<hbm>> -> memref<80xi32, #tpu.memory_space<hbm>>
      tpu.enqueue_dma source(%dma_start3A_303 : memref<80xi32, #tpu.memory_space<hbm>>) target(%arg9 : memref<80xi32, #tpu.memory_space<vmem>>) target_semaphore(%arg18 : memref<!tpu.dma_semaphore, #tpu.memory_space<semaphore_mem>>)
    }
    %scan3A_78 = arith.constant 62 : i32
    %dma_wait3A_79 = arith.constant 0 : i32
    %dma_wait3A_80 = arith.constant 0 : i32
    %dma_wait3A_81 = tpu.memref_slice %arg2[%dma_wait3A_79, %dma_wait3A_80] : memref<10000x128xf32, #tpu.memory_space<hbm>> -> memref<80x128xf32, #tpu.memory_space<hbm>>
    %dma_wait3A_82 = arith.constant 0 : i32
    %dma_wait3A_83 = arith.constant 0 : i32
    %dma_wait3A_84 = tpu.memref_slice %arg2[%dma_wait3A_82, %dma_wait3A_83] : memref<10000x128xf32, #tpu.memory_space<hbm>> -> memref<80x128xf32, #tpu.memory_space<hbm>>
    tpu.wait_dma2 semaphore(%arg15 : memref<!tpu.dma_semaphore, #tpu.memory_space<semaphore_mem>>) src(%dma_wait3A_84 : memref<80x128xf32, #tpu.memory_space<hbm>>) dst(%arg11 : memref<80x128xf32, #tpu.memory_space<vmem>>)
    %run_scoped3A = arith.constant 124 : i32
    "tpu.region"() ({
      %run_scoped3A_222 = tpu.sem_alloc : memref<!tpu.dma_semaphore, #tpu.memory_space<semaphore_mem>>
      %dma_start3A_223 = arith.constant 0 : i32
      %dma_start3A_224 = tpu.memref_slice %arg10[%run_scoped3A, %dma_start3A_223] : memref<125x80xi32, #tpu.memory_space<vmem>> -> memref<1x80xi32, #tpu.memory_space<vmem>>
      %dma_start3A_225 = tpu.memref_squeeze %dma_start3A_224 : memref<1x80xi32, #tpu.memory_space<vmem>> -> memref<80xi32, #tpu.memory_space<vmem>>
      %dma_start3A_226 = arith.constant 0 : i32
      %dma_start3A_227 = arith.constant 0 : i32
      %dma_start3A_228 = tpu.memref_slice %arg14[%dma_start3A_226, %dma_start3A_227] : memref<10000x128xf32, #tpu.memory_space<vmem_shared>> -> memref<10000x128xf32, #tpu.memory_space<vmem_shared>>
      tpu.enqueue_indirect_dma source(%arg11 : memref<80x128xf32, #tpu.memory_space<vmem>>) target(%dma_start3A_228 : memref<10000x128xf32, #tpu.memory_space<vmem_shared>>) offsets(%dma_start3A_225 : memref<80xi32, #tpu.memory_space<vmem>>) semaphore(%run_scoped3A_222 : memref<!tpu.dma_semaphore, #tpu.memory_space<semaphore_mem>>) {add = true}
      %dma_wait3A_229 = arith.constant 0 : i32
      %dma_wait3A_230 = tpu.memref_slice %arg10[%run_scoped3A, %dma_wait3A_229] : memref<125x80xi32, #tpu.memory_space<vmem>> -> memref<1x80xi32, #tpu.memory_space<vmem>>
      %dma_wait3A_231 = tpu.memref_squeeze %dma_wait3A_230 : memref<1x80xi32, #tpu.memory_space<vmem>> -> memref<80xi32, #tpu.memory_space<vmem>>
      %dma_wait3A_232 = arith.constant 0 : i32
      %dma_wait3A_233 = arith.constant 0 : i32
      %dma_wait3A_234 = tpu.memref_slice %arg14[%dma_wait3A_232, %dma_wait3A_233] : memref<10000x128xf32, #tpu.memory_space<vmem_shared>> -> memref<10000x128xf32, #tpu.memory_space<vmem_shared>>
      tpu.wait_indirect_dma semaphore(%run_scoped3A_222 : memref<!tpu.dma_semaphore, #tpu.memory_space<semaphore_mem>>) src(%arg11 : memref<80x128xf32, #tpu.memory_space<vmem>>) dst(%dma_wait3A_234 : memref<10000x128xf32, #tpu.memory_space<vmem_shared>>)
      tpu.yield
    }) : () -> ()
    %get3A = arith.constant 124 : i32
    %get3A_85 = arith.index_cast %get3A : i32 to index
    %get3A_86 = arith.constant 0 : index
    %get3A_87 = tpu.vector_load %arg10[%get3A_85, %get3A_86] {strides = array<i32>} : memref<125x80xi32, #tpu.memory_space<vmem>>, vector<16xi32>,
    tpu.vector_store_idx %arg13[%get3A_87], %broadcast_in_dim3A_59 {add = true} : memref<10000xf32, #tpu.memory_space<vmem>>[vector<16xi32>], vector<16xf32>,
    %get3A_88 = arith.constant 124 : i32
    %get3A_89 = arith.index_cast %get3A_88 : i32 to index
    %get3A_90 = arith.constant 16 : index
    %get3A_91 = tpu.vector_load %arg10[%get3A_89, %get3A_90] {strides = array<i32>} : memref<125x80xi32, #tpu.memory_space<vmem>>, vector<16xi32>,
    tpu.vector_store_idx %arg13[%get3A_91], %broadcast_in_dim3A_59 {add = true} : memref<10000xf32, #tpu.memory_space<vmem>>[vector<16xi32>], vector<16xf32>,
    %get3A_92 = arith.constant 124 : i32
    %get3A_93 = arith.index_cast %get3A_92 : i32 to index
    %get3A_94 = arith.constant 32 : index
    %get3A_95 = tpu.vector_load %arg10[%get3A_93, %get3A_94] {strides = array<i32>} : memref<125x80xi32, #tpu.memory_space<vmem>>, vector<16xi32>,
    tpu.vector_store_idx %arg13[%get3A_95], %broadcast_in_dim3A_59 {add = true} : memref<10000xf32, #tpu.memory_space<vmem>>[vector<16xi32>], vector<16xf32>,
    %get3A_96 = arith.constant 124 : i32
    %get3A_97 = arith.index_cast %get3A_96 : i32 to index
    %get3A_98 = arith.constant 48 : index
    %get3A_99 = tpu.vector_load %arg10[%get3A_97, %get3A_98] {strides = array<i32>} : memref<125x80xi32, #tpu.memory_space<vmem>>, vector<16xi32>,
    tpu.vector_store_idx %arg13[%get3A_99], %broadcast_in_dim3A_59 {add = true} : memref<10000xf32, #tpu.memory_space<vmem>>[vector<16xi32>], vector<16xf32>,
    %get3A_100 = arith.constant 124 : i32
    %get3A_101 = arith.index_cast %get3A_100 : i32 to index
    %get3A_102 = arith.constant 64 : index
    %get3A_103 = tpu.vector_load %arg10[%get3A_101, %get3A_102] {strides = array<i32>} : memref<125x80xi32, #tpu.memory_space<vmem>>, vector<16xi32>,
    tpu.vector_store_idx %arg13[%get3A_103], %broadcast_in_dim3A_59 {add = true} : memref<10000xf32, #tpu.memory_space<vmem>>[vector<16xi32>], vector<16xf32>,
    %dma_wait3A_104 = arith.constant 0 : i32
    %dma_wait3A_105 = tpu.memref_slice %arg3[%dma_wait3A_104] : memref<320000xi32, #tpu.memory_space<hbm>> -> memref<80xi32, #tpu.memory_space<hbm>>
    %dma_wait3A_106 = arith.constant 0 : i32
    %dma_wait3A_107 = tpu.memref_slice %arg3[%dma_wait3A_106] : memref<320000xi32, #tpu.memory_space<hbm>> -> memref<80xi32, #tpu.memory_space<hbm>>
    tpu.wait_dma2 semaphore(%arg18 : memref<!tpu.dma_semaphore, #tpu.memory_space<semaphore_mem>>) src(%dma_wait3A_107 : memref<80xi32, #tpu.memory_space<hbm>>) dst(%arg9 : memref<80xi32, #tpu.memory_space<vmem>>)
    %mul3A_108 = arith.constant 2 : i32
    %mul3A_109 = arith.muli %arg1, %mul3A_108 : i32
    %add3A_110 = arith.addi %mul3A_109, %arg0 : i32
    "tpu.region"() ({
      %run_scoped3A_222 = tpu.sem_alloc : memref<!tpu.dma_semaphore, #tpu.memory_space<semaphore_mem>>
      %dma_start3A_223 = arith.constant 0 : i32
      %dma_start3A_224 = tpu.memref_slice %arg7[%add3A_110, %dma_start3A_223] : memref<32x10000xf32, #tpu.memory_space<hbm>> -> memref<1x10000xf32, #tpu.memory_space<hbm>>
      %dma_start3A_225 = tpu.memref_squeeze %dma_start3A_224 : memref<1x10000xf32, #tpu.memory_space<hbm>> -> memref<10000xf32, #tpu.memory_space<hbm>>
      %dma_start3A_226 = arith.constant 0 : i32
      %dma_start3A_227 = tpu.memref_slice %arg7[%add3A_110, %dma_start3A_226] : memref<32x10000xf32, #tpu.memory_space<hbm>> -> memref<1x10000xf32, #tpu.memory_space<hbm>>
      %dma_start3A_228 = tpu.memref_squeeze %dma_start3A_227 : memref<1x10000xf32, #tpu.memory_space<hbm>> -> memref<10000xf32, #tpu.memory_space<hbm>>
      tpu.enqueue_dma source(%arg13 : memref<10000xf32, #tpu.memory_space<vmem>>) target(%dma_start3A_228 : memref<10000xf32, #tpu.memory_space<hbm>>) target_semaphore(%run_scoped3A_222 : memref<!tpu.dma_semaphore, #tpu.memory_space<semaphore_mem>>)
      %dma_wait3A_229 = arith.constant 0 : i32
      %dma_wait3A_230 = tpu.memref_slice %arg7[%add3A_110, %dma_wait3A_229] : memref<32x10000xf32, #tpu.memory_space<hbm>> -> memref<1x10000xf32, #tpu.memory_space<hbm>>
      %dma_wait3A_231 = tpu.memref_squeeze %dma_wait3A_230 : memref<1x10000xf32, #tpu.memory_space<hbm>> -> memref<10000xf32, #tpu.memory_space<hbm>>
      %dma_wait3A_232 = arith.constant 0 : i32
      %dma_wait3A_233 = tpu.memref_slice %arg7[%add3A_110, %dma_wait3A_232] : memref<32x10000xf32, #tpu.memory_space<hbm>> -> memref<1x10000xf32, #tpu.memory_space<hbm>>
      %dma_wait3A_234 = tpu.memref_squeeze %dma_wait3A_233 : memref<1x10000xf32, #tpu.memory_space<hbm>> -> memref<10000xf32, #tpu.memory_space<hbm>>
      tpu.wait_dma2 semaphore(%run_scoped3A_222 : memref<!tpu.dma_semaphore, #tpu.memory_space<semaphore_mem>>) src(%arg13 : memref<10000xf32, #tpu.memory_space<vmem>>) dst(%dma_wait3A_234 : memref<10000xf32, #tpu.memory_space<hbm>>)
      tpu.yield
    }) : () -> ()
    %barrier3A_111 = arith.constant 0 : index
    tpu.barrier barrier_id(%barrier3A_111)
    %dma_start3A_112 = arith.constant 0 : i32
    %dma_start3A_113 = tpu.memref_slice %arg14[%mul3A_2, %dma_start3A_112] : memref<10000x128xf32, #tpu.memory_space<vmem_shared>> -> memref<80x128xf32, #tpu.memory_space<vmem_shared>>
    %dma_start3A_114 = arith.constant 0 : i32
    %dma_start3A_115 = tpu.memref_slice %arg14[%mul3A_2, %dma_start3A_114] : memref<10000x128xf32, #tpu.memory_space<vmem_shared>> -> memref<80x128xf32, #tpu.memory_space<vmem_shared>>
    tpu.enqueue_dma source(%dma_start3A_115 : memref<80x128xf32, #tpu.memory_space<vmem_shared>>) target(%arg11 : memref<80x128xf32, #tpu.memory_space<vmem>>) target_semaphore(%arg15 : memref<!tpu.dma_semaphore, #tpu.memory_space<semaphore_mem>>)
    %add3A_116 = arith.constant 80 : i32
    %add3A_117 = arith.addi %mul3A_2, %add3A_116 : i32
    %dma_start3A_118 = arith.constant 0 : i32
    %dma_start3A_119 = tpu.memref_slice %arg14[%add3A_117, %dma_start3A_118] : memref<10000x128xf32, #tpu.memory_space<vmem_shared>> -> memref<80x128xf32, #tpu.memory_space<vmem_shared>>
    %dma_start3A_120 = arith.constant 0 : i32
    %dma_start3A_121 = tpu.memref_slice %arg14[%add3A_117, %dma_start3A_120] : memref<10000x128xf32, #tpu.memory_space<vmem_shared>> -> memref<80x128xf32, #tpu.memory_space<vmem_shared>>
    tpu.enqueue_dma source(%dma_start3A_121 : memref<80x128xf32, #tpu.memory_space<vmem_shared>>) target(%arg12 : memref<80x128xf32, #tpu.memory_space<vmem>>) target_semaphore(%arg16 : memref<!tpu.dma_semaphore, #tpu.memory_space<semaphore_mem>>)
    %add3A_122 = arith.constant 0 : i32
    %add3A_123 = arith.addi %mul3A_2, %add3A_122 : i32
    tpu.wait_dma2 semaphore(%arg15 : memref<!tpu.dma_semaphore, #tpu.memory_space<semaphore_mem>>) src(%arg5 : memref<80x128xf32, #tpu.memory_space<hbm>>) dst(%arg11 : memref<80x128xf32, #tpu.memory_space<vmem>>)
    %dma_start3A_124 = arith.constant 0 : i32
    %dma_start3A_125 = tpu.memref_slice %arg6[%arg0, %add3A_123, %dma_start3A_124] : memref<2x10000x128xf32, #tpu.memory_space<hbm>> -> memref<1x80x128xf32, #tpu.memory_space<hbm>>
    %dma_start3A_126 = tpu.memref_squeeze %dma_start3A_125 : memref<1x80x128xf32, #tpu.memory_space<hbm>> -> memref<80x128xf32, #tpu.memory_space<hbm>>
    %dma_start3A_127 = arith.constant 0 : i32
    %dma_start3A_128 = tpu.memref_slice %arg6[%arg0, %add3A_123, %dma_start3A_127] : memref<2x10000x128xf32, #tpu.memory_space<hbm>> -> memref<1x80x128xf32, #tpu.memory_space<hbm>>
    %dma_start3A_129 = tpu.memref_squeeze %dma_start3A_128 : memref<1x80x128xf32, #tpu.memory_space<hbm>> -> memref<80x128xf32, #tpu.memory_space<hbm>>
    tpu.enqueue_dma source(%arg11 : memref<80x128xf32, #tpu.memory_space<vmem>>) target(%dma_start3A_129 : memref<80x128xf32, #tpu.memory_space<hbm>>) target_semaphore(%arg19 : memref<!tpu.dma_semaphore, #tpu.memory_space<semaphore_mem>>)
    tpu.wait_dma2 semaphore(%arg19 : memref<!tpu.dma_semaphore, #tpu.memory_space<semaphore_mem>>) src(%arg5 : memref<80x128xf32, #tpu.memory_space<hbm>>) dst(%arg11 : memref<80x128xf32, #tpu.memory_space<vmem>>)
    %add3A_130 = arith.constant 160 : i32
    %add3A_131 = arith.addi %add3A_123, %add3A_130 : i32
    %dma_start3A_132 = arith.constant 0 : i32
    %dma_start3A_133 = tpu.memref_slice %arg14[%add3A_131, %dma_start3A_132] : memref<10000x128xf32, #tpu.memory_space<vmem_shared>> -> memref<80x128xf32, #tpu.memory_space<vmem_shared>>
    %dma_start3A_134 = arith.constant 0 : i32
    %dma_start3A_135 = tpu.memref_slice %arg14[%add3A_131, %dma_start3A_134] : memref<10000x128xf32, #tpu.memory_space<vmem_shared>> -> memref<80x128xf32, #tpu.memory_space<vmem_shared>>
    tpu.enqueue_dma source(%dma_start3A_135 : memref<80x128xf32, #tpu.memory_space<vmem_shared>>) target(%arg11 : memref<80x128xf32, #tpu.memory_space<vmem>>) target_semaphore(%arg15 : memref<!tpu.dma_semaphore, #tpu.memory_space<semaphore_mem>>)
    %add3A_136 = arith.constant 80 : i32
    %add3A_137 = arith.addi %mul3A_2, %add3A_136 : i32
    tpu.wait_dma2 semaphore(%arg16 : memref<!tpu.dma_semaphore, #tpu.memory_space<semaphore_mem>>) src(%arg5 : memref<80x128xf32, #tpu.memory_space<hbm>>) dst(%arg12 : memref<80x128xf32, #tpu.memory_space<vmem>>)
    %dma_start3A_138 = arith.constant 0 : i32
    %dma_start3A_139 = tpu.memref_slice %arg6[%arg0, %add3A_137, %dma_start3A_138] : memref<2x10000x128xf32, #tpu.memory_space<hbm>> -> memref<1x80x128xf32, #tpu.memory_space<hbm>>
    %dma_start3A_140 = tpu.memref_squeeze %dma_start3A_139 : memref<1x80x128xf32, #tpu.memory_space<hbm>> -> memref<80x128xf32, #tpu.memory_space<hbm>>
    %dma_start3A_141 = arith.constant 0 : i32
    %dma_start3A_142 = tpu.memref_slice %arg6[%arg0, %add3A_137, %dma_start3A_141] : memref<2x10000x128xf32, #tpu.memory_space<hbm>> -> memref<1x80x128xf32, #tpu.memory_space<hbm>>
    %dma_start3A_143 = tpu.memref_squeeze %dma_start3A_142 : memref<1x80x128xf32, #tpu.memory_space<hbm>> -> memref<80x128xf32, #tpu.memory_space<hbm>>
    tpu.enqueue_dma source(%arg12 : memref<80x128xf32, #tpu.memory_space<vmem>>) target(%dma_start3A_143 : memref<80x128xf32, #tpu.memory_space<hbm>>) target_semaphore(%arg20 : memref<!tpu.dma_semaphore, #tpu.memory_space<semaphore_mem>>)
    tpu.wait_dma2 semaphore(%arg20 : memref<!tpu.dma_semaphore, #tpu.memory_space<semaphore_mem>>) src(%arg5 : memref<80x128xf32, #tpu.memory_space<hbm>>) dst(%arg12 : memref<80x128xf32, #tpu.memory_space<vmem>>)
    %add3A_144 = arith.constant 160 : i32
    %add3A_145 = arith.addi %add3A_137, %add3A_144 : i32
    %dma_start3A_146 = arith.constant 0 : i32
    %dma_start3A_147 = tpu.memref_slice %arg14[%add3A_145, %dma_start3A_146] : memref<10000x128xf32, #tpu.memory_space<vmem_shared>> -> memref<80x128xf32, #tpu.memory_space<vmem_shared>>
    %dma_start3A_148 = arith.constant 0 : i32
    %dma_start3A_149 = tpu.memref_slice %arg14[%add3A_145, %dma_start3A_148] : memref<10000x128xf32, #tpu.memory_space<vmem_shared>> -> memref<80x128xf32, #tpu.memory_space<vmem_shared>>
    tpu.enqueue_dma source(%dma_start3A_149 : memref<80x128xf32, #tpu.memory_space<vmem_shared>>) target(%arg12 : memref<80x128xf32, #tpu.memory_space<vmem>>) target_semaphore(%arg16 : memref<!tpu.dma_semaphore, #tpu.memory_space<semaphore_mem>>)
    %add3A_150 = arith.constant 160 : i32
    %add3A_151 = arith.addi %mul3A_2, %add3A_150 : i32
    tpu.wait_dma2 semaphore(%arg15 : memref<!tpu.dma_semaphore, #tpu.memory_space<semaphore_mem>>) src(%arg5 : memref<80x128xf32, #tpu.memory_space<hbm>>) dst(%arg11 : memref<80x128xf32, #tpu.memory_space<vmem>>)
    %dma_start3A_152 = arith.constant 0 : i32
    %dma_start3A_153 = tpu.memref_slice %arg6[%arg0, %add3A_151, %dma_start3A_152] : memref<2x10000x128xf32, #tpu.memory_space<hbm>> -> memref<1x80x128xf32, #tpu.memory_space<hbm>>
    %dma_start3A_154 = tpu.memref_squeeze %dma_start3A_153 : memref<1x80x128xf32, #tpu.memory_space<hbm>> -> memref<80x128xf32, #tpu.memory_space<hbm>>
    %dma_start3A_155 = arith.constant 0 : i32
    %dma_start3A_156 = tpu.memref_slice %arg6[%arg0, %add3A_151, %dma_start3A_155] : memref<2x10000x128xf32, #tpu.memory_space<hbm>> -> memref<1x80x128xf32, #tpu.memory_space<hbm>>
    %dma_start3A_157 = tpu.memref_squeeze %dma_start3A_156 : memref<1x80x128xf32, #tpu.memory_space<hbm>> -> memref<80x128xf32, #tpu.memory_space<hbm>>
    tpu.enqueue_dma source(%arg11 : memref<80x128xf32, #tpu.memory_space<vmem>>) target(%dma_start3A_157 : memref<80x128xf32, #tpu.memory_space<hbm>>) target_semaphore(%arg19 : memref<!tpu.dma_semaphore, #tpu.memory_space<semaphore_mem>>)
    tpu.wait_dma2 semaphore(%arg19 : memref<!tpu.dma_semaphore, #tpu.memory_space<semaphore_mem>>) src(%arg5 : memref<80x128xf32, #tpu.memory_space<hbm>>) dst(%arg11 : memref<80x128xf32, #tpu.memory_space<vmem>>)
    %add3A_158 = arith.constant 160 : i32
    %add3A_159 = arith.addi %add3A_151, %add3A_158 : i32
    %dma_start3A_160 = arith.constant 0 : i32
    %dma_start3A_161 = tpu.memref_slice %arg14[%add3A_159, %dma_start3A_160] : memref<10000x128xf32, #tpu.memory_space<vmem_shared>> -> memref<80x128xf32, #tpu.memory_space<vmem_shared>>
    %dma_start3A_162 = arith.constant 0 : i32
    %dma_start3A_163 = tpu.memref_slice %arg14[%add3A_159, %dma_start3A_162] : memref<10000x128xf32, #tpu.memory_space<vmem_shared>> -> memref<80x128xf32, #tpu.memory_space<vmem_shared>>
    tpu.enqueue_dma source(%dma_start3A_163 : memref<80x128xf32, #tpu.memory_space<vmem_shared>>) target(%arg11 : memref<80x128xf32, #tpu.memory_space<vmem>>) target_semaphore(%arg15 : memref<!tpu.dma_semaphore, #tpu.memory_space<semaphore_mem>>)
    %add3A_164 = arith.constant 240 : i32
    %add3A_165 = arith.addi %mul3A_2, %add3A_164 : i32
    tpu.wait_dma2 semaphore(%arg16 : memref<!tpu.dma_semaphore, #tpu.memory_space<semaphore_mem>>) src(%arg5 : memref<80x128xf32, #tpu.memory_space<hbm>>) dst(%arg12 : memref<80x128xf32, #tpu.memory_space<vmem>>)
    %dma_start3A_166 = arith.constant 0 : i32
    %dma_start3A_167 = tpu.memref_slice %arg6[%arg0, %add3A_165, %dma_start3A_166] : memref<2x10000x128xf32, #tpu.memory_space<hbm>> -> memref<1x80x128xf32, #tpu.memory_space<hbm>>
    %dma_start3A_168 = tpu.memref_squeeze %dma_start3A_167 : memref<1x80x128xf32, #tpu.memory_space<hbm>> -> memref<80x128xf32, #tpu.memory_space<hbm>>
    %dma_start3A_169 = arith.constant 0 : i32
    %dma_start3A_170 = tpu.memref_slice %arg6[%arg0, %add3A_165, %dma_start3A_169] : memref<2x10000x128xf32, #tpu.memory_space<hbm>> -> memref<1x80x128xf32, #tpu.memory_space<hbm>>
    %dma_start3A_171 = tpu.memref_squeeze %dma_start3A_170 : memref<1x80x128xf32, #tpu.memory_space<hbm>> -> memref<80x128xf32, #tpu.memory_space<hbm>>
    tpu.enqueue_dma source(%arg12 : memref<80x128xf32, #tpu.memory_space<vmem>>) target(%dma_start3A_171 : memref<80x128xf32, #tpu.memory_space<hbm>>) target_semaphore(%arg20 : memref<!tpu.dma_semaphore, #tpu.memory_space<semaphore_mem>>)
    tpu.wait_dma2 semaphore(%arg20 : memref<!tpu.dma_semaphore, #tpu.memory_space<semaphore_mem>>) src(%arg5 : memref<80x128xf32, #tpu.memory_space<hbm>>) dst(%arg12 : memref<80x128xf32, #tpu.memory_space<vmem>>)
    %add3A_172 = arith.constant 160 : i32
    %add3A_173 = arith.addi %add3A_165, %add3A_172 : i32
    %dma_start3A_174 = arith.constant 0 : i32
    %dma_start3A_175 = tpu.memref_slice %arg14[%add3A_173, %dma_start3A_174] : memref<10000x128xf32, #tpu.memory_space<vmem_shared>> -> memref<80x128xf32, #tpu.memory_space<vmem_shared>>
    %dma_start3A_176 = arith.constant 0 : i32
    %dma_start3A_177 = tpu.memref_slice %arg14[%add3A_173, %dma_start3A_176] : memref<10000x128xf32, #tpu.memory_space<vmem_shared>> -> memref<80x128xf32, #tpu.memory_space<vmem_shared>>
    tpu.enqueue_dma source(%dma_start3A_177 : memref<80x128xf32, #tpu.memory_space<vmem_shared>>) target(%arg12 : memref<80x128xf32, #tpu.memory_space<vmem>>) target_semaphore(%arg16 : memref<!tpu.dma_semaphore, #tpu.memory_space<semaphore_mem>>)
    %add3A_178 = arith.constant 320 : i32
    %add3A_179 = arith.addi %mul3A_2, %add3A_178 : i32
    tpu.wait_dma2 semaphore(%arg15 : memref<!tpu.dma_semaphore, #tpu.memory_space<semaphore_mem>>) src(%arg5 : memref<80x128xf32, #tpu.memory_space<hbm>>) dst(%arg11 : memref<80x128xf32, #tpu.memory_space<vmem>>)
    %dma_start3A_180 = arith.constant 0 : i32
    %dma_start3A_181 = tpu.memref_slice %arg6[%arg0, %add3A_179, %dma_start3A_180] : memref<2x10000x128xf32, #tpu.memory_space<hbm>> -> memref<1x80x128xf32, #tpu.memory_space<hbm>>
    %dma_start3A_182 = tpu.memref_squeeze %dma_start3A_181 : memref<1x80x128xf32, #tpu.memory_space<hbm>> -> memref<80x128xf32, #tpu.memory_space<hbm>>
    %dma_start3A_183 = arith.constant 0 : i32
    %dma_start3A_184 = tpu.memref_slice %arg6[%arg0, %add3A_179, %dma_start3A_183] : memref<2x10000x128xf32, #tpu.memory_space<hbm>> -> memref<1x80x128xf32, #tpu.memory_space<hbm>>
    %dma_start3A_185 = tpu.memref_squeeze %dma_start3A_184 : memref<1x80x128xf32, #tpu.memory_space<hbm>> -> memref<80x128xf32, #tpu.memory_space<hbm>>
    tpu.enqueue_dma source(%arg11 : memref<80x128xf32, #tpu.memory_space<vmem>>) target(%dma_start3A_185 : memref<80x128xf32, #tpu.memory_space<hbm>>) target_semaphore(%arg19 : memref<!tpu.dma_semaphore, #tpu.memory_space<semaphore_mem>>)
    tpu.wait_dma2 semaphore(%arg19 : memref<!tpu.dma_semaphore, #tpu.memory_space<semaphore_mem>>) src(%arg5 : memref<80x128xf32, #tpu.memory_space<hbm>>) dst(%arg11 : memref<80x128xf32, #tpu.memory_space<vmem>>)
    %add3A_186 = arith.constant 160 : i32
    %add3A_187 = arith.addi %add3A_179, %add3A_186 : i32
    %dma_start3A_188 = arith.constant 0 : i32
    %dma_start3A_189 = tpu.memref_slice %arg14[%add3A_187, %dma_start3A_188] : memref<10000x128xf32, #tpu.memory_space<vmem_shared>> -> memref<80x128xf32, #tpu.memory_space<vmem_shared>>
    %dma_start3A_190 = arith.constant 0 : i32
    %dma_start3A_191 = tpu.memref_slice %arg14[%add3A_187, %dma_start3A_190] : memref<10000x128xf32, #tpu.memory_space<vmem_shared>> -> memref<80x128xf32, #tpu.memory_space<vmem_shared>>
    tpu.enqueue_dma source(%dma_start3A_191 : memref<80x128xf32, #tpu.memory_space<vmem_shared>>) target(%arg11 : memref<80x128xf32, #tpu.memory_space<vmem>>) target_semaphore(%arg15 : memref<!tpu.dma_semaphore, #tpu.memory_space<semaphore_mem>>)
    %add3A_192 = arith.constant 400 : i32
    %add3A_193 = arith.addi %mul3A_2, %add3A_192 : i32
    tpu.wait_dma2 semaphore(%arg16 : memref<!tpu.dma_semaphore, #tpu.memory_space<semaphore_mem>>) src(%arg5 : memref<80x128xf32, #tpu.memory_space<hbm>>) dst(%arg12 : memref<80x128xf32, #tpu.memory_space<vmem>>)
    %dma_start3A_194 = arith.constant 0 : i32
    %dma_start3A_195 = tpu.memref_slice %arg6[%arg0, %add3A_193, %dma_start3A_194] : memref<2x10000x128xf32, #tpu.memory_space<hbm>> -> memref<1x80x128xf32, #tpu.memory_space<hbm>>
    %dma_start3A_196 = tpu.memref_squeeze %dma_start3A_195 : memref<1x80x128xf32, #tpu.memory_space<hbm>> -> memref<80x128xf32, #tpu.memory_space<hbm>>
    %dma_start3A_197 = arith.constant 0 : i32
    %dma_start3A_198 = tpu.memref_slice %arg6[%arg0, %add3A_193, %dma_start3A_197] : memref<2x10000x128xf32, #tpu.memory_space<hbm>> -> memref<1x80x128xf32, #tpu.memory_space<hbm>>
    %dma_start3A_199 = tpu.memref_squeeze %dma_start3A_198 : memref<1x80x128xf32, #tpu.memory_space<hbm>> -> memref<80x128xf32, #tpu.memory_space<hbm>>
    tpu.enqueue_dma source(%arg12 : memref<80x128xf32, #tpu.memory_space<vmem>>) target(%dma_start3A_199 : memref<80x128xf32, #tpu.memory_space<hbm>>) target_semaphore(%arg20 : memref<!tpu.dma_semaphore, #tpu.memory_space<semaphore_mem>>)
    tpu.wait_dma2 semaphore(%arg20 : memref<!tpu.dma_semaphore, #tpu.memory_space<semaphore_mem>>) src(%arg5 : memref<80x128xf32, #tpu.memory_space<hbm>>) dst(%arg12 : memref<80x128xf32, #tpu.memory_space<vmem>>)
    %add3A_200 = arith.constant 160 : i32
    %add3A_201 = arith.addi %add3A_193, %add3A_200 : i32
    %dma_start3A_202 = arith.constant 0 : i32
    %dma_start3A_203 = tpu.memref_slice %arg14[%add3A_201, %dma_start3A_202] : memref<10000x128xf32, #tpu.memory_space<vmem_shared>> -> memref<80x128xf32, #tpu.memory_space<vmem_shared>>
    %dma_start3A_204 = arith.constant 0 : i32
    %dma_start3A_205 = tpu.memref_slice %arg14[%add3A_201, %dma_start3A_204] : memref<10000x128xf32, #tpu.memory_space<vmem_shared>> -> memref<80x128xf32, #tpu.memory_space<vmem_shared>>
    tpu.enqueue_dma source(%dma_start3A_205 : memref<80x128xf32, #tpu.memory_space<vmem_shared>>) target(%arg12 : memref<80x128xf32, #tpu.memory_space<vmem>>) target_semaphore(%arg16 : memref<!tpu.dma_semaphore, #tpu.memory_space<semaphore_mem>>)
    %add3A_206 = arith.constant 480 : i32
    %add3A_207 = arith.addi %mul3A_2, %add3A_206 : i32
    tpu.wait_dma2 semaphore(%arg15 : memref<!tpu.dma_semaphore, #tpu.memory_space<semaphore_mem>>) src(%arg5 : memref<80x128xf32, #tpu.memory_space<hbm>>) dst(%arg11 : memref<80x128xf32, #tpu.memory_space<vmem>>)
    %dma_start3A_208 = arith.constant 0 : i32
    %dma_start3A_209 = tpu.memref_slice %arg6[%arg0, %add3A_207, %dma_start3A_208] : memref<2x10000x128xf32, #tpu.memory_space<hbm>> -> memref<1x80x128xf32, #tpu.memory_space<hbm>>
    %dma_start3A_210 = tpu.memref_squeeze %dma_start3A_209 : memref<1x80x128xf32, #tpu.memory_space<hbm>> -> memref<80x128xf32, #tpu.memory_space<hbm>>
    %dma_start3A_211 = arith.constant 0 : i32
    %dma_start3A_212 = tpu.memref_slice %arg6[%arg0, %add3A_207, %dma_start3A_211] : memref<2x10000x128xf32, #tpu.memory_space<hbm>> -> memref<1x80x128xf32, #tpu.memory_space<hbm>>
    %dma_start3A_213 = tpu.memref_squeeze %dma_start3A_212 : memref<1x80x128xf32, #tpu.memory_space<hbm>> -> memref<80x128xf32, #tpu.memory_space<hbm>>
    tpu.enqueue_dma source(%arg11 : memref<80x128xf32, #tpu.memory_space<vmem>>) target(%dma_start3A_213 : memref<80x128xf32, #tpu.memory_space<hbm>>) target_semaphore(%arg19 : memref<!tpu.dma_semaphore, #tpu.memory_space<semaphore_mem>>)
    %add3A_214 = arith.constant 560 : i32
    %add3A_215 = arith.addi %mul3A_2, %add3A_214 : i32
    tpu.wait_dma2 semaphore(%arg16 : memref<!tpu.dma_semaphore, #tpu.memory_space<semaphore_mem>>) src(%arg5 : memref<80x128xf32, #tpu.memory_space<hbm>>) dst(%arg12 : memref<80x128xf32, #tpu.memory_space<vmem>>)
    %dma_start3A_216 = arith.constant 0 : i32
    %dma_start3A_217 = tpu.memref_slice %arg6[%arg0, %add3A_215, %dma_start3A_216] : memref<2x10000x128xf32, #tpu.memory_space<hbm>> -> memref<1x80x128xf32, #tpu.memory_space<hbm>>
    %dma_start3A_218 = tpu.memref_squeeze %dma_start3A_217 : memref<1x80x128xf32, #tpu.memory_space<hbm>> -> memref<80x128xf32, #tpu.memory_space<hbm>>
    %dma_start3A_219 = arith.constant 0 : i32
    %dma_start3A_220 = tpu.memref_slice %arg6[%arg0, %add3A_215, %dma_start3A_219] : memref<2x10000x128xf32, #tpu.memory_space<hbm>> -> memref<1x80x128xf32, #tpu.memory_space<hbm>>
    %dma_start3A_221 = tpu.memref_squeeze %dma_start3A_220 : memref<1x80x128xf32, #tpu.memory_space<hbm>> -> memref<80x128xf32, #tpu.memory_space<hbm>>
    tpu.enqueue_dma source(%arg12 : memref<80x128xf32, #tpu.memory_space<vmem>>) target(%dma_start3A_221 : memref<80x128xf32, #tpu.memory_space<hbm>>) target_semaphore(%arg20 : memref<!tpu.dma_semaphore, #tpu.memory_space<semaphore_mem>>)
    tpu.wait_dma2 semaphore(%arg19 : memref<!tpu.dma_semaphore, #tpu.memory_space<semaphore_mem>>) src(%arg5 : memref<80x128xf32, #tpu.memory_space<hbm>>) dst(%arg11 : memref<80x128xf32, #tpu.memory_space<vmem>>)
    tpu.wait_dma2 semaphore(%arg20 : memref<!tpu.dma_semaphore, #tpu.memory_space<semaphore_mem>>) src(%arg5 : memref<80x128xf32, #tpu.memory_space<hbm>>) dst(%arg12 : memref<80x128xf32, #tpu.memory_space<vmem>>)
    return
  }
}

#map = affine_map<(d0, d1) -> (0, 0)>
#map1 = affine_map<(d0, d1) -> (0)>
#map2 = affine_map<(d0, d1) -> (0, 0, 0)>
module attributes {stable_mosaic.version = 14 : i64} {
  func.func @k(%arg0: i32, %arg1: i32, %arg2: memref<10000x128xf32, #tpu.memory_space<hbm>>, %arg3: memref<10000xi32, #tpu.memory_space<hbm>>, %arg4: memref<32x128x128xf32, #tpu.memory_space<hbm>>, %arg5: memref<320x128xf32, #tpu.memory_space<vmem>>, %arg6: memref<128x128xf32, #tpu.memory_space<vmem>>, %arg7: memref<320xi32, #tpu.memory_space<vmem>>) attributes {dimension_semantics = [#tpu.dimension_semantics<core_parallel>, #tpu.dimension_semantics<subcore_parallel>], iteration_bounds = array<i64: 2, 16>, scalar_prefetch = 0 : i64, scratch_operands = 3 : i64, tpu.core_type = #tpu.core_type<sc_vector_subcore>, window_params = [{transform_indices = #map}, {transform_indices = #map1}, {transform_indices = #map2}]} {
    %mul3A = arith.constant 2 : i32
    %mul3A_0 = arith.muli %arg1, %mul3A : i32
    %add3A = arith.addi %mul3A_0, %arg0 : i32
    %scan3A = arith.constant 0 : i32
    %scan3A_1 = arith.constant 128 : i32
    %scan3A_2 = arith.addi %scan3A, %scan3A_1 : i32
    %scan3A_3 = arith.constant 1 : i32
    scf.for %scan3A_21 = %scan3A to %scan3A_2 step %scan3A_3  : i32 {
      %mul3A_22 = arith.constant 1 : i32
      %mul3A_23 = arith.muli %scan3A_21, %mul3A_22 : i32
      %add3A_24 = arith.constant 0 : i32
      %add3A_25 = arith.addi %add3A_24, %mul3A_23 : i32
      %scan3A_26 = arith.constant 0 : i32
      %scan3A_27 = arith.constant 8 : i32
      %scan3A_28 = arith.addi %scan3A_26, %scan3A_27 : i32
      %scan3A_29 = arith.constant 1 : i32
      scf.for %scan3A_31 = %scan3A_26 to %scan3A_28 step %scan3A_29  : i32 {
        %mul3A_32 = arith.constant 1 : i32
        %mul3A_33 = arith.muli %scan3A_31, %mul3A_32 : i32
        %add3A_34 = arith.constant 0 : i32
        %add3A_35 = arith.addi %add3A_34, %mul3A_33 : i32
        %broadcast_in_dim3A = arith.constant 0xFF800000 : f32
        %broadcast_in_dim3A_36 = vector.broadcast %broadcast_in_dim3A : f32 to vector<16xf32>
        %mul3A_37 = arith.constant 16 : i32
        %mul3A_38 = arith.muli %add3A_35, %mul3A_37 : i32
        %swap3A = arith.index_cast %add3A_25 : i32 to index
        %swap3A_39 = arith.index_cast %mul3A_38 : i32 to index
        %swap3A_40 = tpu.vector_load %arg6[%swap3A, %swap3A_39] {strides = array<i32>} : memref<128x128xf32, #tpu.memory_space<vmem>>, vector<1x16xf32>,
        %swap3A_41 = vector.shape_cast %swap3A_40 : vector<1x16xf32> to vector<16xf32>
        %swap3A_42 = vector.shape_cast %broadcast_in_dim3A_36 : vector<16xf32> to vector<1x16xf32>
        tpu.vector_store %arg6[%swap3A, %swap3A_39], %swap3A_42 {strides = array<i32>} : memref<128x128xf32, #tpu.memory_space<vmem>>, vector<1x16xf32>,
      }
      %scan3A_30 = arith.constant 8 : i32
    }
    %scan3A_4 = arith.constant 128 : i32
    %mul3A_5 = arith.constant 5 : i32
    %mul3A_6 = arith.muli %add3A, %mul3A_5 : i32
    %min3A = arith.constant 151 : i32
    %min3A_7 = arith.minsi %mul3A_6, %min3A : i32
    %mul3A_8 = arith.constant 8 : i32
    %mul3A_9 = arith.muli %mul3A_8, %min3A_7 : i32
    %mul3A_10 = arith.constant 8 : i32
    %mul3A_11 = arith.muli %mul3A_9, %mul3A_10 : i32
    "tpu.region"() ({
      %run_scoped3A = tpu.sem_alloc : memref<!tpu.dma_semaphore, #tpu.memory_space<semaphore_mem>>
      %dma_start3A = arith.constant 0 : i32
      %dma_start3A_21 = tpu.memref_slice %arg2[%mul3A_11, %dma_start3A] : memref<10000x128xf32, #tpu.memory_space<hbm>> -> memref<320x128xf32, #tpu.memory_space<hbm>>
      %dma_start3A_22 = arith.constant 0 : i32
      %dma_start3A_23 = tpu.memref_slice %arg2[%mul3A_11, %dma_start3A_22] : memref<10000x128xf32, #tpu.memory_space<hbm>> -> memref<320x128xf32, #tpu.memory_space<hbm>>
      tpu.enqueue_dma source(%dma_start3A_23 : memref<320x128xf32, #tpu.memory_space<hbm>>) target(%arg5 : memref<320x128xf32, #tpu.memory_space<vmem>>) target_semaphore(%run_scoped3A : memref<!tpu.dma_semaphore, #tpu.memory_space<semaphore_mem>>)
      %dma_wait3A = arith.constant 0 : i32
      %dma_wait3A_24 = tpu.memref_slice %arg2[%mul3A_11, %dma_wait3A] : memref<10000x128xf32, #tpu.memory_space<hbm>> -> memref<320x128xf32, #tpu.memory_space<hbm>>
      %dma_wait3A_25 = arith.constant 0 : i32
      %dma_wait3A_26 = tpu.memref_slice %arg2[%mul3A_11, %dma_wait3A_25] : memref<10000x128xf32, #tpu.memory_space<hbm>> -> memref<320x128xf32, #tpu.memory_space<hbm>>
      tpu.wait_dma2 semaphore(%run_scoped3A : memref<!tpu.dma_semaphore, #tpu.memory_space<semaphore_mem>>) src(%dma_wait3A_26 : memref<320x128xf32, #tpu.memory_space<hbm>>) dst(%arg5 : memref<320x128xf32, #tpu.memory_space<vmem>>)
      tpu.yield
    }) : () -> ()
    %mul3A_12 = arith.constant 8 : i32
    %mul3A_13 = arith.muli %mul3A_9, %mul3A_12 : i32
    "tpu.region"() ({
      %run_scoped3A = tpu.sem_alloc : memref<!tpu.dma_semaphore, #tpu.memory_space<semaphore_mem>>
      %dma_start3A = tpu.memref_slice %arg3[%mul3A_13] : memref<10000xi32, #tpu.memory_space<hbm>> -> memref<320xi32, #tpu.memory_space<hbm>>
      %dma_start3A_21 = tpu.memref_slice %arg3[%mul3A_13] : memref<10000xi32, #tpu.memory_space<hbm>> -> memref<320xi32, #tpu.memory_space<hbm>>
      tpu.enqueue_dma source(%dma_start3A_21 : memref<320xi32, #tpu.memory_space<hbm>>) target(%arg7 : memref<320xi32, #tpu.memory_space<vmem>>) target_semaphore(%run_scoped3A : memref<!tpu.dma_semaphore, #tpu.memory_space<semaphore_mem>>)
      %dma_wait3A = tpu.memref_slice %arg3[%mul3A_13] : memref<10000xi32, #tpu.memory_space<hbm>> -> memref<320xi32, #tpu.memory_space<hbm>>
      %dma_wait3A_22 = tpu.memref_slice %arg3[%mul3A_13] : memref<10000xi32, #tpu.memory_space<hbm>> -> memref<320xi32, #tpu.memory_space<hbm>>
      tpu.wait_dma2 semaphore(%run_scoped3A : memref<!tpu.dma_semaphore, #tpu.memory_space<semaphore_mem>>) src(%dma_wait3A_22 : memref<320xi32, #tpu.memory_space<hbm>>) dst(%arg7 : memref<320xi32, #tpu.memory_space<vmem>>)
      tpu.yield
    }) : () -> ()
    %scan3A_14 = arith.constant 0 : i32
    %scan3A_15 = arith.constant 20 : i32
    %scan3A_16 = arith.addi %scan3A_14, %scan3A_15 : i32
    %scan3A_17 = arith.constant 1 : i32
    scf.for %scan3A_21 = %scan3A_14 to %scan3A_16 step %scan3A_17  : i32 {
      %mul3A_22 = arith.constant 1 : i32
      %mul3A_23 = arith.muli %scan3A_21, %mul3A_22 : i32
      %add3A_24 = arith.constant 0 : i32
      %add3A_25 = arith.addi %add3A_24, %mul3A_23 : i32
      %mul3A_26 = arith.constant 16 : i32
      %mul3A_27 = arith.muli %add3A_25, %mul3A_26 : i32
      %get3A = arith.index_cast %mul3A_27 : i32 to index
      %get3A_28 = tpu.vector_load %arg7[%get3A] {strides = array<i32>} : memref<320xi32, #tpu.memory_space<vmem>>, vector<16xi32>,
      %get3A_29 = vector.shape_cast %get3A_28 : vector<16xi32> to vector<16xi32>
      %slice3A = vector.extract_strided_slice %get3A_29 {offsets = [0], sizes = [1], strides = [1]} : vector<16xi32> to vector<1xi32>
      %squeeze3A = vector.extract %slice3A[0] : i32 from vector<1xi32>
      %mul3A_30 = arith.constant 16 : i32
      %mul3A_31 = arith.muli %add3A_25, %mul3A_30 : i32
      %add3A_32 = arith.constant 0 : i32
      %add3A_33 = arith.addi %mul3A_31, %add3A_32 : i32
      %scan3A_34 = arith.constant 0 : i32
      %scan3A_35 = arith.constant 8 : i32
      %scan3A_36 = arith.addi %scan3A_34, %scan3A_35 : i32
      %scan3A_37 = arith.constant 1 : i32
      scf.for %scan3A_204 = %scan3A_34 to %scan3A_36 step %scan3A_37  : i32 {
        %mul3A_205 = arith.constant 1 : i32
        %mul3A_206 = arith.muli %scan3A_204, %mul3A_205 : i32
        %add3A_207 = arith.constant 0 : i32
        %add3A_208 = arith.addi %add3A_207, %mul3A_206 : i32
        %mul3A_209 = arith.constant 16 : i32
        %mul3A_210 = arith.muli %add3A_208, %mul3A_209 : i32
        %get3A_211 = arith.index_cast %add3A_33 : i32 to index
        %get3A_212 = arith.index_cast %mul3A_210 : i32 to index
        %get3A_213 = tpu.vector_load %arg5[%get3A_211, %get3A_212] {strides = array<i32>} : memref<320x128xf32, #tpu.memory_space<vmem>>, vector<1x16xf32>,
        %get3A_214 = vector.shape_cast %get3A_213 : vector<1x16xf32> to vector<16xf32>
        %mul3A_215 = arith.constant 16 : i32
        %mul3A_216 = arith.muli %add3A_208, %mul3A_215 : i32
        %get3A_217 = arith.index_cast %squeeze3A : i32 to index
        %get3A_218 = arith.index_cast %mul3A_216 : i32 to index
        %get3A_219 = tpu.vector_load %arg6[%get3A_217, %get3A_218] {strides = array<i32>} : memref<128x128xf32, #tpu.memory_space<vmem>>, vector<1x16xf32>,
        %get3A_220 = vector.shape_cast %get3A_219 : vector<1x16xf32> to vector<16xf32>
        %max3A = arith.maximumf %get3A_220, %get3A_214 : vector<16xf32>
        %mul3A_221 = arith.constant 16 : i32
        %mul3A_222 = arith.muli %add3A_208, %mul3A_221 : i32
        %swap3A = arith.index_cast %squeeze3A : i32 to index
        %swap3A_223 = arith.index_cast %mul3A_222 : i32 to index
        %swap3A_224 = tpu.vector_load %arg6[%swap3A, %swap3A_223] {strides = array<i32>} : memref<128x128xf32, #tpu.memory_space<vmem>>, vector<1x16xf32>,
        %swap3A_225 = vector.shape_cast %swap3A_224 : vector<1x16xf32> to vector<16xf32>
        %swap3A_226 = vector.shape_cast %max3A : vector<16xf32> to vector<1x16xf32>
        tpu.vector_store %arg6[%swap3A, %swap3A_223], %swap3A_226 {strides = array<i32>} : memref<128x128xf32, #tpu.memory_space<vmem>>, vector<1x16xf32>,
      }
      %scan3A_38 = arith.constant 8 : i32
      %slice3A_39 = vector.extract_strided_slice %get3A_29 {offsets = [1], sizes = [1], strides = [1]} : vector<16xi32> to vector<1xi32>
      %squeeze3A_40 = vector.extract %slice3A_39[0] : i32 from vector<1xi32>
      %mul3A_41 = arith.constant 16 : i32
      %mul3A_42 = arith.muli %add3A_25, %mul3A_41 : i32
      %add3A_43 = arith.constant 1 : i32
      %add3A_44 = arith.addi %mul3A_42, %add3A_43 : i32
      %scan3A_45 = arith.constant 0 : i32
      %scan3A_46 = arith.constant 8 : i32
      %scan3A_47 = arith.addi %scan3A_45, %scan3A_46 : i32
      %scan3A_48 = arith.constant 1 : i32
      scf.for %scan3A_204 = %scan3A_45 to %scan3A_47 step %scan3A_48  : i32 {
        %mul3A_205 = arith.constant 1 : i32
        %mul3A_206 = arith.muli %scan3A_204, %mul3A_205 : i32
        %add3A_207 = arith.constant 0 : i32
        %add3A_208 = arith.addi %add3A_207, %mul3A_206 : i32
        %mul3A_209 = arith.constant 16 : i32
        %mul3A_210 = arith.muli %add3A_208, %mul3A_209 : i32
        %get3A_211 = arith.index_cast %add3A_44 : i32 to index
        %get3A_212 = arith.index_cast %mul3A_210 : i32 to index
        %get3A_213 = tpu.vector_load %arg5[%get3A_211, %get3A_212] {strides = array<i32>} : memref<320x128xf32, #tpu.memory_space<vmem>>, vector<1x16xf32>,
        %get3A_214 = vector.shape_cast %get3A_213 : vector<1x16xf32> to vector<16xf32>
        %mul3A_215 = arith.constant 16 : i32
        %mul3A_216 = arith.muli %add3A_208, %mul3A_215 : i32
        %get3A_217 = arith.index_cast %squeeze3A_40 : i32 to index
        %get3A_218 = arith.index_cast %mul3A_216 : i32 to index
        %get3A_219 = tpu.vector_load %arg6[%get3A_217, %get3A_218] {strides = array<i32>} : memref<128x128xf32, #tpu.memory_space<vmem>>, vector<1x16xf32>,
        %get3A_220 = vector.shape_cast %get3A_219 : vector<1x16xf32> to vector<16xf32>
        %max3A = arith.maximumf %get3A_220, %get3A_214 : vector<16xf32>
        %mul3A_221 = arith.constant 16 : i32
        %mul3A_222 = arith.muli %add3A_208, %mul3A_221 : i32
        %swap3A = arith.index_cast %squeeze3A_40 : i32 to index
        %swap3A_223 = arith.index_cast %mul3A_222 : i32 to index
        %swap3A_224 = tpu.vector_load %arg6[%swap3A, %swap3A_223] {strides = array<i32>} : memref<128x128xf32, #tpu.memory_space<vmem>>, vector<1x16xf32>,
        %swap3A_225 = vector.shape_cast %swap3A_224 : vector<1x16xf32> to vector<16xf32>
        %swap3A_226 = vector.shape_cast %max3A : vector<16xf32> to vector<1x16xf32>
        tpu.vector_store %arg6[%swap3A, %swap3A_223], %swap3A_226 {strides = array<i32>} : memref<128x128xf32, #tpu.memory_space<vmem>>, vector<1x16xf32>,
      }
      %scan3A_49 = arith.constant 8 : i32
      %slice3A_50 = vector.extract_strided_slice %get3A_29 {offsets = [2], sizes = [1], strides = [1]} : vector<16xi32> to vector<1xi32>
      %squeeze3A_51 = vector.extract %slice3A_50[0] : i32 from vector<1xi32>
      %mul3A_52 = arith.constant 16 : i32
      %mul3A_53 = arith.muli %add3A_25, %mul3A_52 : i32
      %add3A_54 = arith.constant 2 : i32
      %add3A_55 = arith.addi %mul3A_53, %add3A_54 : i32
      %scan3A_56 = arith.constant 0 : i32
      %scan3A_57 = arith.constant 8 : i32
      %scan3A_58 = arith.addi %scan3A_56, %scan3A_57 : i32
      %scan3A_59 = arith.constant 1 : i32
      scf.for %scan3A_204 = %scan3A_56 to %scan3A_58 step %scan3A_59  : i32 {
        %mul3A_205 = arith.constant 1 : i32
        %mul3A_206 = arith.muli %scan3A_204, %mul3A_205 : i32
        %add3A_207 = arith.constant 0 : i32
        %add3A_208 = arith.addi %add3A_207, %mul3A_206 : i32
        %mul3A_209 = arith.constant 16 : i32
        %mul3A_210 = arith.muli %add3A_208, %mul3A_209 : i32
        %get3A_211 = arith.index_cast %add3A_55 : i32 to index
        %get3A_212 = arith.index_cast %mul3A_210 : i32 to index
        %get3A_213 = tpu.vector_load %arg5[%get3A_211, %get3A_212] {strides = array<i32>} : memref<320x128xf32, #tpu.memory_space<vmem>>, vector<1x16xf32>,
        %get3A_214 = vector.shape_cast %get3A_213 : vector<1x16xf32> to vector<16xf32>
        %mul3A_215 = arith.constant 16 : i32
        %mul3A_216 = arith.muli %add3A_208, %mul3A_215 : i32
        %get3A_217 = arith.index_cast %squeeze3A_51 : i32 to index
        %get3A_218 = arith.index_cast %mul3A_216 : i32 to index
        %get3A_219 = tpu.vector_load %arg6[%get3A_217, %get3A_218] {strides = array<i32>} : memref<128x128xf32, #tpu.memory_space<vmem>>, vector<1x16xf32>,
        %get3A_220 = vector.shape_cast %get3A_219 : vector<1x16xf32> to vector<16xf32>
        %max3A = arith.maximumf %get3A_220, %get3A_214 : vector<16xf32>
        %mul3A_221 = arith.constant 16 : i32
        %mul3A_222 = arith.muli %add3A_208, %mul3A_221 : i32
        %swap3A = arith.index_cast %squeeze3A_51 : i32 to index
        %swap3A_223 = arith.index_cast %mul3A_222 : i32 to index
        %swap3A_224 = tpu.vector_load %arg6[%swap3A, %swap3A_223] {strides = array<i32>} : memref<128x128xf32, #tpu.memory_space<vmem>>, vector<1x16xf32>,
        %swap3A_225 = vector.shape_cast %swap3A_224 : vector<1x16xf32> to vector<16xf32>
        %swap3A_226 = vector.shape_cast %max3A : vector<16xf32> to vector<1x16xf32>
        tpu.vector_store %arg6[%swap3A, %swap3A_223], %swap3A_226 {strides = array<i32>} : memref<128x128xf32, #tpu.memory_space<vmem>>, vector<1x16xf32>,
      }
      %scan3A_60 = arith.constant 8 : i32
      %slice3A_61 = vector.extract_strided_slice %get3A_29 {offsets = [3], sizes = [1], strides = [1]} : vector<16xi32> to vector<1xi32>
      %squeeze3A_62 = vector.extract %slice3A_61[0] : i32 from vector<1xi32>
      %mul3A_63 = arith.constant 16 : i32
      %mul3A_64 = arith.muli %add3A_25, %mul3A_63 : i32
      %add3A_65 = arith.constant 3 : i32
      %add3A_66 = arith.addi %mul3A_64, %add3A_65 : i32
      %scan3A_67 = arith.constant 0 : i32
      %scan3A_68 = arith.constant 8 : i32
      %scan3A_69 = arith.addi %scan3A_67, %scan3A_68 : i32
      %scan3A_70 = arith.constant 1 : i32
      scf.for %scan3A_204 = %scan3A_67 to %scan3A_69 step %scan3A_70  : i32 {
        %mul3A_205 = arith.constant 1 : i32
        %mul3A_206 = arith.muli %scan3A_204, %mul3A_205 : i32
        %add3A_207 = arith.constant 0 : i32
        %add3A_208 = arith.addi %add3A_207, %mul3A_206 : i32
        %mul3A_209 = arith.constant 16 : i32
        %mul3A_210 = arith.muli %add3A_208, %mul3A_209 : i32
        %get3A_211 = arith.index_cast %add3A_66 : i32 to index
        %get3A_212 = arith.index_cast %mul3A_210 : i32 to index
        %get3A_213 = tpu.vector_load %arg5[%get3A_211, %get3A_212] {strides = array<i32>} : memref<320x128xf32, #tpu.memory_space<vmem>>, vector<1x16xf32>,
        %get3A_214 = vector.shape_cast %get3A_213 : vector<1x16xf32> to vector<16xf32>
        %mul3A_215 = arith.constant 16 : i32
        %mul3A_216 = arith.muli %add3A_208, %mul3A_215 : i32
        %get3A_217 = arith.index_cast %squeeze3A_62 : i32 to index
        %get3A_218 = arith.index_cast %mul3A_216 : i32 to index
        %get3A_219 = tpu.vector_load %arg6[%get3A_217, %get3A_218] {strides = array<i32>} : memref<128x128xf32, #tpu.memory_space<vmem>>, vector<1x16xf32>,
        %get3A_220 = vector.shape_cast %get3A_219 : vector<1x16xf32> to vector<16xf32>
        %max3A = arith.maximumf %get3A_220, %get3A_214 : vector<16xf32>
        %mul3A_221 = arith.constant 16 : i32
        %mul3A_222 = arith.muli %add3A_208, %mul3A_221 : i32
        %swap3A = arith.index_cast %squeeze3A_62 : i32 to index
        %swap3A_223 = arith.index_cast %mul3A_222 : i32 to index
        %swap3A_224 = tpu.vector_load %arg6[%swap3A, %swap3A_223] {strides = array<i32>} : memref<128x128xf32, #tpu.memory_space<vmem>>, vector<1x16xf32>,
        %swap3A_225 = vector.shape_cast %swap3A_224 : vector<1x16xf32> to vector<16xf32>
        %swap3A_226 = vector.shape_cast %max3A : vector<16xf32> to vector<1x16xf32>
        tpu.vector_store %arg6[%swap3A, %swap3A_223], %swap3A_226 {strides = array<i32>} : memref<128x128xf32, #tpu.memory_space<vmem>>, vector<1x16xf32>,
      }
      %scan3A_71 = arith.constant 8 : i32
      %slice3A_72 = vector.extract_strided_slice %get3A_29 {offsets = [4], sizes = [1], strides = [1]} : vector<16xi32> to vector<1xi32>
      %squeeze3A_73 = vector.extract %slice3A_72[0] : i32 from vector<1xi32>
      %mul3A_74 = arith.constant 16 : i32
      %mul3A_75 = arith.muli %add3A_25, %mul3A_74 : i32
      %add3A_76 = arith.constant 4 : i32
      %add3A_77 = arith.addi %mul3A_75, %add3A_76 : i32
      %scan3A_78 = arith.constant 0 : i32
      %scan3A_79 = arith.constant 8 : i32
      %scan3A_80 = arith.addi %scan3A_78, %scan3A_79 : i32
      %scan3A_81 = arith.constant 1 : i32
      scf.for %scan3A_204 = %scan3A_78 to %scan3A_80 step %scan3A_81  : i32 {
        %mul3A_205 = arith.constant 1 : i32
        %mul3A_206 = arith.muli %scan3A_204, %mul3A_205 : i32
        %add3A_207 = arith.constant 0 : i32
        %add3A_208 = arith.addi %add3A_207, %mul3A_206 : i32
        %mul3A_209 = arith.constant 16 : i32
        %mul3A_210 = arith.muli %add3A_208, %mul3A_209 : i32
        %get3A_211 = arith.index_cast %add3A_77 : i32 to index
        %get3A_212 = arith.index_cast %mul3A_210 : i32 to index
        %get3A_213 = tpu.vector_load %arg5[%get3A_211, %get3A_212] {strides = array<i32>} : memref<320x128xf32, #tpu.memory_space<vmem>>, vector<1x16xf32>,
        %get3A_214 = vector.shape_cast %get3A_213 : vector<1x16xf32> to vector<16xf32>
        %mul3A_215 = arith.constant 16 : i32
        %mul3A_216 = arith.muli %add3A_208, %mul3A_215 : i32
        %get3A_217 = arith.index_cast %squeeze3A_73 : i32 to index
        %get3A_218 = arith.index_cast %mul3A_216 : i32 to index
        %get3A_219 = tpu.vector_load %arg6[%get3A_217, %get3A_218] {strides = array<i32>} : memref<128x128xf32, #tpu.memory_space<vmem>>, vector<1x16xf32>,
        %get3A_220 = vector.shape_cast %get3A_219 : vector<1x16xf32> to vector<16xf32>
        %max3A = arith.maximumf %get3A_220, %get3A_214 : vector<16xf32>
        %mul3A_221 = arith.constant 16 : i32
        %mul3A_222 = arith.muli %add3A_208, %mul3A_221 : i32
        %swap3A = arith.index_cast %squeeze3A_73 : i32 to index
        %swap3A_223 = arith.index_cast %mul3A_222 : i32 to index
        %swap3A_224 = tpu.vector_load %arg6[%swap3A, %swap3A_223] {strides = array<i32>} : memref<128x128xf32, #tpu.memory_space<vmem>>, vector<1x16xf32>,
        %swap3A_225 = vector.shape_cast %swap3A_224 : vector<1x16xf32> to vector<16xf32>
        %swap3A_226 = vector.shape_cast %max3A : vector<16xf32> to vector<1x16xf32>
        tpu.vector_store %arg6[%swap3A, %swap3A_223], %swap3A_226 {strides = array<i32>} : memref<128x128xf32, #tpu.memory_space<vmem>>, vector<1x16xf32>,
      }
      %scan3A_82 = arith.constant 8 : i32
      %slice3A_83 = vector.extract_strided_slice %get3A_29 {offsets = [5], sizes = [1], strides = [1]} : vector<16xi32> to vector<1xi32>
      %squeeze3A_84 = vector.extract %slice3A_83[0] : i32 from vector<1xi32>
      %mul3A_85 = arith.constant 16 : i32
      %mul3A_86 = arith.muli %add3A_25, %mul3A_85 : i32
      %add3A_87 = arith.constant 5 : i32
      %add3A_88 = arith.addi %mul3A_86, %add3A_87 : i32
      %scan3A_89 = arith.constant 0 : i32
      %scan3A_90 = arith.constant 8 : i32
      %scan3A_91 = arith.addi %scan3A_89, %scan3A_90 : i32
      %scan3A_92 = arith.constant 1 : i32
      scf.for %scan3A_204 = %scan3A_89 to %scan3A_91 step %scan3A_92  : i32 {
        %mul3A_205 = arith.constant 1 : i32
        %mul3A_206 = arith.muli %scan3A_204, %mul3A_205 : i32
        %add3A_207 = arith.constant 0 : i32
        %add3A_208 = arith.addi %add3A_207, %mul3A_206 : i32
        %mul3A_209 = arith.constant 16 : i32
        %mul3A_210 = arith.muli %add3A_208, %mul3A_209 : i32
        %get3A_211 = arith.index_cast %add3A_88 : i32 to index
        %get3A_212 = arith.index_cast %mul3A_210 : i32 to index
        %get3A_213 = tpu.vector_load %arg5[%get3A_211, %get3A_212] {strides = array<i32>} : memref<320x128xf32, #tpu.memory_space<vmem>>, vector<1x16xf32>,
        %get3A_214 = vector.shape_cast %get3A_213 : vector<1x16xf32> to vector<16xf32>
        %mul3A_215 = arith.constant 16 : i32
        %mul3A_216 = arith.muli %add3A_208, %mul3A_215 : i32
        %get3A_217 = arith.index_cast %squeeze3A_84 : i32 to index
        %get3A_218 = arith.index_cast %mul3A_216 : i32 to index
        %get3A_219 = tpu.vector_load %arg6[%get3A_217, %get3A_218] {strides = array<i32>} : memref<128x128xf32, #tpu.memory_space<vmem>>, vector<1x16xf32>,
        %get3A_220 = vector.shape_cast %get3A_219 : vector<1x16xf32> to vector<16xf32>
        %max3A = arith.maximumf %get3A_220, %get3A_214 : vector<16xf32>
        %mul3A_221 = arith.constant 16 : i32
        %mul3A_222 = arith.muli %add3A_208, %mul3A_221 : i32
        %swap3A = arith.index_cast %squeeze3A_84 : i32 to index
        %swap3A_223 = arith.index_cast %mul3A_222 : i32 to index
        %swap3A_224 = tpu.vector_load %arg6[%swap3A, %swap3A_223] {strides = array<i32>} : memref<128x128xf32, #tpu.memory_space<vmem>>, vector<1x16xf32>,
        %swap3A_225 = vector.shape_cast %swap3A_224 : vector<1x16xf32> to vector<16xf32>
        %swap3A_226 = vector.shape_cast %max3A : vector<16xf32> to vector<1x16xf32>
        tpu.vector_store %arg6[%swap3A, %swap3A_223], %swap3A_226 {strides = array<i32>} : memref<128x128xf32, #tpu.memory_space<vmem>>, vector<1x16xf32>,
      }
      %scan3A_93 = arith.constant 8 : i32
      %slice3A_94 = vector.extract_strided_slice %get3A_29 {offsets = [6], sizes = [1], strides = [1]} : vector<16xi32> to vector<1xi32>
      %squeeze3A_95 = vector.extract %slice3A_94[0] : i32 from vector<1xi32>
      %mul3A_96 = arith.constant 16 : i32
      %mul3A_97 = arith.muli %add3A_25, %mul3A_96 : i32
      %add3A_98 = arith.constant 6 : i32
      %add3A_99 = arith.addi %mul3A_97, %add3A_98 : i32
      %scan3A_100 = arith.constant 0 : i32
      %scan3A_101 = arith.constant 8 : i32
      %scan3A_102 = arith.addi %scan3A_100, %scan3A_101 : i32
      %scan3A_103 = arith.constant 1 : i32
      scf.for %scan3A_204 = %scan3A_100 to %scan3A_102 step %scan3A_103  : i32 {
        %mul3A_205 = arith.constant 1 : i32
        %mul3A_206 = arith.muli %scan3A_204, %mul3A_205 : i32
        %add3A_207 = arith.constant 0 : i32
        %add3A_208 = arith.addi %add3A_207, %mul3A_206 : i32
        %mul3A_209 = arith.constant 16 : i32
        %mul3A_210 = arith.muli %add3A_208, %mul3A_209 : i32
        %get3A_211 = arith.index_cast %add3A_99 : i32 to index
        %get3A_212 = arith.index_cast %mul3A_210 : i32 to index
        %get3A_213 = tpu.vector_load %arg5[%get3A_211, %get3A_212] {strides = array<i32>} : memref<320x128xf32, #tpu.memory_space<vmem>>, vector<1x16xf32>,
        %get3A_214 = vector.shape_cast %get3A_213 : vector<1x16xf32> to vector<16xf32>
        %mul3A_215 = arith.constant 16 : i32
        %mul3A_216 = arith.muli %add3A_208, %mul3A_215 : i32
        %get3A_217 = arith.index_cast %squeeze3A_95 : i32 to index
        %get3A_218 = arith.index_cast %mul3A_216 : i32 to index
        %get3A_219 = tpu.vector_load %arg6[%get3A_217, %get3A_218] {strides = array<i32>} : memref<128x128xf32, #tpu.memory_space<vmem>>, vector<1x16xf32>,
        %get3A_220 = vector.shape_cast %get3A_219 : vector<1x16xf32> to vector<16xf32>
        %max3A = arith.maximumf %get3A_220, %get3A_214 : vector<16xf32>
        %mul3A_221 = arith.constant 16 : i32
        %mul3A_222 = arith.muli %add3A_208, %mul3A_221 : i32
        %swap3A = arith.index_cast %squeeze3A_95 : i32 to index
        %swap3A_223 = arith.index_cast %mul3A_222 : i32 to index
        %swap3A_224 = tpu.vector_load %arg6[%swap3A, %swap3A_223] {strides = array<i32>} : memref<128x128xf32, #tpu.memory_space<vmem>>, vector<1x16xf32>,
        %swap3A_225 = vector.shape_cast %swap3A_224 : vector<1x16xf32> to vector<16xf32>
        %swap3A_226 = vector.shape_cast %max3A : vector<16xf32> to vector<1x16xf32>
        tpu.vector_store %arg6[%swap3A, %swap3A_223], %swap3A_226 {strides = array<i32>} : memref<128x128xf32, #tpu.memory_space<vmem>>, vector<1x16xf32>,
      }
      %scan3A_104 = arith.constant 8 : i32
      %slice3A_105 = vector.extract_strided_slice %get3A_29 {offsets = [7], sizes = [1], strides = [1]} : vector<16xi32> to vector<1xi32>
      %squeeze3A_106 = vector.extract %slice3A_105[0] : i32 from vector<1xi32>
      %mul3A_107 = arith.constant 16 : i32
      %mul3A_108 = arith.muli %add3A_25, %mul3A_107 : i32
      %add3A_109 = arith.constant 7 : i32
      %add3A_110 = arith.addi %mul3A_108, %add3A_109 : i32
      %scan3A_111 = arith.constant 0 : i32
      %scan3A_112 = arith.constant 8 : i32
      %scan3A_113 = arith.addi %scan3A_111, %scan3A_112 : i32
      %scan3A_114 = arith.constant 1 : i32
      scf.for %scan3A_204 = %scan3A_111 to %scan3A_113 step %scan3A_114  : i32 {
        %mul3A_205 = arith.constant 1 : i32
        %mul3A_206 = arith.muli %scan3A_204, %mul3A_205 : i32
        %add3A_207 = arith.constant 0 : i32
        %add3A_208 = arith.addi %add3A_207, %mul3A_206 : i32
        %mul3A_209 = arith.constant 16 : i32
        %mul3A_210 = arith.muli %add3A_208, %mul3A_209 : i32
        %get3A_211 = arith.index_cast %add3A_110 : i32 to index
        %get3A_212 = arith.index_cast %mul3A_210 : i32 to index
        %get3A_213 = tpu.vector_load %arg5[%get3A_211, %get3A_212] {strides = array<i32>} : memref<320x128xf32, #tpu.memory_space<vmem>>, vector<1x16xf32>,
        %get3A_214 = vector.shape_cast %get3A_213 : vector<1x16xf32> to vector<16xf32>
        %mul3A_215 = arith.constant 16 : i32
        %mul3A_216 = arith.muli %add3A_208, %mul3A_215 : i32
        %get3A_217 = arith.index_cast %squeeze3A_106 : i32 to index
        %get3A_218 = arith.index_cast %mul3A_216 : i32 to index
        %get3A_219 = tpu.vector_load %arg6[%get3A_217, %get3A_218] {strides = array<i32>} : memref<128x128xf32, #tpu.memory_space<vmem>>, vector<1x16xf32>,
        %get3A_220 = vector.shape_cast %get3A_219 : vector<1x16xf32> to vector<16xf32>
        %max3A = arith.maximumf %get3A_220, %get3A_214 : vector<16xf32>
        %mul3A_221 = arith.constant 16 : i32
        %mul3A_222 = arith.muli %add3A_208, %mul3A_221 : i32
        %swap3A = arith.index_cast %squeeze3A_106 : i32 to index
        %swap3A_223 = arith.index_cast %mul3A_222 : i32 to index
        %swap3A_224 = tpu.vector_load %arg6[%swap3A, %swap3A_223] {strides = array<i32>} : memref<128x128xf32, #tpu.memory_space<vmem>>, vector<1x16xf32>,
        %swap3A_225 = vector.shape_cast %swap3A_224 : vector<1x16xf32> to vector<16xf32>
        %swap3A_226 = vector.shape_cast %max3A : vector<16xf32> to vector<1x16xf32>
        tpu.vector_store %arg6[%swap3A, %swap3A_223], %swap3A_226 {strides = array<i32>} : memref<128x128xf32, #tpu.memory_space<vmem>>, vector<1x16xf32>,
      }
      %scan3A_115 = arith.constant 8 : i32
      %slice3A_116 = vector.extract_strided_slice %get3A_29 {offsets = [8], sizes = [1], strides = [1]} : vector<16xi32> to vector<1xi32>
      %squeeze3A_117 = vector.extract %slice3A_116[0] : i32 from vector<1xi32>
      %mul3A_118 = arith.constant 16 : i32
      %mul3A_119 = arith.muli %add3A_25, %mul3A_118 : i32
      %add3A_120 = arith.constant 8 : i32
      %add3A_121 = arith.addi %mul3A_119, %add3A_120 : i32
      %scan3A_122 = arith.constant 0 : i32
      %scan3A_123 = arith.constant 8 : i32
      %scan3A_124 = arith.addi %scan3A_122, %scan3A_123 : i32
      %scan3A_125 = arith.constant 1 : i32
      scf.for %scan3A_204 = %scan3A_122 to %scan3A_124 step %scan3A_125  : i32 {
        %mul3A_205 = arith.constant 1 : i32
        %mul3A_206 = arith.muli %scan3A_204, %mul3A_205 : i32
        %add3A_207 = arith.constant 0 : i32
        %add3A_208 = arith.addi %add3A_207, %mul3A_206 : i32
        %mul3A_209 = arith.constant 16 : i32
        %mul3A_210 = arith.muli %add3A_208, %mul3A_209 : i32
        %get3A_211 = arith.index_cast %add3A_121 : i32 to index
        %get3A_212 = arith.index_cast %mul3A_210 : i32 to index
        %get3A_213 = tpu.vector_load %arg5[%get3A_211, %get3A_212] {strides = array<i32>} : memref<320x128xf32, #tpu.memory_space<vmem>>, vector<1x16xf32>,
        %get3A_214 = vector.shape_cast %get3A_213 : vector<1x16xf32> to vector<16xf32>
        %mul3A_215 = arith.constant 16 : i32
        %mul3A_216 = arith.muli %add3A_208, %mul3A_215 : i32
        %get3A_217 = arith.index_cast %squeeze3A_117 : i32 to index
        %get3A_218 = arith.index_cast %mul3A_216 : i32 to index
        %get3A_219 = tpu.vector_load %arg6[%get3A_217, %get3A_218] {strides = array<i32>} : memref<128x128xf32, #tpu.memory_space<vmem>>, vector<1x16xf32>,
        %get3A_220 = vector.shape_cast %get3A_219 : vector<1x16xf32> to vector<16xf32>
        %max3A = arith.maximumf %get3A_220, %get3A_214 : vector<16xf32>
        %mul3A_221 = arith.constant 16 : i32
        %mul3A_222 = arith.muli %add3A_208, %mul3A_221 : i32
        %swap3A = arith.index_cast %squeeze3A_117 : i32 to index
        %swap3A_223 = arith.index_cast %mul3A_222 : i32 to index
        %swap3A_224 = tpu.vector_load %arg6[%swap3A, %swap3A_223] {strides = array<i32>} : memref<128x128xf32, #tpu.memory_space<vmem>>, vector<1x16xf32>,
        %swap3A_225 = vector.shape_cast %swap3A_224 : vector<1x16xf32> to vector<16xf32>
        %swap3A_226 = vector.shape_cast %max3A : vector<16xf32> to vector<1x16xf32>
        tpu.vector_store %arg6[%swap3A, %swap3A_223], %swap3A_226 {strides = array<i32>} : memref<128x128xf32, #tpu.memory_space<vmem>>, vector<1x16xf32>,
      }
      %scan3A_126 = arith.constant 8 : i32
      %slice3A_127 = vector.extract_strided_slice %get3A_29 {offsets = [9], sizes = [1], strides = [1]} : vector<16xi32> to vector<1xi32>
      %squeeze3A_128 = vector.extract %slice3A_127[0] : i32 from vector<1xi32>
      %mul3A_129 = arith.constant 16 : i32
      %mul3A_130 = arith.muli %add3A_25, %mul3A_129 : i32
      %add3A_131 = arith.constant 9 : i32
      %add3A_132 = arith.addi %mul3A_130, %add3A_131 : i32
      %scan3A_133 = arith.constant 0 : i32
      %scan3A_134 = arith.constant 8 : i32
      %scan3A_135 = arith.addi %scan3A_133, %scan3A_134 : i32
      %scan3A_136 = arith.constant 1 : i32
      scf.for %scan3A_204 = %scan3A_133 to %scan3A_135 step %scan3A_136  : i32 {
        %mul3A_205 = arith.constant 1 : i32
        %mul3A_206 = arith.muli %scan3A_204, %mul3A_205 : i32
        %add3A_207 = arith.constant 0 : i32
        %add3A_208 = arith.addi %add3A_207, %mul3A_206 : i32
        %mul3A_209 = arith.constant 16 : i32
        %mul3A_210 = arith.muli %add3A_208, %mul3A_209 : i32
        %get3A_211 = arith.index_cast %add3A_132 : i32 to index
        %get3A_212 = arith.index_cast %mul3A_210 : i32 to index
        %get3A_213 = tpu.vector_load %arg5[%get3A_211, %get3A_212] {strides = array<i32>} : memref<320x128xf32, #tpu.memory_space<vmem>>, vector<1x16xf32>,
        %get3A_214 = vector.shape_cast %get3A_213 : vector<1x16xf32> to vector<16xf32>
        %mul3A_215 = arith.constant 16 : i32
        %mul3A_216 = arith.muli %add3A_208, %mul3A_215 : i32
        %get3A_217 = arith.index_cast %squeeze3A_128 : i32 to index
        %get3A_218 = arith.index_cast %mul3A_216 : i32 to index
        %get3A_219 = tpu.vector_load %arg6[%get3A_217, %get3A_218] {strides = array<i32>} : memref<128x128xf32, #tpu.memory_space<vmem>>, vector<1x16xf32>,
        %get3A_220 = vector.shape_cast %get3A_219 : vector<1x16xf32> to vector<16xf32>
        %max3A = arith.maximumf %get3A_220, %get3A_214 : vector<16xf32>
        %mul3A_221 = arith.constant 16 : i32
        %mul3A_222 = arith.muli %add3A_208, %mul3A_221 : i32
        %swap3A = arith.index_cast %squeeze3A_128 : i32 to index
        %swap3A_223 = arith.index_cast %mul3A_222 : i32 to index
        %swap3A_224 = tpu.vector_load %arg6[%swap3A, %swap3A_223] {strides = array<i32>} : memref<128x128xf32, #tpu.memory_space<vmem>>, vector<1x16xf32>,
        %swap3A_225 = vector.shape_cast %swap3A_224 : vector<1x16xf32> to vector<16xf32>
        %swap3A_226 = vector.shape_cast %max3A : vector<16xf32> to vector<1x16xf32>
        tpu.vector_store %arg6[%swap3A, %swap3A_223], %swap3A_226 {strides = array<i32>} : memref<128x128xf32, #tpu.memory_space<vmem>>, vector<1x16xf32>,
      }
      %scan3A_137 = arith.constant 8 : i32
      %slice3A_138 = vector.extract_strided_slice %get3A_29 {offsets = [10], sizes = [1], strides = [1]} : vector<16xi32> to vector<1xi32>
      %squeeze3A_139 = vector.extract %slice3A_138[0] : i32 from vector<1xi32>
      %mul3A_140 = arith.constant 16 : i32
      %mul3A_141 = arith.muli %add3A_25, %mul3A_140 : i32
      %add3A_142 = arith.constant 10 : i32
      %add3A_143 = arith.addi %mul3A_141, %add3A_142 : i32
      %scan3A_144 = arith.constant 0 : i32
      %scan3A_145 = arith.constant 8 : i32
      %scan3A_146 = arith.addi %scan3A_144, %scan3A_145 : i32
      %scan3A_147 = arith.constant 1 : i32
      scf.for %scan3A_204 = %scan3A_144 to %scan3A_146 step %scan3A_147  : i32 {
        %mul3A_205 = arith.constant 1 : i32
        %mul3A_206 = arith.muli %scan3A_204, %mul3A_205 : i32
        %add3A_207 = arith.constant 0 : i32
        %add3A_208 = arith.addi %add3A_207, %mul3A_206 : i32
        %mul3A_209 = arith.constant 16 : i32
        %mul3A_210 = arith.muli %add3A_208, %mul3A_209 : i32
        %get3A_211 = arith.index_cast %add3A_143 : i32 to index
        %get3A_212 = arith.index_cast %mul3A_210 : i32 to index
        %get3A_213 = tpu.vector_load %arg5[%get3A_211, %get3A_212] {strides = array<i32>} : memref<320x128xf32, #tpu.memory_space<vmem>>, vector<1x16xf32>,
        %get3A_214 = vector.shape_cast %get3A_213 : vector<1x16xf32> to vector<16xf32>
        %mul3A_215 = arith.constant 16 : i32
        %mul3A_216 = arith.muli %add3A_208, %mul3A_215 : i32
        %get3A_217 = arith.index_cast %squeeze3A_139 : i32 to index
        %get3A_218 = arith.index_cast %mul3A_216 : i32 to index
        %get3A_219 = tpu.vector_load %arg6[%get3A_217, %get3A_218] {strides = array<i32>} : memref<128x128xf32, #tpu.memory_space<vmem>>, vector<1x16xf32>,
        %get3A_220 = vector.shape_cast %get3A_219 : vector<1x16xf32> to vector<16xf32>
        %max3A = arith.maximumf %get3A_220, %get3A_214 : vector<16xf32>
        %mul3A_221 = arith.constant 16 : i32
        %mul3A_222 = arith.muli %add3A_208, %mul3A_221 : i32
        %swap3A = arith.index_cast %squeeze3A_139 : i32 to index
        %swap3A_223 = arith.index_cast %mul3A_222 : i32 to index
        %swap3A_224 = tpu.vector_load %arg6[%swap3A, %swap3A_223] {strides = array<i32>} : memref<128x128xf32, #tpu.memory_space<vmem>>, vector<1x16xf32>,
        %swap3A_225 = vector.shape_cast %swap3A_224 : vector<1x16xf32> to vector<16xf32>
        %swap3A_226 = vector.shape_cast %max3A : vector<16xf32> to vector<1x16xf32>
        tpu.vector_store %arg6[%swap3A, %swap3A_223], %swap3A_226 {strides = array<i32>} : memref<128x128xf32, #tpu.memory_space<vmem>>, vector<1x16xf32>,
      }
      %scan3A_148 = arith.constant 8 : i32
      %slice3A_149 = vector.extract_strided_slice %get3A_29 {offsets = [11], sizes = [1], strides = [1]} : vector<16xi32> to vector<1xi32>
      %squeeze3A_150 = vector.extract %slice3A_149[0] : i32 from vector<1xi32>
      %mul3A_151 = arith.constant 16 : i32
      %mul3A_152 = arith.muli %add3A_25, %mul3A_151 : i32
      %add3A_153 = arith.constant 11 : i32
      %add3A_154 = arith.addi %mul3A_152, %add3A_153 : i32
      %scan3A_155 = arith.constant 0 : i32
      %scan3A_156 = arith.constant 8 : i32
      %scan3A_157 = arith.addi %scan3A_155, %scan3A_156 : i32
      %scan3A_158 = arith.constant 1 : i32
      scf.for %scan3A_204 = %scan3A_155 to %scan3A_157 step %scan3A_158  : i32 {
        %mul3A_205 = arith.constant 1 : i32
        %mul3A_206 = arith.muli %scan3A_204, %mul3A_205 : i32
        %add3A_207 = arith.constant 0 : i32
        %add3A_208 = arith.addi %add3A_207, %mul3A_206 : i32
        %mul3A_209 = arith.constant 16 : i32
        %mul3A_210 = arith.muli %add3A_208, %mul3A_209 : i32
        %get3A_211 = arith.index_cast %add3A_154 : i32 to index
        %get3A_212 = arith.index_cast %mul3A_210 : i32 to index
        %get3A_213 = tpu.vector_load %arg5[%get3A_211, %get3A_212] {strides = array<i32>} : memref<320x128xf32, #tpu.memory_space<vmem>>, vector<1x16xf32>,
        %get3A_214 = vector.shape_cast %get3A_213 : vector<1x16xf32> to vector<16xf32>
        %mul3A_215 = arith.constant 16 : i32
        %mul3A_216 = arith.muli %add3A_208, %mul3A_215 : i32
        %get3A_217 = arith.index_cast %squeeze3A_150 : i32 to index
        %get3A_218 = arith.index_cast %mul3A_216 : i32 to index
        %get3A_219 = tpu.vector_load %arg6[%get3A_217, %get3A_218] {strides = array<i32>} : memref<128x128xf32, #tpu.memory_space<vmem>>, vector<1x16xf32>,
        %get3A_220 = vector.shape_cast %get3A_219 : vector<1x16xf32> to vector<16xf32>
        %max3A = arith.maximumf %get3A_220, %get3A_214 : vector<16xf32>
        %mul3A_221 = arith.constant 16 : i32
        %mul3A_222 = arith.muli %add3A_208, %mul3A_221 : i32
        %swap3A = arith.index_cast %squeeze3A_150 : i32 to index
        %swap3A_223 = arith.index_cast %mul3A_222 : i32 to index
        %swap3A_224 = tpu.vector_load %arg6[%swap3A, %swap3A_223] {strides = array<i32>} : memref<128x128xf32, #tpu.memory_space<vmem>>, vector<1x16xf32>,
        %swap3A_225 = vector.shape_cast %swap3A_224 : vector<1x16xf32> to vector<16xf32>
        %swap3A_226 = vector.shape_cast %max3A : vector<16xf32> to vector<1x16xf32>
        tpu.vector_store %arg6[%swap3A, %swap3A_223], %swap3A_226 {strides = array<i32>} : memref<128x128xf32, #tpu.memory_space<vmem>>, vector<1x16xf32>,
      }
      %scan3A_159 = arith.constant 8 : i32
      %slice3A_160 = vector.extract_strided_slice %get3A_29 {offsets = [12], sizes = [1], strides = [1]} : vector<16xi32> to vector<1xi32>
      %squeeze3A_161 = vector.extract %slice3A_160[0] : i32 from vector<1xi32>
      %mul3A_162 = arith.constant 16 : i32
      %mul3A_163 = arith.muli %add3A_25, %mul3A_162 : i32
      %add3A_164 = arith.constant 12 : i32
      %add3A_165 = arith.addi %mul3A_163, %add3A_164 : i32
      %scan3A_166 = arith.constant 0 : i32
      %scan3A_167 = arith.constant 8 : i32
      %scan3A_168 = arith.addi %scan3A_166, %scan3A_167 : i32
      %scan3A_169 = arith.constant 1 : i32
      scf.for %scan3A_204 = %scan3A_166 to %scan3A_168 step %scan3A_169  : i32 {
        %mul3A_205 = arith.constant 1 : i32
        %mul3A_206 = arith.muli %scan3A_204, %mul3A_205 : i32
        %add3A_207 = arith.constant 0 : i32
        %add3A_208 = arith.addi %add3A_207, %mul3A_206 : i32
        %mul3A_209 = arith.constant 16 : i32
        %mul3A_210 = arith.muli %add3A_208, %mul3A_209 : i32
        %get3A_211 = arith.index_cast %add3A_165 : i32 to index
        %get3A_212 = arith.index_cast %mul3A_210 : i32 to index
        %get3A_213 = tpu.vector_load %arg5[%get3A_211, %get3A_212] {strides = array<i32>} : memref<320x128xf32, #tpu.memory_space<vmem>>, vector<1x16xf32>,
        %get3A_214 = vector.shape_cast %get3A_213 : vector<1x16xf32> to vector<16xf32>
        %mul3A_215 = arith.constant 16 : i32
        %mul3A_216 = arith.muli %add3A_208, %mul3A_215 : i32
        %get3A_217 = arith.index_cast %squeeze3A_161 : i32 to index
        %get3A_218 = arith.index_cast %mul3A_216 : i32 to index
        %get3A_219 = tpu.vector_load %arg6[%get3A_217, %get3A_218] {strides = array<i32>} : memref<128x128xf32, #tpu.memory_space<vmem>>, vector<1x16xf32>,
        %get3A_220 = vector.shape_cast %get3A_219 : vector<1x16xf32> to vector<16xf32>
        %max3A = arith.maximumf %get3A_220, %get3A_214 : vector<16xf32>
        %mul3A_221 = arith.constant 16 : i32
        %mul3A_222 = arith.muli %add3A_208, %mul3A_221 : i32
        %swap3A = arith.index_cast %squeeze3A_161 : i32 to index
        %swap3A_223 = arith.index_cast %mul3A_222 : i32 to index
        %swap3A_224 = tpu.vector_load %arg6[%swap3A, %swap3A_223] {strides = array<i32>} : memref<128x128xf32, #tpu.memory_space<vmem>>, vector<1x16xf32>,
        %swap3A_225 = vector.shape_cast %swap3A_224 : vector<1x16xf32> to vector<16xf32>
        %swap3A_226 = vector.shape_cast %max3A : vector<16xf32> to vector<1x16xf32>
        tpu.vector_store %arg6[%swap3A, %swap3A_223], %swap3A_226 {strides = array<i32>} : memref<128x128xf32, #tpu.memory_space<vmem>>, vector<1x16xf32>,
      }
      %scan3A_170 = arith.constant 8 : i32
      %slice3A_171 = vector.extract_strided_slice %get3A_29 {offsets = [13], sizes = [1], strides = [1]} : vector<16xi32> to vector<1xi32>
      %squeeze3A_172 = vector.extract %slice3A_171[0] : i32 from vector<1xi32>
      %mul3A_173 = arith.constant 16 : i32
      %mul3A_174 = arith.muli %add3A_25, %mul3A_173 : i32
      %add3A_175 = arith.constant 13 : i32
      %add3A_176 = arith.addi %mul3A_174, %add3A_175 : i32
      %scan3A_177 = arith.constant 0 : i32
      %scan3A_178 = arith.constant 8 : i32
      %scan3A_179 = arith.addi %scan3A_177, %scan3A_178 : i32
      %scan3A_180 = arith.constant 1 : i32
      scf.for %scan3A_204 = %scan3A_177 to %scan3A_179 step %scan3A_180  : i32 {
        %mul3A_205 = arith.constant 1 : i32
        %mul3A_206 = arith.muli %scan3A_204, %mul3A_205 : i32
        %add3A_207 = arith.constant 0 : i32
        %add3A_208 = arith.addi %add3A_207, %mul3A_206 : i32
        %mul3A_209 = arith.constant 16 : i32
        %mul3A_210 = arith.muli %add3A_208, %mul3A_209 : i32
        %get3A_211 = arith.index_cast %add3A_176 : i32 to index
        %get3A_212 = arith.index_cast %mul3A_210 : i32 to index
        %get3A_213 = tpu.vector_load %arg5[%get3A_211, %get3A_212] {strides = array<i32>} : memref<320x128xf32, #tpu.memory_space<vmem>>, vector<1x16xf32>,
        %get3A_214 = vector.shape_cast %get3A_213 : vector<1x16xf32> to vector<16xf32>
        %mul3A_215 = arith.constant 16 : i32
        %mul3A_216 = arith.muli %add3A_208, %mul3A_215 : i32
        %get3A_217 = arith.index_cast %squeeze3A_172 : i32 to index
        %get3A_218 = arith.index_cast %mul3A_216 : i32 to index
        %get3A_219 = tpu.vector_load %arg6[%get3A_217, %get3A_218] {strides = array<i32>} : memref<128x128xf32, #tpu.memory_space<vmem>>, vector<1x16xf32>,
        %get3A_220 = vector.shape_cast %get3A_219 : vector<1x16xf32> to vector<16xf32>
        %max3A = arith.maximumf %get3A_220, %get3A_214 : vector<16xf32>
        %mul3A_221 = arith.constant 16 : i32
        %mul3A_222 = arith.muli %add3A_208, %mul3A_221 : i32
        %swap3A = arith.index_cast %squeeze3A_172 : i32 to index
        %swap3A_223 = arith.index_cast %mul3A_222 : i32 to index
        %swap3A_224 = tpu.vector_load %arg6[%swap3A, %swap3A_223] {strides = array<i32>} : memref<128x128xf32, #tpu.memory_space<vmem>>, vector<1x16xf32>,
        %swap3A_225 = vector.shape_cast %swap3A_224 : vector<1x16xf32> to vector<16xf32>
        %swap3A_226 = vector.shape_cast %max3A : vector<16xf32> to vector<1x16xf32>
        tpu.vector_store %arg6[%swap3A, %swap3A_223], %swap3A_226 {strides = array<i32>} : memref<128x128xf32, #tpu.memory_space<vmem>>, vector<1x16xf32>,
      }
      %scan3A_181 = arith.constant 8 : i32
      %slice3A_182 = vector.extract_strided_slice %get3A_29 {offsets = [14], sizes = [1], strides = [1]} : vector<16xi32> to vector<1xi32>
      %squeeze3A_183 = vector.extract %slice3A_182[0] : i32 from vector<1xi32>
      %mul3A_184 = arith.constant 16 : i32
      %mul3A_185 = arith.muli %add3A_25, %mul3A_184 : i32
      %add3A_186 = arith.constant 14 : i32
      %add3A_187 = arith.addi %mul3A_185, %add3A_186 : i32
      %scan3A_188 = arith.constant 0 : i32
      %scan3A_189 = arith.constant 8 : i32
      %scan3A_190 = arith.addi %scan3A_188, %scan3A_189 : i32
      %scan3A_191 = arith.constant 1 : i32
      scf.for %scan3A_204 = %scan3A_188 to %scan3A_190 step %scan3A_191  : i32 {
        %mul3A_205 = arith.constant 1 : i32
        %mul3A_206 = arith.muli %scan3A_204, %mul3A_205 : i32
        %add3A_207 = arith.constant 0 : i32
        %add3A_208 = arith.addi %add3A_207, %mul3A_206 : i32
        %mul3A_209 = arith.constant 16 : i32
        %mul3A_210 = arith.muli %add3A_208, %mul3A_209 : i32
        %get3A_211 = arith.index_cast %add3A_187 : i32 to index
        %get3A_212 = arith.index_cast %mul3A_210 : i32 to index
        %get3A_213 = tpu.vector_load %arg5[%get3A_211, %get3A_212] {strides = array<i32>} : memref<320x128xf32, #tpu.memory_space<vmem>>, vector<1x16xf32>,
        %get3A_214 = vector.shape_cast %get3A_213 : vector<1x16xf32> to vector<16xf32>
        %mul3A_215 = arith.constant 16 : i32
        %mul3A_216 = arith.muli %add3A_208, %mul3A_215 : i32
        %get3A_217 = arith.index_cast %squeeze3A_183 : i32 to index
        %get3A_218 = arith.index_cast %mul3A_216 : i32 to index
        %get3A_219 = tpu.vector_load %arg6[%get3A_217, %get3A_218] {strides = array<i32>} : memref<128x128xf32, #tpu.memory_space<vmem>>, vector<1x16xf32>,
        %get3A_220 = vector.shape_cast %get3A_219 : vector<1x16xf32> to vector<16xf32>
        %max3A = arith.maximumf %get3A_220, %get3A_214 : vector<16xf32>
        %mul3A_221 = arith.constant 16 : i32
        %mul3A_222 = arith.muli %add3A_208, %mul3A_221 : i32
        %swap3A = arith.index_cast %squeeze3A_183 : i32 to index
        %swap3A_223 = arith.index_cast %mul3A_222 : i32 to index
        %swap3A_224 = tpu.vector_load %arg6[%swap3A, %swap3A_223] {strides = array<i32>} : memref<128x128xf32, #tpu.memory_space<vmem>>, vector<1x16xf32>,
        %swap3A_225 = vector.shape_cast %swap3A_224 : vector<1x16xf32> to vector<16xf32>
        %swap3A_226 = vector.shape_cast %max3A : vector<16xf32> to vector<1x16xf32>
        tpu.vector_store %arg6[%swap3A, %swap3A_223], %swap3A_226 {strides = array<i32>} : memref<128x128xf32, #tpu.memory_space<vmem>>, vector<1x16xf32>,
      }
      %scan3A_192 = arith.constant 8 : i32
      %slice3A_193 = vector.extract_strided_slice %get3A_29 {offsets = [15], sizes = [1], strides = [1]} : vector<16xi32> to vector<1xi32>
      %squeeze3A_194 = vector.extract %slice3A_193[0] : i32 from vector<1xi32>
      %mul3A_195 = arith.constant 16 : i32
      %mul3A_196 = arith.muli %add3A_25, %mul3A_195 : i32
      %add3A_197 = arith.constant 15 : i32
      %add3A_198 = arith.addi %mul3A_196, %add3A_197 : i32
      %scan3A_199 = arith.constant 0 : i32
      %scan3A_200 = arith.constant 8 : i32
      %scan3A_201 = arith.addi %scan3A_199, %scan3A_200 : i32
      %scan3A_202 = arith.constant 1 : i32
      scf.for %scan3A_204 = %scan3A_199 to %scan3A_201 step %scan3A_202  : i32 {
        %mul3A_205 = arith.constant 1 : i32
        %mul3A_206 = arith.muli %scan3A_204, %mul3A_205 : i32
        %add3A_207 = arith.constant 0 : i32
        %add3A_208 = arith.addi %add3A_207, %mul3A_206 : i32
        %mul3A_209 = arith.constant 16 : i32
        %mul3A_210 = arith.muli %add3A_208, %mul3A_209 : i32
        %get3A_211 = arith.index_cast %add3A_198 : i32 to index
        %get3A_212 = arith.index_cast %mul3A_210 : i32 to index
        %get3A_213 = tpu.vector_load %arg5[%get3A_211, %get3A_212] {strides = array<i32>} : memref<320x128xf32, #tpu.memory_space<vmem>>, vector<1x16xf32>,
        %get3A_214 = vector.shape_cast %get3A_213 : vector<1x16xf32> to vector<16xf32>
        %mul3A_215 = arith.constant 16 : i32
        %mul3A_216 = arith.muli %add3A_208, %mul3A_215 : i32
        %get3A_217 = arith.index_cast %squeeze3A_194 : i32 to index
        %get3A_218 = arith.index_cast %mul3A_216 : i32 to index
        %get3A_219 = tpu.vector_load %arg6[%get3A_217, %get3A_218] {strides = array<i32>} : memref<128x128xf32, #tpu.memory_space<vmem>>, vector<1x16xf32>,
        %get3A_220 = vector.shape_cast %get3A_219 : vector<1x16xf32> to vector<16xf32>
        %max3A = arith.maximumf %get3A_220, %get3A_214 : vector<16xf32>
        %mul3A_221 = arith.constant 16 : i32
        %mul3A_222 = arith.muli %add3A_208, %mul3A_221 : i32
        %swap3A = arith.index_cast %squeeze3A_194 : i32 to index
        %swap3A_223 = arith.index_cast %mul3A_222 : i32 to index
        %swap3A_224 = tpu.vector_load %arg6[%swap3A, %swap3A_223] {strides = array<i32>} : memref<128x128xf32, #tpu.memory_space<vmem>>, vector<1x16xf32>,
        %swap3A_225 = vector.shape_cast %swap3A_224 : vector<1x16xf32> to vector<16xf32>
        %swap3A_226 = vector.shape_cast %max3A : vector<16xf32> to vector<1x16xf32>
        tpu.vector_store %arg6[%swap3A, %swap3A_223], %swap3A_226 {strides = array<i32>} : memref<128x128xf32, #tpu.memory_space<vmem>>, vector<1x16xf32>,
      }
      %scan3A_203 = arith.constant 8 : i32
    }
    %scan3A_18 = arith.constant 20 : i32
    %eq3A = arith.constant 31 : i32
    %eq3A_19 = arith.cmpi eq, %add3A, %eq3A : i32
    %convert_element_type3A = arith.extui %eq3A_19 : i1 to i32
    %cond3A = arith.constant 0 : i32
    %cond3A_20 = arith.cmpi ne, %convert_element_type3A, %cond3A : i32
    scf.if %cond3A_20 {
      "tpu.region"() ({
        %run_scoped3A = tpu.sem_alloc : memref<!tpu.dma_semaphore, #tpu.memory_space<semaphore_mem>>
        %dma_start3A = arith.constant 0 : i32
        %dma_start3A_205 = arith.constant 0 : i32
        %dma_start3A_206 = tpu.memref_slice %arg5[%dma_start3A, %dma_start3A_205] : memref<320x128xf32, #tpu.memory_space<vmem>> -> memref<16x128xf32, #tpu.memory_space<vmem>>
        %dma_start3A_207 = arith.constant 9984 : i32
        %dma_start3A_208 = arith.constant 0 : i32
        %dma_start3A_209 = tpu.memref_slice %arg2[%dma_start3A_207, %dma_start3A_208] : memref<10000x128xf32, #tpu.memory_space<hbm>> -> memref<16x128xf32, #tpu.memory_space<hbm>>
        %dma_start3A_210 = arith.constant 0 : i32
        %dma_start3A_211 = arith.constant 0 : i32
        %dma_start3A_212 = tpu.memref_slice %arg5[%dma_start3A_210, %dma_start3A_211] : memref<320x128xf32, #tpu.memory_space<vmem>> -> memref<16x128xf32, #tpu.memory_space<vmem>>
        %dma_start3A_213 = arith.constant 9984 : i32
        %dma_start3A_214 = arith.constant 0 : i32
        %dma_start3A_215 = tpu.memref_slice %arg2[%dma_start3A_213, %dma_start3A_214] : memref<10000x128xf32, #tpu.memory_space<hbm>> -> memref<16x128xf32, #tpu.memory_space<hbm>>
        tpu.enqueue_dma source(%dma_start3A_215 : memref<16x128xf32, #tpu.memory_space<hbm>>) target(%dma_start3A_212 : memref<16x128xf32, #tpu.memory_space<vmem>>) target_semaphore(%run_scoped3A : memref<!tpu.dma_semaphore, #tpu.memory_space<semaphore_mem>>)
        %dma_wait3A = arith.constant 0 : i32
        %dma_wait3A_216 = arith.constant 0 : i32
        %dma_wait3A_217 = tpu.memref_slice %arg5[%dma_wait3A, %dma_wait3A_216] : memref<320x128xf32, #tpu.memory_space<vmem>> -> memref<16x128xf32, #tpu.memory_space<vmem>>
        %dma_wait3A_218 = arith.constant 9984 : i32
        %dma_wait3A_219 = arith.constant 0 : i32
        %dma_wait3A_220 = tpu.memref_slice %arg2[%dma_wait3A_218, %dma_wait3A_219] : memref<10000x128xf32, #tpu.memory_space<hbm>> -> memref<16x128xf32, #tpu.memory_space<hbm>>
        %dma_wait3A_221 = arith.constant 0 : i32
        %dma_wait3A_222 = arith.constant 0 : i32
        %dma_wait3A_223 = tpu.memref_slice %arg5[%dma_wait3A_221, %dma_wait3A_222] : memref<320x128xf32, #tpu.memory_space<vmem>> -> memref<16x128xf32, #tpu.memory_space<vmem>>
        %dma_wait3A_224 = arith.constant 9984 : i32
        %dma_wait3A_225 = arith.constant 0 : i32
        %dma_wait3A_226 = tpu.memref_slice %arg2[%dma_wait3A_224, %dma_wait3A_225] : memref<10000x128xf32, #tpu.memory_space<hbm>> -> memref<16x128xf32, #tpu.memory_space<hbm>>
        tpu.wait_dma2 semaphore(%run_scoped3A : memref<!tpu.dma_semaphore, #tpu.memory_space<semaphore_mem>>) src(%dma_wait3A_226 : memref<16x128xf32, #tpu.memory_space<hbm>>) dst(%dma_wait3A_223 : memref<16x128xf32, #tpu.memory_space<vmem>>)
        tpu.yield
      }) : () -> ()
      "tpu.region"() ({
        %run_scoped3A = tpu.sem_alloc : memref<!tpu.dma_semaphore, #tpu.memory_space<semaphore_mem>>
        %dma_start3A = arith.constant 0 : i32
        %dma_start3A_205 = tpu.memref_slice %arg7[%dma_start3A] : memref<320xi32, #tpu.memory_space<vmem>> -> memref<16xi32, #tpu.memory_space<vmem>>
        %dma_start3A_206 = arith.constant 9984 : i32
        %dma_start3A_207 = tpu.memref_slice %arg3[%dma_start3A_206] : memref<10000xi32, #tpu.memory_space<hbm>> -> memref<16xi32, #tpu.memory_space<hbm>>
        %dma_start3A_208 = arith.constant 0 : i32
        %dma_start3A_209 = tpu.memref_slice %arg7[%dma_start3A_208] : memref<320xi32, #tpu.memory_space<vmem>> -> memref<16xi32, #tpu.memory_space<vmem>>
        %dma_start3A_210 = arith.constant 9984 : i32
        %dma_start3A_211 = tpu.memref_slice %arg3[%dma_start3A_210] : memref<10000xi32, #tpu.memory_space<hbm>> -> memref<16xi32, #tpu.memory_space<hbm>>
        tpu.enqueue_dma source(%dma_start3A_211 : memref<16xi32, #tpu.memory_space<hbm>>) target(%dma_start3A_209 : memref<16xi32, #tpu.memory_space<vmem>>) target_semaphore(%run_scoped3A : memref<!tpu.dma_semaphore, #tpu.memory_space<semaphore_mem>>)
        %dma_wait3A = arith.constant 0 : i32
        %dma_wait3A_212 = tpu.memref_slice %arg7[%dma_wait3A] : memref<320xi32, #tpu.memory_space<vmem>> -> memref<16xi32, #tpu.memory_space<vmem>>
        %dma_wait3A_213 = arith.constant 9984 : i32
        %dma_wait3A_214 = tpu.memref_slice %arg3[%dma_wait3A_213] : memref<10000xi32, #tpu.memory_space<hbm>> -> memref<16xi32, #tpu.memory_space<hbm>>
        %dma_wait3A_215 = arith.constant 0 : i32
        %dma_wait3A_216 = tpu.memref_slice %arg7[%dma_wait3A_215] : memref<320xi32, #tpu.memory_space<vmem>> -> memref<16xi32, #tpu.memory_space<vmem>>
        %dma_wait3A_217 = arith.constant 9984 : i32
        %dma_wait3A_218 = tpu.memref_slice %arg3[%dma_wait3A_217] : memref<10000xi32, #tpu.memory_space<hbm>> -> memref<16xi32, #tpu.memory_space<hbm>>
        tpu.wait_dma2 semaphore(%run_scoped3A : memref<!tpu.dma_semaphore, #tpu.memory_space<semaphore_mem>>) src(%dma_wait3A_218 : memref<16xi32, #tpu.memory_space<hbm>>) dst(%dma_wait3A_216 : memref<16xi32, #tpu.memory_space<vmem>>)
        tpu.yield
      }) : () -> ()
      %scan3A_21 = arith.constant 0 : i32
      %mul3A_22 = arith.constant 1 : i32
      %mul3A_23 = arith.muli %scan3A_21, %mul3A_22 : i32
      %add3A_24 = arith.constant 0 : i32
      %add3A_25 = arith.addi %add3A_24, %mul3A_23 : i32
      %mul3A_26 = arith.constant 16 : i32
      %mul3A_27 = arith.muli %add3A_25, %mul3A_26 : i32
      %get3A = arith.index_cast %mul3A_27 : i32 to index
      %get3A_28 = tpu.vector_load %arg7[%get3A] {strides = array<i32>} : memref<320xi32, #tpu.memory_space<vmem>>, vector<16xi32>,
      %get3A_29 = vector.shape_cast %get3A_28 : vector<16xi32> to vector<16xi32>
      %slice3A = vector.extract_strided_slice %get3A_29 {offsets = [0], sizes = [1], strides = [1]} : vector<16xi32> to vector<1xi32>
      %squeeze3A = vector.extract %slice3A[0] : i32 from vector<1xi32>
      %mul3A_30 = arith.constant 16 : i32
      %mul3A_31 = arith.muli %add3A_25, %mul3A_30 : i32
      %add3A_32 = arith.constant 0 : i32
      %add3A_33 = arith.addi %mul3A_31, %add3A_32 : i32
      %scan3A_34 = arith.constant 0 : i32
      %scan3A_35 = arith.constant 8 : i32
      %scan3A_36 = arith.addi %scan3A_34, %scan3A_35 : i32
      %scan3A_37 = arith.constant 1 : i32
      scf.for %scan3A_205 = %scan3A_34 to %scan3A_36 step %scan3A_37  : i32 {
        %mul3A_206 = arith.constant 1 : i32
        %mul3A_207 = arith.muli %scan3A_205, %mul3A_206 : i32
        %add3A_208 = arith.constant 0 : i32
        %add3A_209 = arith.addi %add3A_208, %mul3A_207 : i32
        %mul3A_210 = arith.constant 16 : i32
        %mul3A_211 = arith.muli %add3A_209, %mul3A_210 : i32
        %get3A_212 = arith.index_cast %add3A_33 : i32 to index
        %get3A_213 = arith.index_cast %mul3A_211 : i32 to index
        %get3A_214 = tpu.vector_load %arg5[%get3A_212, %get3A_213] {strides = array<i32>} : memref<320x128xf32, #tpu.memory_space<vmem>>, vector<1x16xf32>,
        %get3A_215 = vector.shape_cast %get3A_214 : vector<1x16xf32> to vector<16xf32>
        %mul3A_216 = arith.constant 16 : i32
        %mul3A_217 = arith.muli %add3A_209, %mul3A_216 : i32
        %get3A_218 = arith.index_cast %squeeze3A : i32 to index
        %get3A_219 = arith.index_cast %mul3A_217 : i32 to index
        %get3A_220 = tpu.vector_load %arg6[%get3A_218, %get3A_219] {strides = array<i32>} : memref<128x128xf32, #tpu.memory_space<vmem>>, vector<1x16xf32>,
        %get3A_221 = vector.shape_cast %get3A_220 : vector<1x16xf32> to vector<16xf32>
        %max3A = arith.maximumf %get3A_221, %get3A_215 : vector<16xf32>
        %mul3A_222 = arith.constant 16 : i32
        %mul3A_223 = arith.muli %add3A_209, %mul3A_222 : i32
        %swap3A = arith.index_cast %squeeze3A : i32 to index
        %swap3A_224 = arith.index_cast %mul3A_223 : i32 to index
        %swap3A_225 = tpu.vector_load %arg6[%swap3A, %swap3A_224] {strides = array<i32>} : memref<128x128xf32, #tpu.memory_space<vmem>>, vector<1x16xf32>,
        %swap3A_226 = vector.shape_cast %swap3A_225 : vector<1x16xf32> to vector<16xf32>
        %swap3A_227 = vector.shape_cast %max3A : vector<16xf32> to vector<1x16xf32>
        tpu.vector_store %arg6[%swap3A, %swap3A_224], %swap3A_227 {strides = array<i32>} : memref<128x128xf32, #tpu.memory_space<vmem>>, vector<1x16xf32>,
      }
      %scan3A_38 = arith.constant 8 : i32
      %slice3A_39 = vector.extract_strided_slice %get3A_29 {offsets = [1], sizes = [1], strides = [1]} : vector<16xi32> to vector<1xi32>
      %squeeze3A_40 = vector.extract %slice3A_39[0] : i32 from vector<1xi32>
      %mul3A_41 = arith.constant 16 : i32
      %mul3A_42 = arith.muli %add3A_25, %mul3A_41 : i32
      %add3A_43 = arith.constant 1 : i32
      %add3A_44 = arith.addi %mul3A_42, %add3A_43 : i32
      %scan3A_45 = arith.constant 0 : i32
      %scan3A_46 = arith.constant 8 : i32
      %scan3A_47 = arith.addi %scan3A_45, %scan3A_46 : i32
      %scan3A_48 = arith.constant 1 : i32
      scf.for %scan3A_205 = %scan3A_45 to %scan3A_47 step %scan3A_48  : i32 {
        %mul3A_206 = arith.constant 1 : i32
        %mul3A_207 = arith.muli %scan3A_205, %mul3A_206 : i32
        %add3A_208 = arith.constant 0 : i32
        %add3A_209 = arith.addi %add3A_208, %mul3A_207 : i32
        %mul3A_210 = arith.constant 16 : i32
        %mul3A_211 = arith.muli %add3A_209, %mul3A_210 : i32
        %get3A_212 = arith.index_cast %add3A_44 : i32 to index
        %get3A_213 = arith.index_cast %mul3A_211 : i32 to index
        %get3A_214 = tpu.vector_load %arg5[%get3A_212, %get3A_213] {strides = array<i32>} : memref<320x128xf32, #tpu.memory_space<vmem>>, vector<1x16xf32>,
        %get3A_215 = vector.shape_cast %get3A_214 : vector<1x16xf32> to vector<16xf32>
        %mul3A_216 = arith.constant 16 : i32
        %mul3A_217 = arith.muli %add3A_209, %mul3A_216 : i32
        %get3A_218 = arith.index_cast %squeeze3A_40 : i32 to index
        %get3A_219 = arith.index_cast %mul3A_217 : i32 to index
        %get3A_220 = tpu.vector_load %arg6[%get3A_218, %get3A_219] {strides = array<i32>} : memref<128x128xf32, #tpu.memory_space<vmem>>, vector<1x16xf32>,
        %get3A_221 = vector.shape_cast %get3A_220 : vector<1x16xf32> to vector<16xf32>
        %max3A = arith.maximumf %get3A_221, %get3A_215 : vector<16xf32>
        %mul3A_222 = arith.constant 16 : i32
        %mul3A_223 = arith.muli %add3A_209, %mul3A_222 : i32
        %swap3A = arith.index_cast %squeeze3A_40 : i32 to index
        %swap3A_224 = arith.index_cast %mul3A_223 : i32 to index
        %swap3A_225 = tpu.vector_load %arg6[%swap3A, %swap3A_224] {strides = array<i32>} : memref<128x128xf32, #tpu.memory_space<vmem>>, vector<1x16xf32>,
        %swap3A_226 = vector.shape_cast %swap3A_225 : vector<1x16xf32> to vector<16xf32>
        %swap3A_227 = vector.shape_cast %max3A : vector<16xf32> to vector<1x16xf32>
        tpu.vector_store %arg6[%swap3A, %swap3A_224], %swap3A_227 {strides = array<i32>} : memref<128x128xf32, #tpu.memory_space<vmem>>, vector<1x16xf32>,
      }
      %scan3A_49 = arith.constant 8 : i32
      %slice3A_50 = vector.extract_strided_slice %get3A_29 {offsets = [2], sizes = [1], strides = [1]} : vector<16xi32> to vector<1xi32>
      %squeeze3A_51 = vector.extract %slice3A_50[0] : i32 from vector<1xi32>
      %mul3A_52 = arith.constant 16 : i32
      %mul3A_53 = arith.muli %add3A_25, %mul3A_52 : i32
      %add3A_54 = arith.constant 2 : i32
      %add3A_55 = arith.addi %mul3A_53, %add3A_54 : i32
      %scan3A_56 = arith.constant 0 : i32
      %scan3A_57 = arith.constant 8 : i32
      %scan3A_58 = arith.addi %scan3A_56, %scan3A_57 : i32
      %scan3A_59 = arith.constant 1 : i32
      scf.for %scan3A_205 = %scan3A_56 to %scan3A_58 step %scan3A_59  : i32 {
        %mul3A_206 = arith.constant 1 : i32
        %mul3A_207 = arith.muli %scan3A_205, %mul3A_206 : i32
        %add3A_208 = arith.constant 0 : i32
        %add3A_209 = arith.addi %add3A_208, %mul3A_207 : i32
        %mul3A_210 = arith.constant 16 : i32
        %mul3A_211 = arith.muli %add3A_209, %mul3A_210 : i32
        %get3A_212 = arith.index_cast %add3A_55 : i32 to index
        %get3A_213 = arith.index_cast %mul3A_211 : i32 to index
        %get3A_214 = tpu.vector_load %arg5[%get3A_212, %get3A_213] {strides = array<i32>} : memref<320x128xf32, #tpu.memory_space<vmem>>, vector<1x16xf32>,
        %get3A_215 = vector.shape_cast %get3A_214 : vector<1x16xf32> to vector<16xf32>
        %mul3A_216 = arith.constant 16 : i32
        %mul3A_217 = arith.muli %add3A_209, %mul3A_216 : i32
        %get3A_218 = arith.index_cast %squeeze3A_51 : i32 to index
        %get3A_219 = arith.index_cast %mul3A_217 : i32 to index
        %get3A_220 = tpu.vector_load %arg6[%get3A_218, %get3A_219] {strides = array<i32>} : memref<128x128xf32, #tpu.memory_space<vmem>>, vector<1x16xf32>,
        %get3A_221 = vector.shape_cast %get3A_220 : vector<1x16xf32> to vector<16xf32>
        %max3A = arith.maximumf %get3A_221, %get3A_215 : vector<16xf32>
        %mul3A_222 = arith.constant 16 : i32
        %mul3A_223 = arith.muli %add3A_209, %mul3A_222 : i32
        %swap3A = arith.index_cast %squeeze3A_51 : i32 to index
        %swap3A_224 = arith.index_cast %mul3A_223 : i32 to index
        %swap3A_225 = tpu.vector_load %arg6[%swap3A, %swap3A_224] {strides = array<i32>} : memref<128x128xf32, #tpu.memory_space<vmem>>, vector<1x16xf32>,
        %swap3A_226 = vector.shape_cast %swap3A_225 : vector<1x16xf32> to vector<16xf32>
        %swap3A_227 = vector.shape_cast %max3A : vector<16xf32> to vector<1x16xf32>
        tpu.vector_store %arg6[%swap3A, %swap3A_224], %swap3A_227 {strides = array<i32>} : memref<128x128xf32, #tpu.memory_space<vmem>>, vector<1x16xf32>,
      }
      %scan3A_60 = arith.constant 8 : i32
      %slice3A_61 = vector.extract_strided_slice %get3A_29 {offsets = [3], sizes = [1], strides = [1]} : vector<16xi32> to vector<1xi32>
      %squeeze3A_62 = vector.extract %slice3A_61[0] : i32 from vector<1xi32>
      %mul3A_63 = arith.constant 16 : i32
      %mul3A_64 = arith.muli %add3A_25, %mul3A_63 : i32
      %add3A_65 = arith.constant 3 : i32
      %add3A_66 = arith.addi %mul3A_64, %add3A_65 : i32
      %scan3A_67 = arith.constant 0 : i32
      %scan3A_68 = arith.constant 8 : i32
      %scan3A_69 = arith.addi %scan3A_67, %scan3A_68 : i32
      %scan3A_70 = arith.constant 1 : i32
      scf.for %scan3A_205 = %scan3A_67 to %scan3A_69 step %scan3A_70  : i32 {
        %mul3A_206 = arith.constant 1 : i32
        %mul3A_207 = arith.muli %scan3A_205, %mul3A_206 : i32
        %add3A_208 = arith.constant 0 : i32
        %add3A_209 = arith.addi %add3A_208, %mul3A_207 : i32
        %mul3A_210 = arith.constant 16 : i32
        %mul3A_211 = arith.muli %add3A_209, %mul3A_210 : i32
        %get3A_212 = arith.index_cast %add3A_66 : i32 to index
        %get3A_213 = arith.index_cast %mul3A_211 : i32 to index
        %get3A_214 = tpu.vector_load %arg5[%get3A_212, %get3A_213] {strides = array<i32>} : memref<320x128xf32, #tpu.memory_space<vmem>>, vector<1x16xf32>,
        %get3A_215 = vector.shape_cast %get3A_214 : vector<1x16xf32> to vector<16xf32>
        %mul3A_216 = arith.constant 16 : i32
        %mul3A_217 = arith.muli %add3A_209, %mul3A_216 : i32
        %get3A_218 = arith.index_cast %squeeze3A_62 : i32 to index
        %get3A_219 = arith.index_cast %mul3A_217 : i32 to index
        %get3A_220 = tpu.vector_load %arg6[%get3A_218, %get3A_219] {strides = array<i32>} : memref<128x128xf32, #tpu.memory_space<vmem>>, vector<1x16xf32>,
        %get3A_221 = vector.shape_cast %get3A_220 : vector<1x16xf32> to vector<16xf32>
        %max3A = arith.maximumf %get3A_221, %get3A_215 : vector<16xf32>
        %mul3A_222 = arith.constant 16 : i32
        %mul3A_223 = arith.muli %add3A_209, %mul3A_222 : i32
        %swap3A = arith.index_cast %squeeze3A_62 : i32 to index
        %swap3A_224 = arith.index_cast %mul3A_223 : i32 to index
        %swap3A_225 = tpu.vector_load %arg6[%swap3A, %swap3A_224] {strides = array<i32>} : memref<128x128xf32, #tpu.memory_space<vmem>>, vector<1x16xf32>,
        %swap3A_226 = vector.shape_cast %swap3A_225 : vector<1x16xf32> to vector<16xf32>
        %swap3A_227 = vector.shape_cast %max3A : vector<16xf32> to vector<1x16xf32>
        tpu.vector_store %arg6[%swap3A, %swap3A_224], %swap3A_227 {strides = array<i32>} : memref<128x128xf32, #tpu.memory_space<vmem>>, vector<1x16xf32>,
      }
      %scan3A_71 = arith.constant 8 : i32
      %slice3A_72 = vector.extract_strided_slice %get3A_29 {offsets = [4], sizes = [1], strides = [1]} : vector<16xi32> to vector<1xi32>
      %squeeze3A_73 = vector.extract %slice3A_72[0] : i32 from vector<1xi32>
      %mul3A_74 = arith.constant 16 : i32
      %mul3A_75 = arith.muli %add3A_25, %mul3A_74 : i32
      %add3A_76 = arith.constant 4 : i32
      %add3A_77 = arith.addi %mul3A_75, %add3A_76 : i32
      %scan3A_78 = arith.constant 0 : i32
      %scan3A_79 = arith.constant 8 : i32
      %scan3A_80 = arith.addi %scan3A_78, %scan3A_79 : i32
      %scan3A_81 = arith.constant 1 : i32
      scf.for %scan3A_205 = %scan3A_78 to %scan3A_80 step %scan3A_81  : i32 {
        %mul3A_206 = arith.constant 1 : i32
        %mul3A_207 = arith.muli %scan3A_205, %mul3A_206 : i32
        %add3A_208 = arith.constant 0 : i32
        %add3A_209 = arith.addi %add3A_208, %mul3A_207 : i32
        %mul3A_210 = arith.constant 16 : i32
        %mul3A_211 = arith.muli %add3A_209, %mul3A_210 : i32
        %get3A_212 = arith.index_cast %add3A_77 : i32 to index
        %get3A_213 = arith.index_cast %mul3A_211 : i32 to index
        %get3A_214 = tpu.vector_load %arg5[%get3A_212, %get3A_213] {strides = array<i32>} : memref<320x128xf32, #tpu.memory_space<vmem>>, vector<1x16xf32>,
        %get3A_215 = vector.shape_cast %get3A_214 : vector<1x16xf32> to vector<16xf32>
        %mul3A_216 = arith.constant 16 : i32
        %mul3A_217 = arith.muli %add3A_209, %mul3A_216 : i32
        %get3A_218 = arith.index_cast %squeeze3A_73 : i32 to index
        %get3A_219 = arith.index_cast %mul3A_217 : i32 to index
        %get3A_220 = tpu.vector_load %arg6[%get3A_218, %get3A_219] {strides = array<i32>} : memref<128x128xf32, #tpu.memory_space<vmem>>, vector<1x16xf32>,
        %get3A_221 = vector.shape_cast %get3A_220 : vector<1x16xf32> to vector<16xf32>
        %max3A = arith.maximumf %get3A_221, %get3A_215 : vector<16xf32>
        %mul3A_222 = arith.constant 16 : i32
        %mul3A_223 = arith.muli %add3A_209, %mul3A_222 : i32
        %swap3A = arith.index_cast %squeeze3A_73 : i32 to index
        %swap3A_224 = arith.index_cast %mul3A_223 : i32 to index
        %swap3A_225 = tpu.vector_load %arg6[%swap3A, %swap3A_224] {strides = array<i32>} : memref<128x128xf32, #tpu.memory_space<vmem>>, vector<1x16xf32>,
        %swap3A_226 = vector.shape_cast %swap3A_225 : vector<1x16xf32> to vector<16xf32>
        %swap3A_227 = vector.shape_cast %max3A : vector<16xf32> to vector<1x16xf32>
        tpu.vector_store %arg6[%swap3A, %swap3A_224], %swap3A_227 {strides = array<i32>} : memref<128x128xf32, #tpu.memory_space<vmem>>, vector<1x16xf32>,
      }
      %scan3A_82 = arith.constant 8 : i32
      %slice3A_83 = vector.extract_strided_slice %get3A_29 {offsets = [5], sizes = [1], strides = [1]} : vector<16xi32> to vector<1xi32>
      %squeeze3A_84 = vector.extract %slice3A_83[0] : i32 from vector<1xi32>
      %mul3A_85 = arith.constant 16 : i32
      %mul3A_86 = arith.muli %add3A_25, %mul3A_85 : i32
      %add3A_87 = arith.constant 5 : i32
      %add3A_88 = arith.addi %mul3A_86, %add3A_87 : i32
      %scan3A_89 = arith.constant 0 : i32
      %scan3A_90 = arith.constant 8 : i32
      %scan3A_91 = arith.addi %scan3A_89, %scan3A_90 : i32
      %scan3A_92 = arith.constant 1 : i32
      scf.for %scan3A_205 = %scan3A_89 to %scan3A_91 step %scan3A_92  : i32 {
        %mul3A_206 = arith.constant 1 : i32
        %mul3A_207 = arith.muli %scan3A_205, %mul3A_206 : i32
        %add3A_208 = arith.constant 0 : i32
        %add3A_209 = arith.addi %add3A_208, %mul3A_207 : i32
        %mul3A_210 = arith.constant 16 : i32
        %mul3A_211 = arith.muli %add3A_209, %mul3A_210 : i32
        %get3A_212 = arith.index_cast %add3A_88 : i32 to index
        %get3A_213 = arith.index_cast %mul3A_211 : i32 to index
        %get3A_214 = tpu.vector_load %arg5[%get3A_212, %get3A_213] {strides = array<i32>} : memref<320x128xf32, #tpu.memory_space<vmem>>, vector<1x16xf32>,
        %get3A_215 = vector.shape_cast %get3A_214 : vector<1x16xf32> to vector<16xf32>
        %mul3A_216 = arith.constant 16 : i32
        %mul3A_217 = arith.muli %add3A_209, %mul3A_216 : i32
        %get3A_218 = arith.index_cast %squeeze3A_84 : i32 to index
        %get3A_219 = arith.index_cast %mul3A_217 : i32 to index
        %get3A_220 = tpu.vector_load %arg6[%get3A_218, %get3A_219] {strides = array<i32>} : memref<128x128xf32, #tpu.memory_space<vmem>>, vector<1x16xf32>,
        %get3A_221 = vector.shape_cast %get3A_220 : vector<1x16xf32> to vector<16xf32>
        %max3A = arith.maximumf %get3A_221, %get3A_215 : vector<16xf32>
        %mul3A_222 = arith.constant 16 : i32
        %mul3A_223 = arith.muli %add3A_209, %mul3A_222 : i32
        %swap3A = arith.index_cast %squeeze3A_84 : i32 to index
        %swap3A_224 = arith.index_cast %mul3A_223 : i32 to index
        %swap3A_225 = tpu.vector_load %arg6[%swap3A, %swap3A_224] {strides = array<i32>} : memref<128x128xf32, #tpu.memory_space<vmem>>, vector<1x16xf32>,
        %swap3A_226 = vector.shape_cast %swap3A_225 : vector<1x16xf32> to vector<16xf32>
        %swap3A_227 = vector.shape_cast %max3A : vector<16xf32> to vector<1x16xf32>
        tpu.vector_store %arg6[%swap3A, %swap3A_224], %swap3A_227 {strides = array<i32>} : memref<128x128xf32, #tpu.memory_space<vmem>>, vector<1x16xf32>,
      }
      %scan3A_93 = arith.constant 8 : i32
      %slice3A_94 = vector.extract_strided_slice %get3A_29 {offsets = [6], sizes = [1], strides = [1]} : vector<16xi32> to vector<1xi32>
      %squeeze3A_95 = vector.extract %slice3A_94[0] : i32 from vector<1xi32>
      %mul3A_96 = arith.constant 16 : i32
      %mul3A_97 = arith.muli %add3A_25, %mul3A_96 : i32
      %add3A_98 = arith.constant 6 : i32
      %add3A_99 = arith.addi %mul3A_97, %add3A_98 : i32
      %scan3A_100 = arith.constant 0 : i32
      %scan3A_101 = arith.constant 8 : i32
      %scan3A_102 = arith.addi %scan3A_100, %scan3A_101 : i32
      %scan3A_103 = arith.constant 1 : i32
      scf.for %scan3A_205 = %scan3A_100 to %scan3A_102 step %scan3A_103  : i32 {
        %mul3A_206 = arith.constant 1 : i32
        %mul3A_207 = arith.muli %scan3A_205, %mul3A_206 : i32
        %add3A_208 = arith.constant 0 : i32
        %add3A_209 = arith.addi %add3A_208, %mul3A_207 : i32
        %mul3A_210 = arith.constant 16 : i32
        %mul3A_211 = arith.muli %add3A_209, %mul3A_210 : i32
        %get3A_212 = arith.index_cast %add3A_99 : i32 to index
        %get3A_213 = arith.index_cast %mul3A_211 : i32 to index
        %get3A_214 = tpu.vector_load %arg5[%get3A_212, %get3A_213] {strides = array<i32>} : memref<320x128xf32, #tpu.memory_space<vmem>>, vector<1x16xf32>,
        %get3A_215 = vector.shape_cast %get3A_214 : vector<1x16xf32> to vector<16xf32>
        %mul3A_216 = arith.constant 16 : i32
        %mul3A_217 = arith.muli %add3A_209, %mul3A_216 : i32
        %get3A_218 = arith.index_cast %squeeze3A_95 : i32 to index
        %get3A_219 = arith.index_cast %mul3A_217 : i32 to index
        %get3A_220 = tpu.vector_load %arg6[%get3A_218, %get3A_219] {strides = array<i32>} : memref<128x128xf32, #tpu.memory_space<vmem>>, vector<1x16xf32>,
        %get3A_221 = vector.shape_cast %get3A_220 : vector<1x16xf32> to vector<16xf32>
        %max3A = arith.maximumf %get3A_221, %get3A_215 : vector<16xf32>
        %mul3A_222 = arith.constant 16 : i32
        %mul3A_223 = arith.muli %add3A_209, %mul3A_222 : i32
        %swap3A = arith.index_cast %squeeze3A_95 : i32 to index
        %swap3A_224 = arith.index_cast %mul3A_223 : i32 to index
        %swap3A_225 = tpu.vector_load %arg6[%swap3A, %swap3A_224] {strides = array<i32>} : memref<128x128xf32, #tpu.memory_space<vmem>>, vector<1x16xf32>,
        %swap3A_226 = vector.shape_cast %swap3A_225 : vector<1x16xf32> to vector<16xf32>
        %swap3A_227 = vector.shape_cast %max3A : vector<16xf32> to vector<1x16xf32>
        tpu.vector_store %arg6[%swap3A, %swap3A_224], %swap3A_227 {strides = array<i32>} : memref<128x128xf32, #tpu.memory_space<vmem>>, vector<1x16xf32>,
      }
      %scan3A_104 = arith.constant 8 : i32
      %slice3A_105 = vector.extract_strided_slice %get3A_29 {offsets = [7], sizes = [1], strides = [1]} : vector<16xi32> to vector<1xi32>
      %squeeze3A_106 = vector.extract %slice3A_105[0] : i32 from vector<1xi32>
      %mul3A_107 = arith.constant 16 : i32
      %mul3A_108 = arith.muli %add3A_25, %mul3A_107 : i32
      %add3A_109 = arith.constant 7 : i32
      %add3A_110 = arith.addi %mul3A_108, %add3A_109 : i32
      %scan3A_111 = arith.constant 0 : i32
      %scan3A_112 = arith.constant 8 : i32
      %scan3A_113 = arith.addi %scan3A_111, %scan3A_112 : i32
      %scan3A_114 = arith.constant 1 : i32
      scf.for %scan3A_205 = %scan3A_111 to %scan3A_113 step %scan3A_114  : i32 {
        %mul3A_206 = arith.constant 1 : i32
        %mul3A_207 = arith.muli %scan3A_205, %mul3A_206 : i32
        %add3A_208 = arith.constant 0 : i32
        %add3A_209 = arith.addi %add3A_208, %mul3A_207 : i32
        %mul3A_210 = arith.constant 16 : i32
        %mul3A_211 = arith.muli %add3A_209, %mul3A_210 : i32
        %get3A_212 = arith.index_cast %add3A_110 : i32 to index
        %get3A_213 = arith.index_cast %mul3A_211 : i32 to index
        %get3A_214 = tpu.vector_load %arg5[%get3A_212, %get3A_213] {strides = array<i32>} : memref<320x128xf32, #tpu.memory_space<vmem>>, vector<1x16xf32>,
        %get3A_215 = vector.shape_cast %get3A_214 : vector<1x16xf32> to vector<16xf32>
        %mul3A_216 = arith.constant 16 : i32
        %mul3A_217 = arith.muli %add3A_209, %mul3A_216 : i32
        %get3A_218 = arith.index_cast %squeeze3A_106 : i32 to index
        %get3A_219 = arith.index_cast %mul3A_217 : i32 to index
        %get3A_220 = tpu.vector_load %arg6[%get3A_218, %get3A_219] {strides = array<i32>} : memref<128x128xf32, #tpu.memory_space<vmem>>, vector<1x16xf32>,
        %get3A_221 = vector.shape_cast %get3A_220 : vector<1x16xf32> to vector<16xf32>
        %max3A = arith.maximumf %get3A_221, %get3A_215 : vector<16xf32>
        %mul3A_222 = arith.constant 16 : i32
        %mul3A_223 = arith.muli %add3A_209, %mul3A_222 : i32
        %swap3A = arith.index_cast %squeeze3A_106 : i32 to index
        %swap3A_224 = arith.index_cast %mul3A_223 : i32 to index
        %swap3A_225 = tpu.vector_load %arg6[%swap3A, %swap3A_224] {strides = array<i32>} : memref<128x128xf32, #tpu.memory_space<vmem>>, vector<1x16xf32>,
        %swap3A_226 = vector.shape_cast %swap3A_225 : vector<1x16xf32> to vector<16xf32>
        %swap3A_227 = vector.shape_cast %max3A : vector<16xf32> to vector<1x16xf32>
        tpu.vector_store %arg6[%swap3A, %swap3A_224], %swap3A_227 {strides = array<i32>} : memref<128x128xf32, #tpu.memory_space<vmem>>, vector<1x16xf32>,
      }
      %scan3A_115 = arith.constant 8 : i32
      %slice3A_116 = vector.extract_strided_slice %get3A_29 {offsets = [8], sizes = [1], strides = [1]} : vector<16xi32> to vector<1xi32>
      %squeeze3A_117 = vector.extract %slice3A_116[0] : i32 from vector<1xi32>
      %mul3A_118 = arith.constant 16 : i32
      %mul3A_119 = arith.muli %add3A_25, %mul3A_118 : i32
      %add3A_120 = arith.constant 8 : i32
      %add3A_121 = arith.addi %mul3A_119, %add3A_120 : i32
      %scan3A_122 = arith.constant 0 : i32
      %scan3A_123 = arith.constant 8 : i32
      %scan3A_124 = arith.addi %scan3A_122, %scan3A_123 : i32
      %scan3A_125 = arith.constant 1 : i32
      scf.for %scan3A_205 = %scan3A_122 to %scan3A_124 step %scan3A_125  : i32 {
        %mul3A_206 = arith.constant 1 : i32
        %mul3A_207 = arith.muli %scan3A_205, %mul3A_206 : i32
        %add3A_208 = arith.constant 0 : i32
        %add3A_209 = arith.addi %add3A_208, %mul3A_207 : i32
        %mul3A_210 = arith.constant 16 : i32
        %mul3A_211 = arith.muli %add3A_209, %mul3A_210 : i32
        %get3A_212 = arith.index_cast %add3A_121 : i32 to index
        %get3A_213 = arith.index_cast %mul3A_211 : i32 to index
        %get3A_214 = tpu.vector_load %arg5[%get3A_212, %get3A_213] {strides = array<i32>} : memref<320x128xf32, #tpu.memory_space<vmem>>, vector<1x16xf32>,
        %get3A_215 = vector.shape_cast %get3A_214 : vector<1x16xf32> to vector<16xf32>
        %mul3A_216 = arith.constant 16 : i32
        %mul3A_217 = arith.muli %add3A_209, %mul3A_216 : i32
        %get3A_218 = arith.index_cast %squeeze3A_117 : i32 to index
        %get3A_219 = arith.index_cast %mul3A_217 : i32 to index
        %get3A_220 = tpu.vector_load %arg6[%get3A_218, %get3A_219] {strides = array<i32>} : memref<128x128xf32, #tpu.memory_space<vmem>>, vector<1x16xf32>,
        %get3A_221 = vector.shape_cast %get3A_220 : vector<1x16xf32> to vector<16xf32>
        %max3A = arith.maximumf %get3A_221, %get3A_215 : vector<16xf32>
        %mul3A_222 = arith.constant 16 : i32
        %mul3A_223 = arith.muli %add3A_209, %mul3A_222 : i32
        %swap3A = arith.index_cast %squeeze3A_117 : i32 to index
        %swap3A_224 = arith.index_cast %mul3A_223 : i32 to index
        %swap3A_225 = tpu.vector_load %arg6[%swap3A, %swap3A_224] {strides = array<i32>} : memref<128x128xf32, #tpu.memory_space<vmem>>, vector<1x16xf32>,
        %swap3A_226 = vector.shape_cast %swap3A_225 : vector<1x16xf32> to vector<16xf32>
        %swap3A_227 = vector.shape_cast %max3A : vector<16xf32> to vector<1x16xf32>
        tpu.vector_store %arg6[%swap3A, %swap3A_224], %swap3A_227 {strides = array<i32>} : memref<128x128xf32, #tpu.memory_space<vmem>>, vector<1x16xf32>,
      }
      %scan3A_126 = arith.constant 8 : i32
      %slice3A_127 = vector.extract_strided_slice %get3A_29 {offsets = [9], sizes = [1], strides = [1]} : vector<16xi32> to vector<1xi32>
      %squeeze3A_128 = vector.extract %slice3A_127[0] : i32 from vector<1xi32>
      %mul3A_129 = arith.constant 16 : i32
      %mul3A_130 = arith.muli %add3A_25, %mul3A_129 : i32
      %add3A_131 = arith.constant 9 : i32
      %add3A_132 = arith.addi %mul3A_130, %add3A_131 : i32
      %scan3A_133 = arith.constant 0 : i32
      %scan3A_134 = arith.constant 8 : i32
      %scan3A_135 = arith.addi %scan3A_133, %scan3A_134 : i32
      %scan3A_136 = arith.constant 1 : i32
      scf.for %scan3A_205 = %scan3A_133 to %scan3A_135 step %scan3A_136  : i32 {
        %mul3A_206 = arith.constant 1 : i32
        %mul3A_207 = arith.muli %scan3A_205, %mul3A_206 : i32
        %add3A_208 = arith.constant 0 : i32
        %add3A_209 = arith.addi %add3A_208, %mul3A_207 : i32
        %mul3A_210 = arith.constant 16 : i32
        %mul3A_211 = arith.muli %add3A_209, %mul3A_210 : i32
        %get3A_212 = arith.index_cast %add3A_132 : i32 to index
        %get3A_213 = arith.index_cast %mul3A_211 : i32 to index
        %get3A_214 = tpu.vector_load %arg5[%get3A_212, %get3A_213] {strides = array<i32>} : memref<320x128xf32, #tpu.memory_space<vmem>>, vector<1x16xf32>,
        %get3A_215 = vector.shape_cast %get3A_214 : vector<1x16xf32> to vector<16xf32>
        %mul3A_216 = arith.constant 16 : i32
        %mul3A_217 = arith.muli %add3A_209, %mul3A_216 : i32
        %get3A_218 = arith.index_cast %squeeze3A_128 : i32 to index
        %get3A_219 = arith.index_cast %mul3A_217 : i32 to index
        %get3A_220 = tpu.vector_load %arg6[%get3A_218, %get3A_219] {strides = array<i32>} : memref<128x128xf32, #tpu.memory_space<vmem>>, vector<1x16xf32>,
        %get3A_221 = vector.shape_cast %get3A_220 : vector<1x16xf32> to vector<16xf32>
        %max3A = arith.maximumf %get3A_221, %get3A_215 : vector<16xf32>
        %mul3A_222 = arith.constant 16 : i32
        %mul3A_223 = arith.muli %add3A_209, %mul3A_222 : i32
        %swap3A = arith.index_cast %squeeze3A_128 : i32 to index
        %swap3A_224 = arith.index_cast %mul3A_223 : i32 to index
        %swap3A_225 = tpu.vector_load %arg6[%swap3A, %swap3A_224] {strides = array<i32>} : memref<128x128xf32, #tpu.memory_space<vmem>>, vector<1x16xf32>,
        %swap3A_226 = vector.shape_cast %swap3A_225 : vector<1x16xf32> to vector<16xf32>
        %swap3A_227 = vector.shape_cast %max3A : vector<16xf32> to vector<1x16xf32>
        tpu.vector_store %arg6[%swap3A, %swap3A_224], %swap3A_227 {strides = array<i32>} : memref<128x128xf32, #tpu.memory_space<vmem>>, vector<1x16xf32>,
      }
      %scan3A_137 = arith.constant 8 : i32
      %slice3A_138 = vector.extract_strided_slice %get3A_29 {offsets = [10], sizes = [1], strides = [1]} : vector<16xi32> to vector<1xi32>
      %squeeze3A_139 = vector.extract %slice3A_138[0] : i32 from vector<1xi32>
      %mul3A_140 = arith.constant 16 : i32
      %mul3A_141 = arith.muli %add3A_25, %mul3A_140 : i32
      %add3A_142 = arith.constant 10 : i32
      %add3A_143 = arith.addi %mul3A_141, %add3A_142 : i32
      %scan3A_144 = arith.constant 0 : i32
      %scan3A_145 = arith.constant 8 : i32
      %scan3A_146 = arith.addi %scan3A_144, %scan3A_145 : i32
      %scan3A_147 = arith.constant 1 : i32
      scf.for %scan3A_205 = %scan3A_144 to %scan3A_146 step %scan3A_147  : i32 {
        %mul3A_206 = arith.constant 1 : i32
        %mul3A_207 = arith.muli %scan3A_205, %mul3A_206 : i32
        %add3A_208 = arith.constant 0 : i32
        %add3A_209 = arith.addi %add3A_208, %mul3A_207 : i32
        %mul3A_210 = arith.constant 16 : i32
        %mul3A_211 = arith.muli %add3A_209, %mul3A_210 : i32
        %get3A_212 = arith.index_cast %add3A_143 : i32 to index
        %get3A_213 = arith.index_cast %mul3A_211 : i32 to index
        %get3A_214 = tpu.vector_load %arg5[%get3A_212, %get3A_213] {strides = array<i32>} : memref<320x128xf32, #tpu.memory_space<vmem>>, vector<1x16xf32>,
        %get3A_215 = vector.shape_cast %get3A_214 : vector<1x16xf32> to vector<16xf32>
        %mul3A_216 = arith.constant 16 : i32
        %mul3A_217 = arith.muli %add3A_209, %mul3A_216 : i32
        %get3A_218 = arith.index_cast %squeeze3A_139 : i32 to index
        %get3A_219 = arith.index_cast %mul3A_217 : i32 to index
        %get3A_220 = tpu.vector_load %arg6[%get3A_218, %get3A_219] {strides = array<i32>} : memref<128x128xf32, #tpu.memory_space<vmem>>, vector<1x16xf32>,
        %get3A_221 = vector.shape_cast %get3A_220 : vector<1x16xf32> to vector<16xf32>
        %max3A = arith.maximumf %get3A_221, %get3A_215 : vector<16xf32>
        %mul3A_222 = arith.constant 16 : i32
        %mul3A_223 = arith.muli %add3A_209, %mul3A_222 : i32
        %swap3A = arith.index_cast %squeeze3A_139 : i32 to index
        %swap3A_224 = arith.index_cast %mul3A_223 : i32 to index
        %swap3A_225 = tpu.vector_load %arg6[%swap3A, %swap3A_224] {strides = array<i32>} : memref<128x128xf32, #tpu.memory_space<vmem>>, vector<1x16xf32>,
        %swap3A_226 = vector.shape_cast %swap3A_225 : vector<1x16xf32> to vector<16xf32>
        %swap3A_227 = vector.shape_cast %max3A : vector<16xf32> to vector<1x16xf32>
        tpu.vector_store %arg6[%swap3A, %swap3A_224], %swap3A_227 {strides = array<i32>} : memref<128x128xf32, #tpu.memory_space<vmem>>, vector<1x16xf32>,
      }
      %scan3A_148 = arith.constant 8 : i32
      %slice3A_149 = vector.extract_strided_slice %get3A_29 {offsets = [11], sizes = [1], strides = [1]} : vector<16xi32> to vector<1xi32>
      %squeeze3A_150 = vector.extract %slice3A_149[0] : i32 from vector<1xi32>
      %mul3A_151 = arith.constant 16 : i32
      %mul3A_152 = arith.muli %add3A_25, %mul3A_151 : i32
      %add3A_153 = arith.constant 11 : i32
      %add3A_154 = arith.addi %mul3A_152, %add3A_153 : i32
      %scan3A_155 = arith.constant 0 : i32
      %scan3A_156 = arith.constant 8 : i32
      %scan3A_157 = arith.addi %scan3A_155, %scan3A_156 : i32
      %scan3A_158 = arith.constant 1 : i32
      scf.for %scan3A_205 = %scan3A_155 to %scan3A_157 step %scan3A_158  : i32 {
        %mul3A_206 = arith.constant 1 : i32
        %mul3A_207 = arith.muli %scan3A_205, %mul3A_206 : i32
        %add3A_208 = arith.constant 0 : i32
        %add3A_209 = arith.addi %add3A_208, %mul3A_207 : i32
        %mul3A_210 = arith.constant 16 : i32
        %mul3A_211 = arith.muli %add3A_209, %mul3A_210 : i32
        %get3A_212 = arith.index_cast %add3A_154 : i32 to index
        %get3A_213 = arith.index_cast %mul3A_211 : i32 to index
        %get3A_214 = tpu.vector_load %arg5[%get3A_212, %get3A_213] {strides = array<i32>} : memref<320x128xf32, #tpu.memory_space<vmem>>, vector<1x16xf32>,
        %get3A_215 = vector.shape_cast %get3A_214 : vector<1x16xf32> to vector<16xf32>
        %mul3A_216 = arith.constant 16 : i32
        %mul3A_217 = arith.muli %add3A_209, %mul3A_216 : i32
        %get3A_218 = arith.index_cast %squeeze3A_150 : i32 to index
        %get3A_219 = arith.index_cast %mul3A_217 : i32 to index
        %get3A_220 = tpu.vector_load %arg6[%get3A_218, %get3A_219] {strides = array<i32>} : memref<128x128xf32, #tpu.memory_space<vmem>>, vector<1x16xf32>,
        %get3A_221 = vector.shape_cast %get3A_220 : vector<1x16xf32> to vector<16xf32>
        %max3A = arith.maximumf %get3A_221, %get3A_215 : vector<16xf32>
        %mul3A_222 = arith.constant 16 : i32
        %mul3A_223 = arith.muli %add3A_209, %mul3A_222 : i32
        %swap3A = arith.index_cast %squeeze3A_150 : i32 to index
        %swap3A_224 = arith.index_cast %mul3A_223 : i32 to index
        %swap3A_225 = tpu.vector_load %arg6[%swap3A, %swap3A_224] {strides = array<i32>} : memref<128x128xf32, #tpu.memory_space<vmem>>, vector<1x16xf32>,
        %swap3A_226 = vector.shape_cast %swap3A_225 : vector<1x16xf32> to vector<16xf32>
        %swap3A_227 = vector.shape_cast %max3A : vector<16xf32> to vector<1x16xf32>
        tpu.vector_store %arg6[%swap3A, %swap3A_224], %swap3A_227 {strides = array<i32>} : memref<128x128xf32, #tpu.memory_space<vmem>>, vector<1x16xf32>,
      }
      %scan3A_159 = arith.constant 8 : i32
      %slice3A_160 = vector.extract_strided_slice %get3A_29 {offsets = [12], sizes = [1], strides = [1]} : vector<16xi32> to vector<1xi32>
      %squeeze3A_161 = vector.extract %slice3A_160[0] : i32 from vector<1xi32>
      %mul3A_162 = arith.constant 16 : i32
      %mul3A_163 = arith.muli %add3A_25, %mul3A_162 : i32
      %add3A_164 = arith.constant 12 : i32
      %add3A_165 = arith.addi %mul3A_163, %add3A_164 : i32
      %scan3A_166 = arith.constant 0 : i32
      %scan3A_167 = arith.constant 8 : i32
      %scan3A_168 = arith.addi %scan3A_166, %scan3A_167 : i32
      %scan3A_169 = arith.constant 1 : i32
      scf.for %scan3A_205 = %scan3A_166 to %scan3A_168 step %scan3A_169  : i32 {
        %mul3A_206 = arith.constant 1 : i32
        %mul3A_207 = arith.muli %scan3A_205, %mul3A_206 : i32
        %add3A_208 = arith.constant 0 : i32
        %add3A_209 = arith.addi %add3A_208, %mul3A_207 : i32
        %mul3A_210 = arith.constant 16 : i32
        %mul3A_211 = arith.muli %add3A_209, %mul3A_210 : i32
        %get3A_212 = arith.index_cast %add3A_165 : i32 to index
        %get3A_213 = arith.index_cast %mul3A_211 : i32 to index
        %get3A_214 = tpu.vector_load %arg5[%get3A_212, %get3A_213] {strides = array<i32>} : memref<320x128xf32, #tpu.memory_space<vmem>>, vector<1x16xf32>,
        %get3A_215 = vector.shape_cast %get3A_214 : vector<1x16xf32> to vector<16xf32>
        %mul3A_216 = arith.constant 16 : i32
        %mul3A_217 = arith.muli %add3A_209, %mul3A_216 : i32
        %get3A_218 = arith.index_cast %squeeze3A_161 : i32 to index
        %get3A_219 = arith.index_cast %mul3A_217 : i32 to index
        %get3A_220 = tpu.vector_load %arg6[%get3A_218, %get3A_219] {strides = array<i32>} : memref<128x128xf32, #tpu.memory_space<vmem>>, vector<1x16xf32>,
        %get3A_221 = vector.shape_cast %get3A_220 : vector<1x16xf32> to vector<16xf32>
        %max3A = arith.maximumf %get3A_221, %get3A_215 : vector<16xf32>
        %mul3A_222 = arith.constant 16 : i32
        %mul3A_223 = arith.muli %add3A_209, %mul3A_222 : i32
        %swap3A = arith.index_cast %squeeze3A_161 : i32 to index
        %swap3A_224 = arith.index_cast %mul3A_223 : i32 to index
        %swap3A_225 = tpu.vector_load %arg6[%swap3A, %swap3A_224] {strides = array<i32>} : memref<128x128xf32, #tpu.memory_space<vmem>>, vector<1x16xf32>,
        %swap3A_226 = vector.shape_cast %swap3A_225 : vector<1x16xf32> to vector<16xf32>
        %swap3A_227 = vector.shape_cast %max3A : vector<16xf32> to vector<1x16xf32>
        tpu.vector_store %arg6[%swap3A, %swap3A_224], %swap3A_227 {strides = array<i32>} : memref<128x128xf32, #tpu.memory_space<vmem>>, vector<1x16xf32>,
      }
      %scan3A_170 = arith.constant 8 : i32
      %slice3A_171 = vector.extract_strided_slice %get3A_29 {offsets = [13], sizes = [1], strides = [1]} : vector<16xi32> to vector<1xi32>
      %squeeze3A_172 = vector.extract %slice3A_171[0] : i32 from vector<1xi32>
      %mul3A_173 = arith.constant 16 : i32
      %mul3A_174 = arith.muli %add3A_25, %mul3A_173 : i32
      %add3A_175 = arith.constant 13 : i32
      %add3A_176 = arith.addi %mul3A_174, %add3A_175 : i32
      %scan3A_177 = arith.constant 0 : i32
      %scan3A_178 = arith.constant 8 : i32
      %scan3A_179 = arith.addi %scan3A_177, %scan3A_178 : i32
      %scan3A_180 = arith.constant 1 : i32
      scf.for %scan3A_205 = %scan3A_177 to %scan3A_179 step %scan3A_180  : i32 {
        %mul3A_206 = arith.constant 1 : i32
        %mul3A_207 = arith.muli %scan3A_205, %mul3A_206 : i32
        %add3A_208 = arith.constant 0 : i32
        %add3A_209 = arith.addi %add3A_208, %mul3A_207 : i32
        %mul3A_210 = arith.constant 16 : i32
        %mul3A_211 = arith.muli %add3A_209, %mul3A_210 : i32
        %get3A_212 = arith.index_cast %add3A_176 : i32 to index
        %get3A_213 = arith.index_cast %mul3A_211 : i32 to index
        %get3A_214 = tpu.vector_load %arg5[%get3A_212, %get3A_213] {strides = array<i32>} : memref<320x128xf32, #tpu.memory_space<vmem>>, vector<1x16xf32>,
        %get3A_215 = vector.shape_cast %get3A_214 : vector<1x16xf32> to vector<16xf32>
        %mul3A_216 = arith.constant 16 : i32
        %mul3A_217 = arith.muli %add3A_209, %mul3A_216 : i32
        %get3A_218 = arith.index_cast %squeeze3A_172 : i32 to index
        %get3A_219 = arith.index_cast %mul3A_217 : i32 to index
        %get3A_220 = tpu.vector_load %arg6[%get3A_218, %get3A_219] {strides = array<i32>} : memref<128x128xf32, #tpu.memory_space<vmem>>, vector<1x16xf32>,
        %get3A_221 = vector.shape_cast %get3A_220 : vector<1x16xf32> to vector<16xf32>
        %max3A = arith.maximumf %get3A_221, %get3A_215 : vector<16xf32>
        %mul3A_222 = arith.constant 16 : i32
        %mul3A_223 = arith.muli %add3A_209, %mul3A_222 : i32
        %swap3A = arith.index_cast %squeeze3A_172 : i32 to index
        %swap3A_224 = arith.index_cast %mul3A_223 : i32 to index
        %swap3A_225 = tpu.vector_load %arg6[%swap3A, %swap3A_224] {strides = array<i32>} : memref<128x128xf32, #tpu.memory_space<vmem>>, vector<1x16xf32>,
        %swap3A_226 = vector.shape_cast %swap3A_225 : vector<1x16xf32> to vector<16xf32>
        %swap3A_227 = vector.shape_cast %max3A : vector<16xf32> to vector<1x16xf32>
        tpu.vector_store %arg6[%swap3A, %swap3A_224], %swap3A_227 {strides = array<i32>} : memref<128x128xf32, #tpu.memory_space<vmem>>, vector<1x16xf32>,
      }
      %scan3A_181 = arith.constant 8 : i32
      %slice3A_182 = vector.extract_strided_slice %get3A_29 {offsets = [14], sizes = [1], strides = [1]} : vector<16xi32> to vector<1xi32>
      %squeeze3A_183 = vector.extract %slice3A_182[0] : i32 from vector<1xi32>
      %mul3A_184 = arith.constant 16 : i32
      %mul3A_185 = arith.muli %add3A_25, %mul3A_184 : i32
      %add3A_186 = arith.constant 14 : i32
      %add3A_187 = arith.addi %mul3A_185, %add3A_186 : i32
      %scan3A_188 = arith.constant 0 : i32
      %scan3A_189 = arith.constant 8 : i32
      %scan3A_190 = arith.addi %scan3A_188, %scan3A_189 : i32
      %scan3A_191 = arith.constant 1 : i32
      scf.for %scan3A_205 = %scan3A_188 to %scan3A_190 step %scan3A_191  : i32 {
        %mul3A_206 = arith.constant 1 : i32
        %mul3A_207 = arith.muli %scan3A_205, %mul3A_206 : i32
        %add3A_208 = arith.constant 0 : i32
        %add3A_209 = arith.addi %add3A_208, %mul3A_207 : i32
        %mul3A_210 = arith.constant 16 : i32
        %mul3A_211 = arith.muli %add3A_209, %mul3A_210 : i32
        %get3A_212 = arith.index_cast %add3A_187 : i32 to index
        %get3A_213 = arith.index_cast %mul3A_211 : i32 to index
        %get3A_214 = tpu.vector_load %arg5[%get3A_212, %get3A_213] {strides = array<i32>} : memref<320x128xf32, #tpu.memory_space<vmem>>, vector<1x16xf32>,
        %get3A_215 = vector.shape_cast %get3A_214 : vector<1x16xf32> to vector<16xf32>
        %mul3A_216 = arith.constant 16 : i32
        %mul3A_217 = arith.muli %add3A_209, %mul3A_216 : i32
        %get3A_218 = arith.index_cast %squeeze3A_183 : i32 to index
        %get3A_219 = arith.index_cast %mul3A_217 : i32 to index
        %get3A_220 = tpu.vector_load %arg6[%get3A_218, %get3A_219] {strides = array<i32>} : memref<128x128xf32, #tpu.memory_space<vmem>>, vector<1x16xf32>,
        %get3A_221 = vector.shape_cast %get3A_220 : vector<1x16xf32> to vector<16xf32>
        %max3A = arith.maximumf %get3A_221, %get3A_215 : vector<16xf32>
        %mul3A_222 = arith.constant 16 : i32
        %mul3A_223 = arith.muli %add3A_209, %mul3A_222 : i32
        %swap3A = arith.index_cast %squeeze3A_183 : i32 to index
        %swap3A_224 = arith.index_cast %mul3A_223 : i32 to index
        %swap3A_225 = tpu.vector_load %arg6[%swap3A, %swap3A_224] {strides = array<i32>} : memref<128x128xf32, #tpu.memory_space<vmem>>, vector<1x16xf32>,
        %swap3A_226 = vector.shape_cast %swap3A_225 : vector<1x16xf32> to vector<16xf32>
        %swap3A_227 = vector.shape_cast %max3A : vector<16xf32> to vector<1x16xf32>
        tpu.vector_store %arg6[%swap3A, %swap3A_224], %swap3A_227 {strides = array<i32>} : memref<128x128xf32, #tpu.memory_space<vmem>>, vector<1x16xf32>,
      }
      %scan3A_192 = arith.constant 8 : i32
      %slice3A_193 = vector.extract_strided_slice %get3A_29 {offsets = [15], sizes = [1], strides = [1]} : vector<16xi32> to vector<1xi32>
      %squeeze3A_194 = vector.extract %slice3A_193[0] : i32 from vector<1xi32>
      %mul3A_195 = arith.constant 16 : i32
      %mul3A_196 = arith.muli %add3A_25, %mul3A_195 : i32
      %add3A_197 = arith.constant 15 : i32
      %add3A_198 = arith.addi %mul3A_196, %add3A_197 : i32
      %scan3A_199 = arith.constant 0 : i32
      %scan3A_200 = arith.constant 8 : i32
      %scan3A_201 = arith.addi %scan3A_199, %scan3A_200 : i32
      %scan3A_202 = arith.constant 1 : i32
      scf.for %scan3A_205 = %scan3A_199 to %scan3A_201 step %scan3A_202  : i32 {
        %mul3A_206 = arith.constant 1 : i32
        %mul3A_207 = arith.muli %scan3A_205, %mul3A_206 : i32
        %add3A_208 = arith.constant 0 : i32
        %add3A_209 = arith.addi %add3A_208, %mul3A_207 : i32
        %mul3A_210 = arith.constant 16 : i32
        %mul3A_211 = arith.muli %add3A_209, %mul3A_210 : i32
        %get3A_212 = arith.index_cast %add3A_198 : i32 to index
        %get3A_213 = arith.index_cast %mul3A_211 : i32 to index
        %get3A_214 = tpu.vector_load %arg5[%get3A_212, %get3A_213] {strides = array<i32>} : memref<320x128xf32, #tpu.memory_space<vmem>>, vector<1x16xf32>,
        %get3A_215 = vector.shape_cast %get3A_214 : vector<1x16xf32> to vector<16xf32>
        %mul3A_216 = arith.constant 16 : i32
        %mul3A_217 = arith.muli %add3A_209, %mul3A_216 : i32
        %get3A_218 = arith.index_cast %squeeze3A_194 : i32 to index
        %get3A_219 = arith.index_cast %mul3A_217 : i32 to index
        %get3A_220 = tpu.vector_load %arg6[%get3A_218, %get3A_219] {strides = array<i32>} : memref<128x128xf32, #tpu.memory_space<vmem>>, vector<1x16xf32>,
        %get3A_221 = vector.shape_cast %get3A_220 : vector<1x16xf32> to vector<16xf32>
        %max3A = arith.maximumf %get3A_221, %get3A_215 : vector<16xf32>
        %mul3A_222 = arith.constant 16 : i32
        %mul3A_223 = arith.muli %add3A_209, %mul3A_222 : i32
        %swap3A = arith.index_cast %squeeze3A_194 : i32 to index
        %swap3A_224 = arith.index_cast %mul3A_223 : i32 to index
        %swap3A_225 = tpu.vector_load %arg6[%swap3A, %swap3A_224] {strides = array<i32>} : memref<128x128xf32, #tpu.memory_space<vmem>>, vector<1x16xf32>,
        %swap3A_226 = vector.shape_cast %swap3A_225 : vector<1x16xf32> to vector<16xf32>
        %swap3A_227 = vector.shape_cast %max3A : vector<16xf32> to vector<1x16xf32>
        tpu.vector_store %arg6[%swap3A, %swap3A_224], %swap3A_227 {strides = array<i32>} : memref<128x128xf32, #tpu.memory_space<vmem>>, vector<1x16xf32>,
      }
      %scan3A_203 = arith.constant 8 : i32
      %scan3A_204 = arith.constant 1 : i32
    } else {
    }
    "tpu.region"() ({
      %run_scoped3A = tpu.sem_alloc : memref<!tpu.dma_semaphore, #tpu.memory_space<semaphore_mem>>
      %dma_start3A = arith.constant 0 : i32
      %dma_start3A_21 = arith.constant 0 : i32
      %dma_start3A_22 = tpu.memref_slice %arg4[%add3A, %dma_start3A, %dma_start3A_21] : memref<32x128x128xf32, #tpu.memory_space<hbm>> -> memref<1x128x128xf32, #tpu.memory_space<hbm>>
      %dma_start3A_23 = tpu.memref_squeeze %dma_start3A_22 : memref<1x128x128xf32, #tpu.memory_space<hbm>> -> memref<128x128xf32, #tpu.memory_space<hbm>>
      %dma_start3A_24 = arith.constant 0 : i32
      %dma_start3A_25 = arith.constant 0 : i32
      %dma_start3A_26 = tpu.memref_slice %arg4[%add3A, %dma_start3A_24, %dma_start3A_25] : memref<32x128x128xf32, #tpu.memory_space<hbm>> -> memref<1x128x128xf32, #tpu.memory_space<hbm>>
      %dma_start3A_27 = tpu.memref_squeeze %dma_start3A_26 : memref<1x128x128xf32, #tpu.memory_space<hbm>> -> memref<128x128xf32, #tpu.memory_space<hbm>>
      tpu.enqueue_dma source(%arg6 : memref<128x128xf32, #tpu.memory_space<vmem>>) target(%dma_start3A_27 : memref<128x128xf32, #tpu.memory_space<hbm>>) target_semaphore(%run_scoped3A : memref<!tpu.dma_semaphore, #tpu.memory_space<semaphore_mem>>)
      %dma_wait3A = arith.constant 0 : i32
      %dma_wait3A_28 = arith.constant 0 : i32
      %dma_wait3A_29 = tpu.memref_slice %arg4[%add3A, %dma_wait3A, %dma_wait3A_28] : memref<32x128x128xf32, #tpu.memory_space<hbm>> -> memref<1x128x128xf32, #tpu.memory_space<hbm>>
      %dma_wait3A_30 = tpu.memref_squeeze %dma_wait3A_29 : memref<1x128x128xf32, #tpu.memory_space<hbm>> -> memref<128x128xf32, #tpu.memory_space<hbm>>
      %dma_wait3A_31 = arith.constant 0 : i32
      %dma_wait3A_32 = arith.constant 0 : i32
      %dma_wait3A_33 = tpu.memref_slice %arg4[%add3A, %dma_wait3A_31, %dma_wait3A_32] : memref<32x128x128xf32, #tpu.memory_space<hbm>> -> memref<1x128x128xf32, #tpu.memory_space<hbm>>
      %dma_wait3A_34 = tpu.memref_squeeze %dma_wait3A_33 : memref<1x128x128xf32, #tpu.memory_space<hbm>> -> memref<128x128xf32, #tpu.memory_space<hbm>>
      tpu.wait_dma2 semaphore(%run_scoped3A : memref<!tpu.dma_semaphore, #tpu.memory_space<semaphore_mem>>) src(%arg6 : memref<128x128xf32, #tpu.memory_space<vmem>>) dst(%dma_wait3A_34 : memref<128x128xf32, #tpu.memory_space<hbm>>)
      tpu.yield
    }) : () -> ()
    return
  }
}

module attributes {stable_mosaic.version = 14 : i64} {
  func.func @body(%arg0: memref<32x128x128xf32, #tpu.memory_space<vmem>>, %arg1: memref<1x10000xi32, #tpu.memory_space<vmem>>, %arg2: memref<10000x128xf32, #tpu.memory_space<vmem>>, %arg3: memref<128x128xf32, #tpu.memory_space<vmem>>, %arg4: memref<1x128xf32, #tpu.memory_space<vmem>>, %arg5: memref<128x256xf32, #tpu.memory_space<vmem>>, %arg6: memref<1x128xf32, #tpu.memory_space<vmem>>, %arg7: memref<2x128xf32, #tpu.memory_space<vmem>>, %arg8: memref<1x2xf32, #tpu.memory_space<vmem>>, %arg9: memref<128x2xf32, #tpu.memory_space<vmem>>) attributes {dimension_semantics = [], scalar_prefetch = 0 : i64, scratch_operands = 0 : i64, tpu.core_type = #tpu.core_type<tc>} {
    %get3A = arith.constant 0 : index
    %get3A_0 = arith.constant 0 : index
    %get3A_1 = arith.constant 0 : index
    %get3A_2 = vector.load %arg0[%get3A, %get3A_0, %get3A_1] : memref<32x128x128xf32, #tpu.memory_space<vmem>>, vector<32x128x128xf32>
    %reduce_max3A = arith.constant dense<0xFF800000> : vector<128x128xf32>
    %reduce_max3A_3 = vector.multi_reduction <maximumf>, %get3A_2, %reduce_max3A [0] : vector<32x128x128xf32> to vector<128x128xf32>
    %get3A_4 = arith.constant 0 : index
    %get3A_5 = arith.constant 0 : index
    %get3A_6 = vector.load %arg1[%get3A_4, %get3A_5] : memref<1x10000xi32, #tpu.memory_space<vmem>>, vector<1x10000xi32>
    %iota3A = tpu.iota {dimensions = array<i32: 0>} : vector<128x1xi32>
    %lt3A = vector.broadcast %get3A_6 : vector<1x10000xi32> to vector<128x10000xi32>
    %lt3A_7 = vector.broadcast %iota3A : vector<128x1xi32> to vector<128x10000xi32>
    %lt3A_8 = arith.cmpi slt, %lt3A, %lt3A_7 : vector<128x10000xi32>
    %convert_element_type3A = arith.extui %lt3A_8 : vector<128x10000xi1> to vector<128x10000xi32>
    %reduce_sum3A = arith.constant dense<0> : vector<128xi32>
    %reduce_sum3A_9 = vector.multi_reduction <add>, %convert_element_type3A, %reduce_sum3A [1] : vector<128x10000xi32> to vector<128xi32>
    %broadcast_in_dim3A = vector.shape_cast %reduce_sum3A_9 : vector<128xi32> to vector<128x1xi32>
    %jit3A = arith.constant 0 : i32
    %jit3A_10 = arith.constant 9999 : i32
    %max3A = vector.broadcast %jit3A : i32 to vector<128x1xi32>
    %max3A_11 = arith.maxsi %max3A, %broadcast_in_dim3A : vector<128x1xi32>
    %min3A = vector.broadcast %jit3A_10 : i32 to vector<128x1xi32>
    %min3A_12 = arith.minsi %min3A, %max3A_11 : vector<128x1xi32>
    %iota3A_13 = tpu.iota {dimensions = array<i32: 1>} : vector<128x10000xi32>
    %eq3A = vector.broadcast %min3A_12 : vector<128x1xi32> to vector<128x10000xi32>
    %eq3A_14 = arith.cmpi eq, %iota3A_13, %eq3A : vector<128x10000xi32>
    %convert_element_type3A_15 = arith.extui %eq3A_14 : vector<128x10000xi1> to vector<128x10000xi32>
    %convert_element_type3A_16 = arith.sitofp %convert_element_type3A_15 : vector<128x10000xi32> to vector<128x10000xf32>
    %get3A_17 = arith.constant 0 : index
    %get3A_18 = arith.constant 0 : index
    %get3A_19 = vector.load %arg2[%get3A_17, %get3A_18] : memref<10000x128xf32, #tpu.memory_space<vmem>>, vector<10000x128xf32>
    %dot_general3A = arith.constant dense<0.000000e+00> : vector<128x128xf32>
    %dot_general3A_20 = tpu.matmul %convert_element_type3A_16, %get3A_19, %dot_general3A {dimension_numbers = #tpu.dot_dimension_numbers<[1], [0], [0], [1], [0, 0, 1, 1], [], []>, transpose_lhs_hint = false} : vector<128x10000xf32>, vector<10000x128xf32>, vector<128x128xf32> -> vector<128x128xf32>
    %get3A_21 = arith.constant 0 : index
    %get3A_22 = arith.constant 0 : index
    %get3A_23 = vector.load %arg3[%get3A_21, %get3A_22] : memref<128x128xf32, #tpu.memory_space<vmem>>, vector<128x128xf32>
    %dot_general3A_24 = arith.constant dense<0.000000e+00> : vector<128x128xf32>
    %dot_general3A_25 = tpu.matmul %dot_general3A_20, %get3A_23, %dot_general3A_24 {dimension_numbers = #tpu.dot_dimension_numbers<[1], [1], [0], [0], [0, 0, 1, 0], [], []>, transpose_lhs_hint = false} : vector<128x128xf32>, vector<128x128xf32>, vector<128x128xf32> -> vector<128x128xf32>
    %get3A_26 = arith.constant 0 : index
    %get3A_27 = arith.constant 0 : index
    %get3A_28 = vector.load %arg4[%get3A_26, %get3A_27] : memref<1x128xf32, #tpu.memory_space<vmem>>, vector<1x128xf32>
    %add3A = vector.broadcast %get3A_28 : vector<1x128xf32> to vector<128x128xf32>
    %add3A_29 = arith.addf %dot_general3A_25, %add3A : vector<128x128xf32>
    %max3A_30 = arith.constant 0.000000e+00 : f32
    %max3A_31 = vector.broadcast %max3A_30 : f32 to vector<128x128xf32>
    %max3A_32 = arith.maximumf %add3A_29, %max3A_31 : vector<128x128xf32>
    %concatenate3A = tpu.concatenate %max3A_32, %reduce_max3A_3 in 1 : vector<128x128xf32>, vector<128x128xf32> -> vector<128x256xf32>
    %get3A_33 = arith.constant 0 : index
    %get3A_34 = arith.constant 0 : index
    %get3A_35 = vector.load %arg5[%get3A_33, %get3A_34] : memref<128x256xf32, #tpu.memory_space<vmem>>, vector<128x256xf32>
    %dot_general3A_36 = arith.constant dense<0.000000e+00> : vector<128x128xf32>
    %dot_general3A_37 = tpu.matmul %concatenate3A, %get3A_35, %dot_general3A_36 {dimension_numbers = #tpu.dot_dimension_numbers<[1], [1], [0], [0], [0, 0, 1, 0], [], []>, transpose_lhs_hint = false} : vector<128x256xf32>, vector<128x256xf32>, vector<128x128xf32> -> vector<128x128xf32>
    %get3A_38 = arith.constant 0 : index
    %get3A_39 = arith.constant 0 : index
    %get3A_40 = vector.load %arg6[%get3A_38, %get3A_39] : memref<1x128xf32, #tpu.memory_space<vmem>>, vector<1x128xf32>
    %add3A_41 = vector.broadcast %get3A_40 : vector<1x128xf32> to vector<128x128xf32>
    %add3A_42 = arith.addf %dot_general3A_37, %add3A_41 : vector<128x128xf32>
    %max3A_43 = arith.constant 0.000000e+00 : f32
    %max3A_44 = vector.broadcast %max3A_43 : f32 to vector<128x128xf32>
    %max3A_45 = arith.maximumf %add3A_42, %max3A_44 : vector<128x128xf32>
    %get3A_46 = arith.constant 0 : index
    %get3A_47 = arith.constant 0 : index
    %get3A_48 = vector.load %arg7[%get3A_46, %get3A_47] : memref<2x128xf32, #tpu.memory_space<vmem>>, vector<2x128xf32>
    %dot_general3A_49 = arith.constant dense<0.000000e+00> : vector<128x2xf32>
    %dot_general3A_50 = tpu.matmul %max3A_45, %get3A_48, %dot_general3A_49 {dimension_numbers = #tpu.dot_dimension_numbers<[1], [1], [0], [0], [0, 0, 1, 0], [], []>, transpose_lhs_hint = false} : vector<128x128xf32>, vector<2x128xf32>, vector<128x2xf32> -> vector<128x2xf32>
    %get3A_51 = arith.constant 0 : index
    %get3A_52 = arith.constant 0 : index
    %get3A_53 = vector.load %arg8[%get3A_51, %get3A_52] : memref<1x2xf32, #tpu.memory_space<vmem>>, vector<1x2xf32>
    %add3A_54 = vector.broadcast %get3A_53 : vector<1x2xf32> to vector<128x2xf32>
    %add3A_55 = arith.addf %dot_general3A_50, %add3A_54 : vector<128x2xf32>
    %reduce_max3A_56 = arith.constant dense<0xFF800000> : vector<128xf32>
    %reduce_max3A_57 = vector.multi_reduction <maximumf>, %add3A_55, %reduce_max3A_56 [1] : vector<128x2xf32> to vector<128xf32>
    %broadcast_in_dim3A_58 = vector.shape_cast %reduce_max3A_57 : vector<128xf32> to vector<128x1xf32>
    %sub3A = vector.broadcast %broadcast_in_dim3A_58 : vector<128x1xf32> to vector<128x2xf32>
    %sub3A_59 = arith.subf %add3A_55, %sub3A : vector<128x2xf32>
    %exp3A = math.exp %sub3A_59 : vector<128x2xf32>
    %reduce_sum3A_60 = arith.constant dense<0.000000e+00> : vector<128xf32>
    %reduce_sum3A_61 = vector.multi_reduction <add>, %exp3A, %reduce_sum3A_60 [1] : vector<128x2xf32> to vector<128xf32>
    %broadcast_in_dim3A_62 = vector.shape_cast %reduce_sum3A_61 : vector<128xf32> to vector<128x1xf32>
    %log3A = math.log %broadcast_in_dim3A_62 : vector<128x1xf32>
    %sub3A_63 = vector.broadcast %log3A : vector<128x1xf32> to vector<128x2xf32>
    %sub3A_64 = arith.subf %sub3A_59, %sub3A_63 : vector<128x2xf32>
    %swap3A = arith.constant 0 : index
    %swap3A_65 = arith.constant 0 : index
    %swap3A_66 = vector.load %arg9[%swap3A, %swap3A_65] : memref<128x2xf32, #tpu.memory_space<vmem>>, vector<128x2xf32>
    tpu.vector_store %arg9[%swap3A, %swap3A_65], %sub3A_64 {strides = array<i32>} : memref<128x2xf32, #tpu.memory_space<vmem>>, vector<128x2xf32>,
    return
  }
}

module attributes {stable_mosaic.version = 14 : i64} {
  func.func @body(%arg0: i32, %arg1: memref<1000x128xf32, #tpu.memory_space<vmem>>, %arg2: memref<2x1000x128xf32, #tpu.memory_space<vmem>>, %arg3: memref<1000x32xf32, #tpu.memory_space<vmem>>, %arg4: memref<128x128xf32, #tpu.memory_space<vmem>>, %arg5: memref<1x128xf32, #tpu.memory_space<vmem>>, %arg6: memref<128x128xf32, #tpu.memory_space<vmem>>, %arg7: memref<1000x128xf32, #tpu.memory_space<vmem>>) attributes {dimension_semantics = [#tpu.dimension_semantics<arbitrary>], iteration_bounds = array<i64: 10>, scalar_prefetch = 0 : i64, scratch_operands = 0 : i64, tpu.core_type = #tpu.core_type<tc>, window_params = [{transform_indices = @transform_0, window_bounds = array<i64: 1000, 128>}, {transform_indices = @transform_1, window_bounds = array<i64: 2, 1000, 128>}, {transform_indices = @transform_2, window_bounds = array<i64: 1000, 32>}, {pipeline_mode = #tpu.pipeline_mode<synchronous>, transform_indices = @transform_3, window_bounds = array<i64: 128, 128>}, {pipeline_mode = #tpu.pipeline_mode<synchronous>, transform_indices = @transform_4, window_bounds = array<i64: 1, 128>}, {pipeline_mode = #tpu.pipeline_mode<synchronous>, transform_indices = @transform_5, window_bounds = array<i64: 128, 128>}, {transform_indices = @transform_6, window_bounds = array<i64: 1000, 128>}]} {
    %get3A = arith.constant 0 : index
    %get3A_0 = arith.constant 0 : index
    %get3A_1 = arith.constant 0 : index
    %get3A_2 = vector.load %arg2[%get3A, %get3A_0, %get3A_1] : memref<2x1000x128xf32, #tpu.memory_space<vmem>>, vector<1x1000x128xf32>
    %get3A_3 = vector.shape_cast %get3A_2 : vector<1x1000x128xf32> to vector<1000x128xf32>
    %get3A_4 = arith.constant 1 : index
    %get3A_5 = arith.constant 0 : index
    %get3A_6 = arith.constant 0 : index
    %get3A_7 = vector.load %arg2[%get3A_4, %get3A_5, %get3A_6] : memref<2x1000x128xf32, #tpu.memory_space<vmem>>, vector<1x1000x128xf32>
    %get3A_8 = vector.shape_cast %get3A_7 : vector<1x1000x128xf32> to vector<1000x128xf32>
    %add3A = arith.addf %get3A_3, %get3A_8 : vector<1000x128xf32>
    %get3A_9 = arith.constant 0 : index
    %get3A_10 = arith.constant 0 : index
    %get3A_11 = vector.load %arg3[%get3A_9, %get3A_10] : memref<1000x32xf32, #tpu.memory_space<vmem>>, vector<1000x32xf32>
    %reduce_sum3A = arith.constant dense<0.000000e+00> : vector<1000xf32>
    %reduce_sum3A_12 = vector.multi_reduction <add>, %get3A_11, %reduce_sum3A [1] : vector<1000x32xf32> to vector<1000xf32>
    %broadcast_in_dim3A = vector.shape_cast %reduce_sum3A_12 : vector<1000xf32> to vector<1000x1xf32>
    %jit3A = arith.constant 1.000000e+00 : f32
    %max3A = vector.broadcast %jit3A : f32 to vector<1000x1xf32>
    %max3A_13 = arith.maximumf %max3A, %broadcast_in_dim3A : vector<1000x1xf32>
    %div3A = vector.broadcast %max3A_13 : vector<1000x1xf32> to vector<1000x128xf32>
    %div3A_14 = arith.divf %add3A, %div3A : vector<1000x128xf32>
    %get3A_15 = arith.constant 0 : index
    %get3A_16 = arith.constant 0 : index
    %get3A_17 = vector.load %arg4[%get3A_15, %get3A_16] : memref<128x128xf32, #tpu.memory_space<vmem>>, vector<128x128xf32>
    %dot_general3A = arith.constant dense<0.000000e+00> : vector<1000x128xf32>
    %dot_general3A_18 = tpu.matmul %div3A_14, %get3A_17, %dot_general3A {dimension_numbers = #tpu.dot_dimension_numbers<[1], [1], [0], [0], [0, 0, 1, 0], [], []>, transpose_lhs_hint = false} : vector<1000x128xf32>, vector<128x128xf32>, vector<1000x128xf32> -> vector<1000x128xf32>
    %get3A_19 = arith.constant 0 : index
    %get3A_20 = arith.constant 0 : index
    %get3A_21 = vector.load %arg5[%get3A_19, %get3A_20] : memref<1x128xf32, #tpu.memory_space<vmem>>, vector<1x128xf32>
    %add3A_22 = vector.broadcast %get3A_21 : vector<1x128xf32> to vector<1000x128xf32>
    %add3A_23 = arith.addf %dot_general3A_18, %add3A_22 : vector<1000x128xf32>
    %get3A_24 = arith.constant 0 : index
    %get3A_25 = arith.constant 0 : index
    %get3A_26 = vector.load %arg1[%get3A_24, %get3A_25] : memref<1000x128xf32, #tpu.memory_space<vmem>>, vector<1000x128xf32>
    %get3A_27 = arith.constant 0 : index
    %get3A_28 = arith.constant 0 : index
    %get3A_29 = vector.load %arg6[%get3A_27, %get3A_28] : memref<128x128xf32, #tpu.memory_space<vmem>>, vector<128x128xf32>
    %dot_general3A_30 = arith.constant dense<0.000000e+00> : vector<1000x128xf32>
    %dot_general3A_31 = tpu.matmul %get3A_26, %get3A_29, %dot_general3A_30 {dimension_numbers = #tpu.dot_dimension_numbers<[1], [1], [0], [0], [0, 0, 1, 0], [], []>, transpose_lhs_hint = false} : vector<1000x128xf32>, vector<128x128xf32>, vector<1000x128xf32> -> vector<1000x128xf32>
    %add3A_32 = arith.addf %add3A_23, %dot_general3A_31 : vector<1000x128xf32>
    %max3A_33 = arith.constant 0.000000e+00 : f32
    %max3A_34 = vector.broadcast %max3A_33 : f32 to vector<1000x128xf32>
    %max3A_35 = arith.maximumf %add3A_32, %max3A_34 : vector<1000x128xf32>
    %swap3A = arith.constant 0 : index
    %swap3A_36 = arith.constant 0 : index
    %swap3A_37 = vector.load %arg7[%swap3A, %swap3A_36] : memref<1000x128xf32, #tpu.memory_space<vmem>>, vector<1000x128xf32>
    tpu.vector_store %arg7[%swap3A, %swap3A_36], %max3A_35 {strides = array<i32>} : memref<1000x128xf32, #tpu.memory_space<vmem>>, vector<1000x128xf32>,
    return
  }
  func.func @transform_0(%arg0: i32) -> (i32, i32) {
    %c0_i32 = arith.constant 0 : i32
    %c0_i32_0 = arith.constant 0 : i32
    return %arg0, %c0_i32 : i32, i32
  }
  func.func @transform_1(%arg0: i32) -> (i32, i32, i32) {
    %c0_i32 = arith.constant 0 : i32
    %c0_i32_0 = arith.constant 0 : i32
    %c0_i32_1 = arith.constant 0 : i32
    return %c0_i32, %arg0, %c0_i32_0 : i32, i32, i32
  }
  func.func @transform_2(%arg0: i32) -> (i32, i32) {
    %c0_i32 = arith.constant 0 : i32
    %c0_i32_0 = arith.constant 0 : i32
    return %arg0, %c0_i32 : i32, i32
  }
  func.func @transform_3(%arg0: i32) -> (i32, i32) {
    %c0_i32 = arith.constant 0 : i32
    %c0_i32_0 = arith.constant 0 : i32
    %c0_i32_1 = arith.constant 0 : i32
    return %c0_i32, %c0_i32_0 : i32, i32
  }
  func.func @transform_4(%arg0: i32) -> (i32, i32) {
    %c0_i32 = arith.constant 0 : i32
    %c0_i32_0 = arith.constant 0 : i32
    %c0_i32_1 = arith.constant 0 : i32
    return %c0_i32, %c0_i32_0 : i32, i32
  }
  func.func @transform_5(%arg0: i32) -> (i32, i32) {
    %c0_i32 = arith.constant 0 : i32
    %c0_i32_0 = arith.constant 0 : i32
    %c0_i32_1 = arith.constant 0 : i32
    return %c0_i32, %c0_i32_0 : i32, i32
  }
  func.func @transform_6(%arg0: i32) -> (i32, i32) {
    %c0_i32 = arith.constant 0 : i32
    %c0_i32_0 = arith.constant 0 : i32
    return %arg0, %c0_i32 : i32, i32
  }
}

</mosaic_0001>

<sc_bundles>
// kernel: kernel.6.cloned.1.call-start
scs
__scs_entry_jumppad:
0x0: {  	(pc) =	sbr.rel $0x88, $3  }
0x1: {  	(tag) =	ssettag $0x0;
	lr =	simm.s32 $0x1  }
0x2: {  	[smem:$0x3F95] =	sst lr;
	_ =	strace $0xD0000000  }
0x3: {  	_ = 	snop  }
0x4: {  	_ = 	snop  }
0x5: {  	_ = 	snop  }
0x6: {  	_ = 	snop  }
0x7: {  	_ = 	snop  }
__scs_overlays_trampoline_lowered:
0x8: {  	[smem:$0x3FA4] =	sst s0  }
0x9: {  	[smem:$0x3FA5] =	sst s1  }
0xa: {  	[smem:$0x3FA6] =	sst s2  }
0xb: {  	[smem:$0x3FA7] =	sst s3  }
0xc: {  	[smem:$0x3FA8] =	sst s4  }
0xd: {  	[smem:$0x3FA9] =	sst s5  }
0xe: {  	[smem:$0x3FAA] =	sst s6  }
0xf: {  	[smem:$0x3FAB] =	sst s7  }
0x10: {  	[smem:$0x3FAC] =	sst s8  }
0x11: {  	[smem:$0x3FAD] =	sst s9;
	s0 =	simm.s32 @!p0 $0x0  }
0x12: {  	s1 =	sld [smem:$0x3F93];
	s0 =	simm.s32 @p0 $0x1  }
0x13: {  	[smem:$0x3FAE] =	sst s0;
	s0 =	simm.s32 @!p1 $0x0  }
0x14: {  	s2 =	sld [smem:$0x3F92];
	s0 =	simm.s32 @p1 $0x1  }
0x15: {  	[smem:$0x3FAF] =	sst s0;
	s0 =	simm.s32 @!p2 $0x0  }
0x16: {  	s3 =	sld [smem:$0x3FDB];
	s0 =	simm.s32 @p2 $0x1  }
0x17: {  	s4 =	simm.s32 $0x1BF5;
	[smem:$0x3FB1] =	sst s0  }
0x18: {  	s0 =	sld [smem:$0x3F94];
	_ =	swait.ge [sflag:s4], $0x0  }
0x19: {  	s7 =	sld [smem:$0x3F95]  }
0x1a: {  	s8 =	sadd.s32 $0xFFFFE003, lr  }
0x1b: {  	s9 =	sadd.s32 $0xFFFFFEF7, lr;
	s5 =	simm.s32 $0xFFFFFFFF;
	p2 =	slt.u32 s8, $0xFFFFF086  }
0x1c: {  	p1 =	slt.u32 s9, $0xF7A;
	s5 =	simm.s32 @!p2 $0x0  }
0x1d: {  	s5 =	simm.s32 @p1 $0x1;
	p0 =	seq.s32 s7, s2  }
0x1e: {  	s7 =	smul.u32 @!p0 $0xF7A, s2;
	p2 =	seq.s32 @!p0 s5, $0x0  }
0x1f: {  	s9 =	smul.u32 $0xF7A, s1;
	s8 =	simm.s32 @!p0 $0x1BF5;
	p2 =	por !p2, p0  }
0x20: {  	[sflag:s8] =	ssyncset.s32 @!p0 $0xFFFFF086;
	s6 =	sadd.s32 @!p0 s3, s7;
	s7 =	simm.s32 @!p0 $0x108  }
0x21: {  	s3 =	sadd.s32 s3, s9;
	s6 =	sadd.s32 @!p0 $0x88, s6;
	s7 =	simm.s32 @p2 $0x1082  }
0x22: {  	[simem:s7], [sflag:s8] =	dma.local @!p0 [hbm:s6], $0xF7A  }
0x23: {  	s9 =	sor.u32 $0xD0000000, s2;
	s6 =	simm.s32 $0x108;
	_ =	swait.ge @!p0 [sflag:s8], $0x0  }
0x24: {  	s3 =	sadd.s32 $0x88, s3;
	s6 =	simm.s32 @!p1 $0x1082;
	[sflag:s4] =	ssyncset.s32 $0xFFFFF086  }
0x25: {  	[simem:s6], [sflag:s4] =	dma.local [hbm:s3], $0xF7A  }
0x26: {  	[smem:$0x3F95] =	sst s1;
	(tag) =	ssettag s2;
	_ =	strace s9  }
0x27: {  	s1 =	sld [smem:$0x3FA5]  }
0x28: {  	s2 =	sld [smem:$0x3FA6]  }
0x29: {  	s4 =	sld [smem:$0x3FA8]  }
0x2a: {  	p0 =	seq.s32 s5, $0x0;
	s5 =	sld [smem:$0x3FA9]  }
0x2b: {  	s6 =	sld [smem:$0x3FAA]  }
0x2c: {  	s7 =	sld [smem:$0x3FAB]  }
0x2d: {  	s3 =	simm.s32 $0x108;
	s8 =	sld [smem:$0x3FAC]  }
0x2e: {  	s3 =	simm.s32 @!p0 $0x1082;
	s9 =	sld [smem:$0x3FAD]  }
0x2f: {  	lr =	sadd.s32 s0, s3;
	s0 =	sld [smem:$0x3FA4]  }
0x30: {  	s3 =	sld [smem:$0x3FA7]  }
0x31: {  	[smem:$0x3FB0] =	sst s10  }
0x32: {  	s10 =	sld [smem:$0x3FAE];
	_ =	sdelay $0x3  }
0x33: {  	p0 =	seq.s32 s10, $0x1;
	s10 =	sld [smem:$0x3FB0];
	_ =	sdelay $0x3  }
0x34: {  	[smem:$0x3FB0] =	sst s10  }
0x35: {  	s10 =	sld [smem:$0x3FAF];
	_ =	sdelay $0x3  }
0x36: {  	p1 =	seq.s32 s10, $0x1;
	s10 =	sld [smem:$0x3FB0];
	_ =	sdelay $0x3  }
0x37: {  	[smem:$0x3FB0] =	sst s10  }
0x38: {  	s10 =	sld [smem:$0x3FB1]  }
0x39: {  	_ = 	snop;
	(pc) =	sbr.ind lr, $3  }
0x3a: {  	_ = 	snop  }
0x3b: {  	_ = 	snop  }
0x3c: {  	p2 =	seq.s32 s10, $0x1;
	s10 =	sld [smem:$0x3FB0]  }
0x3d: {  	_ =	shalt  }
0x3e: {  	_ =	shalt  }
0x3f: {  	_ =	shalt  }
0x40: {  	_ =	shalt  }
0x41: {  	_ =	shalt  }
0x42: {  	_ =	shalt  }
0x43: {  	_ =	shalt  }
0x44: {  	_ =	shalt  }
0x45: {  	_ =	shalt  }
0x46: {  	_ =	shalt  }
0x47: {  	_ =	shalt  }
0x48: {  	_ =	shalt  }
0x49: {  	_ =	shalt  }
0x4a: {  	_ =	shalt  }
0x4b: {  	_ =	shalt  }
0x4c: {  	_ =	shalt  }
0x4d: {  	_ =	shalt  }
0x4e: {  	_ =	shalt  }
0x4f: {  	_ =	shalt  }
0x50: {  	_ =	shalt  }
0x51: {  	_ =	shalt  }
0x52: {  	_ =	shalt  }
0x53: {  	_ =	shalt  }
0x54: {  	_ =	shalt  }
0x55: {  	_ =	shalt  }
0x56: {  	_ =	shalt  }
0x57: {  	_ =	shalt  }
0x58: {  	_ =	shalt  }
0x59: {  	_ =	shalt  }
0x5a: {  	_ =	shalt  }
0x5b: {  	_ =	shalt  }
0x5c: {  	_ =	shalt  }
0x5d: {  	_ =	shalt  }
0x5e: {  	_ =	shalt  }
0x5f: {  	_ =	shalt  }
0x60: {  	_ =	shalt  }
0x61: {  	_ =	shalt  }
0x62: {  	_ =	shalt  }
0x63: {  	_ =	shalt  }
0x64: {  	_ =	shalt  }
0x65: {  	_ =	shalt  }
0x66: {  	_ =	shalt  }
0x67: {  	_ =	shalt  }
0x68: {  	_ =	shalt  }
0x69: {  	_ =	shalt  }
0x6a: {  	_ =	shalt  }
0x6b: {  	_ =	shalt  }
0x6c: {  	_ =	shalt  }
0x6d: {  	_ =	shalt  }
0x6e: {  	_ =	shalt  }
0x6f: {  	_ =	shalt  }
0x70: {  	_ =	shalt  }
0x71: {  	_ =	shalt  }
0x72: {  	_ =	shalt  }
0x73: {  	_ =	shalt  }
0x74: {  	_ =	shalt  }
0x75: {  	_ =	shalt  }
0x76: {  	_ =	shalt  }
0x77: {  	_ =	shalt  }
0x78: {  	_ =	shalt  }
0x79: {  	_ =	shalt  }
0x7a: {  	_ =	shalt  }
0x7b: {  	_ =	shalt  }
0x7c: {  	_ =	shalt  }
0x7d: {  	_ =	shalt  }
0x7e: {  	_ =	shalt  }
0x7f: {  	_ =	shalt  }
0x80: {  	_ =	shalt  }
0x81: {  	_ =	shalt  }
0x82: {  	_ =	shalt  }
0x83: {  	_ =	shalt  }
0x84: {  	_ =	shalt  }
0x85: {  	_ =	shalt  }
0x86: {  	_ =	shalt  }
0x87: {  	_ =	shalt  }
.Lfunc_end0:
.L_simem_size_0:
called_computation_lowered:
.L_overlay_start_0:
0x88: {  	s2 =	sld [smem:$0x3FD9]  }
0x89: {  	s3 =	sld [smem:$0x3FFE];
	_ =	sdelay $0x1  }
0x8a: {  	s1 =	srdreg.scid  }
0x8b: {  	s0 =	sand.u32 $0x1, s1  }
0x8c: {  	s17 =	sshll.u32 s0, $0xA;
	s2 =	sadd.s32 s3, s2  }
0x8d: {  	s2 =	sadd.s32 s2, s17  }
0x8e: {  	[smem:$0x3FBC] =	sst s2  }
0x8f: {  	_ = 	snop  }
0x90: {  	s2 =	sld [smem:$0x3FC9];
	(tm) =	ssettm $0x1  }
0x91: {  	s18 =	sld [smem:$0x3FFB];
	_ =	sdelay $0x3  }
0x92: {  	_ =	strace s18  }
0x93: {  	s3 =	sld [smem:$0x3FFC];
	_ =	sdelay $0x3  }
0x94: {  	_ =	strace s3  }
0x95: {  	s3 =	sld [smem:$0x3FFD];
	_ =	sdelay $0x3  }
0x96: {  	_ =	strace s3  }
0x97: {  	_ =	strace $0x8FFFFFFF  }
0x98: {  	s19 =	sld [smem:$0x3FDB];
	_ =	sdelay $0x1  }
0x99: {  	s4 =	simm.s32 $_scs_section_size  }
0x9a: {  	s5 =	simm.s32 $_size__tile_overlayer_lowered;
	s6 =	simm.s32 $_tile_overlayer_lowered  }
0x9b: {  	s22 =	simm.s32 $0x1BFF;
	s21 =	sshll.u32 s6, $0x1;
	s3 =	sadd.s32 s4, s19  }
0x9c: {  	s7 =	simm.s32 $0x0;
	s20 =	sshll.u32 s5, $0x1;
	s5 =	sadd.s32 s21, s3  }
0x9d: {  	[timem:s7], [sflag:s22] =	dma.local [hbm:s5], s20  }
0x9e: {  	_ =	swait.ge [sflag:s22], s20  }
0x9f: {  	s4 =	ssub.s32 $0x0, s20;
	[sflag:s22] =	ssyncset.done $0x0  }
0xa0: {  	[sflag:s22] =	ssyncadd.s32 s4;
	_ =	sdelay $0x1  }
0xa1: {  	s23 =	simm.s32 $0x1B8B  }
0xa2: {  	_ =	swait.ge [sflag:s23], $0x1  }
0xa3: {  	[sflag:s23] =	ssyncset.done $0x0  }
0xa4: {  	s25 =	simm.s32 $0x1B8E;
	s24 =	sld [smem:$0x3FFE];
	[sflag:s23] =	ssyncadd.s32 $0xFFFFFFFF  }
0xa5: {  	s26 =	simm.s32 $execute0_lowered;
	[smem:$0x3FD2] =	sst s25  }
0xa6: {  	s5 =	sshll.u32 s26, $0x1;
	_ =	strace $0x80000046;
	[dreg:$0x1] =	wrdreg $0xFFFFFFFF  }
0xa7: {  	s28 =	simm.s32 $_size_execute0_lowered;
	s3 =	sadd.s32 s3, s5;
	[dreg:$0x0] =	wrdreg $0x0  }
0xa8: {  	s5 =	sshll.u32 s28, $0x1;
	[dreg:$0x2] =	wrdreg s3  }
0xa9: {  	[dreg:$0x3] =	wrdreg s5  }
0xaa: {  	[dreg:$0x4] =	wrdreg $0xC0  }
0xab: {  	_ =	task [dreg:s7], $0x5FFFF  }
0xac: {  	[dreg:$0x1] =	wrdreg $0xFFFFFFFF  }
0xad: {  	[dreg:$0x0] =	wrdreg $0x60  }
0xae: {  	[dreg:$0x2] =	wrdreg s2  }
0xaf: {  	[dreg:$0x3] =	wrdreg s24  }
0xb0: {  	[dreg:$0x4] =	wrdreg $0xB8800  }
0xb1: {  	[dreg:$0x5] =	wrdreg $0x9  }
0xb2: {  	_ =	task.clear_ibuf [dreg:s7], $0x6FFFF;
	_ =	strace $0x90000046  }
0xb3: {  	s29 =	simm.s32 $0x9;
	_ =	strace $0x80000048  }
0xb4: {  	_ =	swait.ge [sflag:s29], $0x1  }
0xb5: {  	[sflag:s29] =	ssyncadd.s32 $0xFFFFFFFF  }
0xb6: {  	_ =	strace $0x90000048  }
0xb7: {  	_ =	sfence  }
0xb8: {  	s30 =	sld [smem:$0x0];
	_ =	sdelay $0x2  }
0xb9: {  	s31 =	sshll.u32 s1, $0xD;
	s1 =	sshrl.u32 s1, $0x2  }
0xba: {  	s3 =	sand.u32 $0x4000, s31;
	s1 =	sadd.s32 s1, s30  }
0xbb: {  	s0 =	sor.u32 s3, s0;
	s1 =	sshll.u32 s1, $0x11  }
0xbc: {  	s0 =	sor.u32 s1, s0  }
0xbd: {  	s0 =	sadd.s32 $0x8F2B, s0  }
0xbe: {  	[sflag:s0] =	ssyncadd.remote.s32 $0x1  }
0xbf: {  	_ =	sfence.sel $0xFFFF  }
0xc0: {  	[dreg:$0x0] =	wrdreg $0xFFFFFFFF;
	(pc) =	sbr.abs _section_cstart, $3  }
0xc1: {  	[dreg:$0x1] =	wrdreg $0xFFFFFFFF  }
0xc2: {  	_ =	task.clear_ibuf [dreg:s7], $0x2FFFF;
	_ =	strace $0x9FFFFFFF  }
0xc3: {  	(tm) =	ssettm $0x7FFFFFFF  }
tec
execute0_lowered:
.L_overlay_start_1:
0x0: {  	(tag) =	ssettag $0x1  }
0x1: {  	s2 =	rddreg [dreg:$0x0]  }
0x2: {  	s0 =	rddreg [dreg:$0x1]  }
0x3: {  	s3 =	rddreg [dreg:$0x2]  }
0x4: {  	s17 =	stileid.u32;
	s5 =	srdreg.scid  }
0x5: {  	s4 =	simm.s32 $0x0;
	s1 =	sshll.u32 s17, $0xB;
	s5 =	sand.u32 $0x1, s5  }
0x6: {  	s6 =	sshrl.u32 s17, $0x2;
	s7 =	sshll.u32 s17, $0x8;
	s10 =	smul.u32 $0x13800, s17  }
0x7: {  	s11 =	sadd.s32 $0x26600, s0;
	s16 =	smul.u32 $0x2710, s17;
	[smem:$0x7FF] =	sst s4  }
0x8: {  	s1 =	sadd.s32 s1, s0;
	s6 =	smul.u32 $0x13C00, s6;
	s8 =	sshll.u32 s5, $0x7  }
0x9: {  	s7 =	sand.u32 $0x300, s7;
	s9 =	ssub.s32 $0x2, s5;
	s13 =	smul.u32 $0x27100, s5  }
0xa: {  	s15 =	smul.u32 $0x138800, s5;
	s5 =	sshll.u32 s5, $0xF;
	s7 =	sor.u32 s8, s7  }
0xb: {  	s22 =	sshrl.u32 s9, $0x1;
	s8 =	sadd.s32 $0x2800, s10;
	s12 =	sadd.s32 $0x7800, s10  }
0xc: {  	s14 =	sadd.s32 $0xA000, s10;
	s20 =	sadd.s32 $0xC800, s10;
	s21 =	sadd.s32 $0xF000, s10  }
0xd: {  	s1 =	sadd.s32 s5, s1;
	s6 =	sor.u32 s6, s7;
	s7 =	ssub.s32 s9, s22  }
0xe: {  	s9 =	sadd.s32 $0x5000, s10;
	s22 =	sadd.s32 $0x11800, s10;
	s23 =	sadd.s32 s10, s15  }
0xf: {  	s10 =	sadd.s32 s16, s13;
	s24 =	sadd.s32 s15, s8;
	s30 =	sadd.s32 s15, s12  }
0x10: {  	s16 =	sadd.s32 s15, s14;
	s19 =	sadd.s32 s15, s20;
	s20 =	sadd.s32 s20, s3  }
0x11: {  	s1 =	sadd.s32 $0xC200, s1;
	s5 =	sshrl.u32 s23, $0x3;
	s25 =	sshrl.u32 s24, $0x3  }
0x12: {  	s26 =	sadd.s32 s15, s9;
	s13 =	sshrl.u32 s30, $0x3;
	s18 =	sshrl.u32 s16, $0x3  }
0x13: {  	s23 =	sshrl.u32 s19, $0x3;
	s24 =	sadd.s32 s15, s21;
	s30 =	smul.u32 $0x4E000, s17  }
0x14: {  	s6 =	sshrl.u32 s6, $0x3;
	s16 =	sadd.s32 s8, s3;
	s17 =	sadd.s32 s9, s3  }
0x15: {  	s19 =	sadd.s32 s14, s3;
	s21 =	sadd.s32 s21, s3;
	s14 =	sshrl.u32 s10, $0x3  }
0x16: {  	s8 =	simm.s32 $0x80;
	s9 =	simm.s32 $0x4;
	s5 =	sadd.s32 s11, s5  }
0x17: {  	s29 =	sshrl.u32 s26, $0x3;
	s26 =	sadd.s32 s15, s22;
	s22 =	sadd.s32 s22, s3  }
0x18: {  	[dreg:$0x4] =	wrdreg s5;
	s5 =	sadd.s32 s11, s25;
	s25 =	sshrl.u32 s24, $0x3  }
0x19: {  	[dreg:$0x5] =	wrdreg s5;
	s5 =	sadd.s32 s11, s29;
	s29 =	sshrl.u32 s26, $0x3  }
0x1a: {  	s26 =	smax.u32 s7, $0x1;
	[dreg:$0x6] =	wrdreg s5;
	s5 =	sadd.s32 s11, s13  }
0x1b: {  	s7 =	simm.s32 $0x50;
	s13 =	sadd.s32 $0x2400, s0;
	[dreg:$0x7] =	wrdreg s5  }
0x1c: {  	s5 =	sadd.s32 s11, s18;
	s18 =	sadd.s32 s12, s3;
	s24 =	sadd.s32 s13, s14  }
0x1d: {  	s12 =	simm.s32 $0x2;
	s14 =	simm.s32 $0x5;
	[dreg:$0x8] =	wrdreg s5  }
0x1e: {  	s5 =	sadd.s32 s11, s23;
	s23 =	sadd.s32 $0xF0, s10;
	s31 =	sadd.s32 $0x4D8, s24  }
0x1f: {  	[dreg:$0x9] =	wrdreg s5;
	s5 =	sadd.s32 s11, s25;
	s25 =	sshrl.u32 s23, $0x3  }
0x20: {  	s23 =	simm.s32 $0x6;
	[dreg:$0xa] =	wrdreg s5;
	s5 =	sadd.s32 s11, s29  }
0x21: {  	[dreg:$0xb] =	wrdreg s5;
	s5 =	sadd.s32 s6, s0;
	s0 =	sadd.s32 $0x1C200, s0  }
0x22: {  	s11 =	sshrl.u32 s30, $0x2;
	_ =	strace $0x80000047;
	[dreg:$0xc] =	wrdreg s0  }
0x23: {  	s28 =	sadd.s32 s25, s13;
	s29 =	sadd.s32 $0xA0, s10;
	[dreg:$0xd] =	wrdreg s1  }
0x24: {  	s30 =	sadd.s32 $0xA, s24;
	s10 =	simm.s32 $0x6900;
	[dreg:$0x10] =	wrdreg s26  }
0x25: {  	s25 =	simm.s32 $0x0;
	s15 =	sadd.s32 s11, s3;
	[dreg:$0x11] =	wrdreg s29  }
0x26: {  	s6 =	simm.s32 $0x3;
	s11 =	simm.s32 $0x9100;
	[dreg:$0x12] =	wrdreg s30  }
0x27: {  	s5 =	sadd.s32 $0x1C800, s5;
	[dreg:$0xe] =	wrdreg s24;
	s0 =	simm.s32 $0x4100  }
0x28: {  	v0 =	vimm.f32 $0.0e+00;
	v1 =	vimm.f32 $1.000000000e+00;
	s1 =	simm.s32 $0x7;
	[dreg:$0xf] =	wrdreg s5;
	s5 =	simm.s32 $0x1  }
.LBB2_1:
0x29: {  	s26 =	simm.s32 $0x40;
	s29 =	simm.s32 $0x0  }
.LBB2_2:
0x2a: {  	p0 =	sne.s32 s26, $0x9C00;
	[tilespmem:s29+$0x9100] =	vst v0;
	s29 =	smov.u32 s26;
	s26 =	sadd.s32 $0x40, s26  }
.Ltmp0:
0x2b: {  	(pc) =	sbr.rel @p0 .LBB2_2-.Ltmp0, $2  }
0x2c: {  	_ =	sdelay $0x2  }
0x2d: {  	s29 =	sshra.s32 s29, $0x2  }
0x2e: {  	[tilespmem:s29+$0x9100] =	vst v0;
	s26 =	simm.s32 $0x0;
	s24 =	rddreg [dreg:$0xc]  }
0x2f: {  	[tilespmem:s0], [sflag:$0x7] =	stream.linear.gather [hbm4b:s24+s26], $0x2800, $0x38;
	[tilespmem:$0x1F100] =	vst v63  }
0x30: {  	_ =	swait.ge [sflag:s1], $0x2800  }
0x31: {  	[sflag:s1] =	ssyncset.done $0x0  }
0x32: {  	[sflag:s1] =	ssyncadd.s32 $0xFFFFD800  }
0x33: {  	[spmem:s15] =	stream.linear.scatter [tilespmem:s0], [sflag:$0x1], $0x2800, $0x38;
	[tilespmem:$0x1F100] =	vst v63  }
0x34: {  	_ = 	snop  }
0x35: {  	[spmem:s16] =	stream.linear.scatter [tilespmem:s0], [sflag:$0x1], $0x2800, $0x38;
	[tilespmem:$0x1F100] =	vst v63  }
0x36: {  	_ = 	snop  }
0x37: {  	[spmem:s17] =	stream.linear.scatter [tilespmem:s0], [sflag:$0x1], $0x2800, $0x38;
	[tilespmem:$0x1F100] =	vst v63  }
0x38: {  	_ = 	snop  }
0x39: {  	[spmem:s18] =	stream.linear.scatter [tilespmem:s0], [sflag:$0x1], $0x2800, $0x38;
	[tilespmem:$0x1F100] =	vst v63  }
0x3a: {  	_ = 	snop  }
0x3b: {  	[spmem:s19] =	stream.linear.scatter [tilespmem:s0], [sflag:$0x1], $0x2800, $0x38;
	[tilespmem:$0x1F100] =	vst v63  }
0x3c: {  	_ = 	snop  }
0x3d: {  	[spmem:s20] =	stream.linear.scatter [tilespmem:s0], [sflag:$0x1], $0x2800, $0x38;
	[tilespmem:$0x1F100] =	vst v63  }
0x3e: {  	_ = 	snop  }
0x3f: {  	[spmem:s21] =	stream.linear.scatter [tilespmem:s0], [sflag:$0x1], $0x2800, $0x38;
	[tilespmem:$0x1F100] =	vst v63  }
0x40: {  	_ = 	snop  }
0x41: {  	[spmem:s22] =	stream.linear.scatter [tilespmem:s0], [sflag:$0x1], $0x2800, $0x38;
	[tilespmem:$0x1F100] =	vst v63  }
0x42: {  	_ =	swait.ge [sflag:s5], $0x2800  }
0x43: {  	[sflag:s5] =	ssyncset.done $0x0  }
0x44: {  	[sflag:s5] =	ssyncadd.s32 $0xFFFFD800  }
0x45: {  	_ =	swait.ge [sflag:s5], $0x2800  }
0x46: {  	[sflag:s5] =	ssyncset.done $0x0  }
0x47: {  	[sflag:s5] =	ssyncadd.s32 $0xFFFFD800  }
0x48: {  	_ =	swait.ge [sflag:s5], $0x2800  }
0x49: {  	[sflag:s5] =	ssyncset.done $0x0  }
0x4a: {  	[sflag:s5] =	ssyncadd.s32 $0xFFFFD800  }
0x4b: {  	_ =	swait.ge [sflag:s5], $0x2800  }
0x4c: {  	[sflag:s5] =	ssyncset.done $0x0  }
0x4d: {  	[sflag:s5] =	ssyncadd.s32 $0xFFFFD800  }
0x4e: {  	_ =	swait.ge [sflag:s5], $0x2800  }
0x4f: {  	[sflag:s5] =	ssyncset.done $0x0  }
0x50: {  	[sflag:s5] =	ssyncadd.s32 $0xFFFFD800  }
0x51: {  	_ =	swait.ge [sflag:s5], $0x2800  }
0x52: {  	[sflag:s5] =	ssyncset.done $0x0  }
0x53: {  	[sflag:s5] =	ssyncadd.s32 $0xFFFFD800  }
0x54: {  	_ =	swait.ge [sflag:s5], $0x2800  }
0x55: {  	[sflag:s5] =	ssyncset.done $0x0  }
0x56: {  	[sflag:s5] =	ssyncadd.s32 $0xFFFFD800  }
0x57: {  	_ =	swait.ge [sflag:s5], $0x2800  }
0x58: {  	[sflag:s5] =	ssyncset.done $0x0  }
0x59: {  	s29 =	simm.s32 $0x100;
	s24 =	rddreg [dreg:$0xd];
	[sflag:s5] =	ssyncadd.s32 $0xFFFFD800  }
0x5a: {  	[tilespmem:s29], [sflag:$0x7] =	stream.linear.gather [hbm4b:s24+s26], $0x3E80, $0x38;
	[tilespmem:$0x1F100] =	vst v63  }
0x5b: {  	_ =	swait.ge [sflag:s1], $0x3E80  }
0x5c: {  	[sflag:s1] =	ssyncset.done $0x0  }
0x5d: {  	[sflag:s1] =	ssyncadd.s32 $0xFFFFC180  }
0x5e: {  	[bflag:$0x0] =	sbarrier.arrive $0xFFFF  }
0x5f: {  	s24 =	rddreg [dreg:$0xe]  }
0x60: {  	[tilespmem:s26], [sflag:$0x3] =	stream.linear.gather [hbm4b:s24+s26], $0x50, $0x38;
	[tilespmem:$0x1F100] =	vst v63  }
0x61: {  	_ =	swait.ge [sflag:s6], $0x50  }
0x62: {  	[sflag:s6] =	ssyncset.done $0x0  }
0x63: {  	s24 =	rddreg [dreg:$0x12];
	[sflag:s6] =	ssyncadd.s32 $0xFFFFFFB0  }
0x64: {  	[tilespmem:s0], [sflag:$0x1] =	stream.indirect.gather [hbm4b:s2+s7], $0x80, s26, s7, $0xb8;
	[tilespmem:$0x1F100] =	vst v63  }
0x65: {  	s30 =	simm.s32 $0x180;
	s29 =	rddreg [dreg:$0x11]  }
0x66: {  	[tilespmem:s8], [sflag:$0x4] =	stream.linear.gather [hbm4b:s24+s26], $0x50, $0x38;
	[tilespmem:$0x1F100] =	vst v63  }
.LBB2_4:
0x67: {  	_ =	swait.ge [sflag:s9], $0x50  }
0x68: {  	[sflag:s9] =	ssyncset.done $0x0  }
0x69: {  	[sflag:s9] =	ssyncadd.s32 $0xFFFFFFB0  }
0x6a: {  	[tilespmem:s10], [sflag:$0x2] =	stream.indirect.gather [hbm4b:s2+s7], $0x80, s8, s7, $0xb8;
	[tilespmem:$0x1F100] =	vst v63  }
0x6b: {  	_ =	swait.ge [sflag:s5], $0x2800  }
0x6c: {  	[sflag:s5] =	ssyncset.done $0x0  }
0x6d: {  	s24 =	sadd.s32 $0xFFFFFF80, s30;
	[sflag:s5] =	ssyncadd.s32 $0xFFFFD800  }
0x6e: {  	[spmem:s3] =	stream.indirect.scatter.add.f32 [tilespmem:s0], [sflag:$0x7], $0x80, s24, s7, $0xb8;
	[tilespmem:$0x1F100] =	vst v63  }
0x6f: {  	_ =	swait.ge [sflag:s1], $0x2800  }
0x70: {  	[sflag:s1] =	ssyncset.done $0x0  }
0x71: {  	[sflag:s1] =	ssyncadd.s32 $0xFFFFD800  }
0x72: {  	v2 =	vld [tilespmem:s30+$0xFFFFFF80];
	_ =	sdelay $0x7  }
0x73: {  	[tilespmem:v2+s11+$0x0] =	vst.idx.add.f32.msk $0xffff, v1  }
0x74: {  	v2 =	vld [tilespmem:s30+$0xFFFFFF90];
	_ =	sdelay $0x7  }
0x75: {  	[tilespmem:v2+s11+$0x0] =	vst.idx.add.f32.msk $0xffff, v1  }
0x76: {  	v2 =	vld [tilespmem:s30+$0xFFFFFFA0];
	_ =	sdelay $0x7  }
0x77: {  	[tilespmem:v2+s11+$0x0] =	vst.idx.add.f32.msk $0xffff, v1  }
0x78: {  	v2 =	vld [tilespmem:s30+$0xFFFFFFB0];
	_ =	sdelay $0x7  }
0x79: {  	[tilespmem:v2+s11+$0x0] =	vst.idx.add.f32.msk $0xffff, v1  }
0x7a: {  	v2 =	vld [tilespmem:s30+$0xFFFFFFC0];
	_ =	sdelay $0x6  }
0x7b: {  	s24 =	sshrl.u32 s29, $0x3  }
0x7c: {  	s24 =	sadd.s32 s13, s24;
	[tilespmem:v2+s11+$0x0] =	vst.idx.add.f32.msk $0xffff, v1  }
0x7d: {  	[tilespmem:s4], [sflag:$0x3] =	stream.linear.gather [hbm4b:s24+s4], $0x50, $0x38;
	[tilespmem:$0x1F100] =	vst v63  }
0x7e: {  	_ =	swait.ge [sflag:s6], $0x50  }
0x7f: {  	[sflag:s6] =	ssyncset.done $0x0  }
0x80: {  	[sflag:s6] =	ssyncadd.s32 $0xFFFFFFB0  }
0x81: {  	[tilespmem:s0], [sflag:$0x1] =	stream.indirect.gather [hbm4b:s2+s7], $0x80, s4, s7, $0xb8;
	[tilespmem:$0x1F100] =	vst v63  }
0x82: {  	_ =	swait.ge [sflag:s12], $0x2800  }
0x83: {  	[sflag:s12] =	ssyncset.done $0x0  }
0x84: {  	[sflag:s12] =	ssyncadd.s32 $0xFFFFD800  }
0x85: {  	[spmem:s3] =	stream.indirect.scatter.add.f32 [tilespmem:s10], [sflag:$0x7], $0x80, s30, s7, $0xb8;
	[tilespmem:$0x1F100] =	vst v63  }
0x86: {  	_ =	swait.ge [sflag:s1], $0x2800  }
0x87: {  	[sflag:s1] =	ssyncset.done $0x0  }
0x88: {  	[sflag:s1] =	ssyncadd.s32 $0xFFFFD800  }
0x89: {  	v2 =	vld [tilespmem:s30+$0x0];
	_ =	sdelay $0x7  }
0x8a: {  	[tilespmem:v2+s11+$0x0] =	vst.idx.add.f32.msk $0xffff, v1  }
0x8b: {  	v2 =	vld [tilespmem:s30+$0x10];
	_ =	sdelay $0x7  }
0x8c: {  	[tilespmem:v2+s11+$0x0] =	vst.idx.add.f32.msk $0xffff, v1  }
0x8d: {  	v2 =	vld [tilespmem:s30+$0x20];
	_ =	sdelay $0x7  }
0x8e: {  	[tilespmem:v2+s11+$0x0] =	vst.idx.add.f32.msk $0xffff, v1  }
0x8f: {  	v2 =	vld [tilespmem:s30+$0x30];
	_ =	sdelay $0x7  }
0x90: {  	[tilespmem:v2+s11+$0x0] =	vst.idx.add.f32.msk $0xffff, v1  }
0x91: {  	v2 =	vld [tilespmem:s30+$0x40];
	_ =	sdelay $0x3  }
0x92: {  	p0 =	sne.s32 s26, $0x4B0  }
.Ltmp1:
0x93: {  	_ = 	snop;
	(pc) =	sbr.rel @p0 .LBB2_4-.Ltmp1, $4  }
0x94: {  	_ = 	snop  }
0x95: {  	s29 =	sadd.s32 $0xA0, s29  }
0x96: {  	s24 =	sadd.s32 s26, s28;
	s26 =	sadd.s32 $0x14, s26;
	s30 =	sadd.s32 $0x100, s30;
	[tilespmem:v2+s11+$0x0] =	vst.idx.add.f32.msk $0xffff, v1  }
0x97: {  	[tilespmem:s8], [sflag:$0x4] =	stream.linear.gather [hbm4b:s24+s4], $0x50, $0x38;
	[tilespmem:$0x1F100] =	vst v63  }
0x98: {  	_ =	swait.ge [sflag:s9], $0x50  }
0x99: {  	[sflag:s9] =	ssyncset.done $0x0  }
0x9a: {  	[sflag:s9] =	ssyncadd.s32 $0xFFFFFFB0  }
0x9b: {  	[tilespmem:s10], [sflag:$0x2] =	stream.indirect.gather [hbm4b:s2+s7], $0x80, s8, s7, $0xb8;
	[tilespmem:$0x1F100] =	vst v63  }
0x9c: {  	_ =	swait.ge [sflag:s5], $0x2800  }
0x9d: {  	[sflag:s5] =	ssyncset.done $0x0  }
0x9e: {  	s24 =	simm.s32 $0x3E00;
	[sflag:s5] =	ssyncadd.s32 $0xFFFFD800  }
0x9f: {  	[spmem:s3] =	stream.indirect.scatter.add.f32 [tilespmem:s0], [sflag:$0x7], $0x80, s24, s7, $0xb8;
	[tilespmem:$0x1F100] =	vst v63  }
0xa0: {  	_ =	swait.ge [sflag:s1], $0x2800  }
0xa1: {  	[sflag:s1] =	ssyncset.done $0x0  }
0xa2: {  	[sflag:s1] =	ssyncadd.s32 $0xFFFFD800  }
0xa3: {  	v2 =	vld [tilespmem:$0x3E00];
	_ =	sdelay $0x7  }
0xa4: {  	[tilespmem:v2+s11+$0x0] =	vst.idx.add.f32.msk $0xffff, v1  }
0xa5: {  	v2 =	vld [tilespmem:$0x3E10];
	_ =	sdelay $0x7  }
0xa6: {  	[tilespmem:v2+s11+$0x0] =	vst.idx.add.f32.msk $0xffff, v1  }
0xa7: {  	v2 =	vld [tilespmem:$0x3E20];
	_ =	sdelay $0x7  }
0xa8: {  	[tilespmem:v2+s11+$0x0] =	vst.idx.add.f32.msk $0xffff, v1  }
0xa9: {  	v2 =	vld [tilespmem:$0x3E30];
	_ =	sdelay $0x7  }
0xaa: {  	[tilespmem:v2+s11+$0x0] =	vst.idx.add.f32.msk $0xffff, v1  }
0xab: {  	v2 =	vld [tilespmem:$0x3E40];
	_ =	sdelay $0x7  }
0xac: {  	[tilespmem:v2+s11+$0x0] =	vst.idx.add.f32.msk $0xffff, v1  }
0xad: {  	[tilespmem:s4], [sflag:$0x3] =	stream.linear.gather [hbm4b:s31+s4], $0x50, $0x38;
	[tilespmem:$0x1F100] =	vst v63  }
0xae: {  	_ =	swait.ge [sflag:s6], $0x50  }
0xaf: {  	[sflag:s6] =	ssyncset.done $0x0  }
0xb0: {  	[sflag:s6] =	ssyncadd.s32 $0xFFFFFFB0  }
0xb1: {  	[tilespmem:s0], [sflag:$0x1] =	stream.indirect.gather [hbm4b:s2+s7], $0x80, s4, s7, $0xb8;
	[tilespmem:$0x1F100] =	vst v63  }
0xb2: {  	_ =	swait.ge [sflag:s12], $0x2800  }
0xb3: {  	[sflag:s12] =	ssyncset.done $0x0  }
0xb4: {  	s26 =	simm.s32 $0x3E80;
	[sflag:s12] =	ssyncadd.s32 $0xFFFFD800  }
0xb5: {  	[spmem:s3] =	stream.indirect.scatter.add.f32 [tilespmem:s10], [sflag:$0x7], $0x80, s26, s7, $0xb8;
	[tilespmem:$0x1F100] =	vst v63  }
0xb6: {  	_ =	swait.ge [sflag:s1], $0x2800  }
0xb7: {  	[sflag:s1] =	ssyncset.done $0x0  }
0xb8: {  	[sflag:s1] =	ssyncadd.s32 $0xFFFFD800  }
0xb9: {  	v2 =	vld [tilespmem:$0x3E80];
	_ =	sdelay $0x7  }
0xba: {  	[tilespmem:v2+s11+$0x0] =	vst.idx.add.f32.msk $0xffff, v1  }
0xbb: {  	v2 =	vld [tilespmem:$0x3E90];
	_ =	sdelay $0x7  }
0xbc: {  	[tilespmem:v2+s11+$0x0] =	vst.idx.add.f32.msk $0xffff, v1  }
0xbd: {  	v2 =	vld [tilespmem:$0x3EA0];
	_ =	sdelay $0x7  }
0xbe: {  	[tilespmem:v2+s11+$0x0] =	vst.idx.add.f32.msk $0xffff, v1  }
0xbf: {  	v2 =	vld [tilespmem:$0x3EB0];
	_ =	sdelay $0x7  }
0xc0: {  	[tilespmem:v2+s11+$0x0] =	vst.idx.add.f32.msk $0xffff, v1  }
0xc1: {  	v2 =	vld [tilespmem:$0x3EC0];
	_ =	sdelay $0x7  }
0xc2: {  	[tilespmem:v2+s11+$0x0] =	vst.idx.add.f32.msk $0xffff, v1  }
0xc3: {  	[tilespmem:s8], [sflag:$0x4] =	stream.linear.gather [hbm4b:s31+s4], $0x50, $0x38;
	[tilespmem:$0x1F100] =	vst v63  }
0xc4: {  	_ =	swait.ge [sflag:s5], $0x2800  }
0xc5: {  	[sflag:s5] =	ssyncset.done $0x0  }
0xc6: {  	s29 =	simm.s32 $0x3F00;
	[sflag:s5] =	ssyncadd.s32 $0xFFFFD800  }
0xc7: {  	[spmem:s3] =	stream.indirect.scatter.add.f32 [tilespmem:s0], [sflag:$0x7], $0x80, s29, s7, $0xb8;
	[tilespmem:$0x1F100] =	vst v63  }
0xc8: {  	_ =	swait.ge [sflag:s1], $0x2800  }
0xc9: {  	[sflag:s1] =	ssyncset.done $0x0  }
0xca: {  	[sflag:s1] =	ssyncadd.s32 $0xFFFFD800  }
0xcb: {  	v2 =	vld [tilespmem:$0x3F00];
	_ =	sdelay $0x7  }
0xcc: {  	[tilespmem:v2+s11+$0x0] =	vst.idx.add.f32.msk $0xffff, v1  }
0xcd: {  	v2 =	vld [tilespmem:$0x3F10];
	_ =	sdelay $0x7  }
0xce: {  	[tilespmem:v2+s11+$0x0] =	vst.idx.add.f32.msk $0xffff, v1  }
0xcf: {  	v2 =	vld [tilespmem:$0x3F20];
	_ =	sdelay $0x7  }
0xd0: {  	[tilespmem:v2+s11+$0x0] =	vst.idx.add.f32.msk $0xffff, v1  }
0xd1: {  	v2 =	vld [tilespmem:$0x3F30];
	_ =	sdelay $0x7  }
0xd2: {  	[tilespmem:v2+s11+$0x0] =	vst.idx.add.f32.msk $0xffff, v1  }
0xd3: {  	v2 =	vld [tilespmem:$0x3F40];
	_ =	sdelay $0x7  }
0xd4: {  	[tilespmem:v2+s11+$0x0] =	vst.idx.add.f32.msk $0xffff, v1  }
0xd5: {  	_ =	swait.ge [sflag:s9], $0x50  }
0xd6: {  	[sflag:s9] =	ssyncset.done $0x0  }
0xd7: {  	s26 =	simm.s32 $0x400;
	s30 =	rddreg [dreg:$0xf];
	[sflag:s9] =	ssyncadd.s32 $0xFFFFFFB0  }
0xd8: {  	[hbm4b:s30+s8] =	stream.strided.scatter [tilespmem:s11], [sflag:$0x7], $0x2780, s26, s8, $0x38;
	[tilespmem:$0x1F100] =	vst v63  }
0xd9: {  	_ =	swait.ge [sflag:s1], $0x2780  }
0xda: {  	[sflag:s1] =	ssyncset.done $0x0  }
0xdb: {  	[sflag:s1] =	ssyncadd.s32 $0xFFFFD880  }
0xdc: {  	[bflag:$0x0] =	sbarrier.arrive $0xFFFF  }
0xdd: {  	[tilespmem:s0], [sflag:$0x1] =	stream.linear.gather [spmem:s15], $0x2800, $0x38;
	[tilespmem:$0x1F100] =	vst v63  }
0xde: {  	_ = 	snop  }
0xdf: {  	[tilespmem:s10], [sflag:$0x2] =	stream.linear.gather [spmem:s16], $0x2800, $0x38;
	[tilespmem:$0x1F100] =	vst v63  }
0xe0: {  	_ =	swait.ge [sflag:s5], $0x2800  }
0xe1: {  	[sflag:s5] =	ssyncset.done $0x0  }
0xe2: {  	s26 =	rddreg [dreg:$0x4];
	[sflag:s5] =	ssyncadd.s32 $0xFFFFD800  }
0xe3: {  	[hbm4b:s26+s4] =	stream.linear.scatter [tilespmem:s0], [sflag:$0x5], $0x2800, $0x38;
	[tilespmem:$0x1F100] =	vst v63  }
0xe4: {  	_ =	swait.ge [sflag:s14], $0x2800  }
0xe5: {  	[sflag:s14] =	ssyncset.done $0x0  }
0xe6: {  	[sflag:s14] =	ssyncadd.s32 $0xFFFFD800  }
0xe7: {  	[tilespmem:s0], [sflag:$0x1] =	stream.linear.gather [spmem:s17], $0x2800, $0x38;
	[tilespmem:$0x1F100] =	vst v63  }
0xe8: {  	_ =	swait.ge [sflag:s12], $0x2800  }
0xe9: {  	[sflag:s12] =	ssyncset.done $0x0  }
0xea: {  	s29 =	rddreg [dreg:$0x5];
	[sflag:s12] =	ssyncadd.s32 $0xFFFFD800  }
0xeb: {  	[hbm4b:s29+s4] =	stream.linear.scatter [tilespmem:s10], [sflag:$0x6], $0x2800, $0x38;
	[tilespmem:$0x1F100] =	vst v63  }
0xec: {  	_ =	swait.ge [sflag:s23], $0x2800  }
0xed: {  	[sflag:s23] =	ssyncset.done $0x0  }
0xee: {  	[sflag:s23] =	ssyncadd.s32 $0xFFFFD800  }
0xef: {  	[tilespmem:s10], [sflag:$0x2] =	stream.linear.gather [spmem:s18], $0x2800, $0x38;
	[tilespmem:$0x1F100] =	vst v63  }
0xf0: {  	_ =	swait.ge [sflag:s5], $0x2800  }
0xf1: {  	[sflag:s5] =	ssyncset.done $0x0  }
0xf2: {  	s30 =	rddreg [dreg:$0x6];
	[sflag:s5] =	ssyncadd.s32 $0xFFFFD800  }
0xf3: {  	[hbm4b:s30+s4] =	stream.linear.scatter [tilespmem:s0], [sflag:$0x5], $0x2800, $0x38;
	[tilespmem:$0x1F100] =	vst v63  }
0xf4: {  	_ =	swait.ge [sflag:s14], $0x2800  }
0xf5: {  	[sflag:s14] =	ssyncset.done $0x0  }
0xf6: {  	[sflag:s14] =	ssyncadd.s32 $0xFFFFD800  }
0xf7: {  	[tilespmem:s0], [sflag:$0x1] =	stream.linear.gather [spmem:s19], $0x2800, $0x38;
	[tilespmem:$0x1F100] =	vst v63  }
0xf8: {  	_ =	swait.ge [sflag:s12], $0x2800  }
0xf9: {  	[sflag:s12] =	ssyncset.done $0x0  }
0xfa: {  	s26 =	rddreg [dreg:$0x7];
	[sflag:s12] =	ssyncadd.s32 $0xFFFFD800  }
0xfb: {  	[hbm4b:s26+s4] =	stream.linear.scatter [tilespmem:s10], [sflag:$0x6], $0x2800, $0x38;
	[tilespmem:$0x1F100] =	vst v63  }
0xfc: {  	_ =	swait.ge [sflag:s23], $0x2800  }
0xfd: {  	[sflag:s23] =	ssyncset.done $0x0  }
0xfe: {  	[sflag:s23] =	ssyncadd.s32 $0xFFFFD800  }
0xff: {  	[tilespmem:s10], [sflag:$0x2] =	stream.linear.gather [spmem:s20], $0x2800, $0x38;
	[tilespmem:$0x1F100] =	vst v63  }
0x100: {  	_ =	swait.ge [sflag:s5], $0x2800  }
0x101: {  	[sflag:s5] =	ssyncset.done $0x0  }
0x102: {  	s29 =	rddreg [dreg:$0x8];
	[sflag:s5] =	ssyncadd.s32 $0xFFFFD800  }
0x103: {  	[hbm4b:s29+s4] =	stream.linear.scatter [tilespmem:s0], [sflag:$0x5], $0x2800, $0x38;
	[tilespmem:$0x1F100] =	vst v63  }
0x104: {  	_ =	swait.ge [sflag:s14], $0x2800  }
0x105: {  	[sflag:s14] =	ssyncset.done $0x0  }
0x106: {  	[sflag:s14] =	ssyncadd.s32 $0xFFFFD800  }
0x107: {  	[tilespmem:s0], [sflag:$0x1] =	stream.linear.gather [spmem:s21], $0x2800, $0x38;
	[tilespmem:$0x1F100] =	vst v63  }
0x108: {  	_ =	swait.ge [sflag:s12], $0x2800  }
0x109: {  	[sflag:s12] =	ssyncset.done $0x0  }
0x10a: {  	s30 =	rddreg [dreg:$0x9];
	[sflag:s12] =	ssyncadd.s32 $0xFFFFD800  }
0x10b: {  	[hbm4b:s30+s4] =	stream.linear.scatter [tilespmem:s10], [sflag:$0x6], $0x2800, $0x38;
	[tilespmem:$0x1F100] =	vst v63  }
0x10c: {  	_ =	swait.ge [sflag:s23], $0x2800  }
0x10d: {  	[sflag:s23] =	ssyncset.done $0x0  }
0x10e: {  	[sflag:s23] =	ssyncadd.s32 $0xFFFFD800  }
0x10f: {  	[tilespmem:s10], [sflag:$0x2] =	stream.linear.gather [spmem:s22], $0x2800, $0x38;
	[tilespmem:$0x1F100] =	vst v63  }
0x110: {  	_ =	swait.ge [sflag:s5], $0x2800  }
0x111: {  	[sflag:s5] =	ssyncset.done $0x0  }
0x112: {  	s26 =	rddreg [dreg:$0xa];
	[sflag:s5] =	ssyncadd.s32 $0xFFFFD800  }
0x113: {  	[hbm4b:s26+s4] =	stream.linear.scatter [tilespmem:s0], [sflag:$0x5], $0x2800, $0x38;
	[tilespmem:$0x1F100] =	vst v63  }
0x114: {  	_ =	swait.ge [sflag:s12], $0x2800  }
0x115: {  	[sflag:s12] =	ssyncset.done $0x0  }
0x116: {  	s29 =	rddreg [dreg:$0xb];
	[sflag:s12] =	ssyncadd.s32 $0xFFFFD800  }
0x117: {  	[hbm4b:s29+s4] =	stream.linear.scatter [tilespmem:s10], [sflag:$0x6], $0x2800, $0x38;
	[tilespmem:$0x1F100] =	vst v63  }
0x118: {  	_ =	swait.ge [sflag:s14], $0x2800  }
0x119: {  	[sflag:s14] =	ssyncset.done $0x0  }
0x11a: {  	[sflag:s14] =	ssyncadd.s32 $0xFFFFD800  }
0x11b: {  	_ =	swait.ge [sflag:s23], $0x2800  }
0x11c: {  	s25 =	sadd.s32 $0x1, s25;
	s30 =	rddreg [dreg:$0x10]  }
0x11d: {  	p0 =	sne.s32 s25, s30  }
.Ltmp2:
0x11e: {  	_ = 	snop;
	(pc) =	sbr.rel @p0 .LBB2_1-.Ltmp2, $3  }
0x11f: {  	_ =	sdelay $0x1  }
0x120: {  	[sflag:s23] =	ssyncset.done $0x0  }
0x121: {  	[sflag:s23] =	ssyncadd.s32 $0xFFFFD800  }
0x122: {  	_ =	sfence.sel $0x180000  }
0x123: {  	[bflag:$0x0] =	sbarrier.arrive $0xFFFF  }
0x124: {  	_ =	strace $0x90000047  }
0x125: {  	s0 =	stileid.u32;
	[bflag:$0x2] =	sbarrier.arrive $0xFFFF  }
0x126: {  	p0 =	sne.s32 s0, $0x0;
	s0 =	rddreg [dreg:$0x3]  }
0x127: {  	s0 =	sadd.s32 @!p0 $0x100000, s0  }
0x128: {  	[sflag:s0] =	ssyncadd.tile.s32 @!p0 $0x1;
	_ =	shalt  }
.Lfunc_end2:
_tile_overlayer_lowered:
.L_overlay_start_2:
0x129: {  	(tag) =	ssettag $0x2  }
0x12a: {  	s0 =	rddreg [dreg:$0x0];
	s2 =	stileid.u32  }
0x12b: {  	s1 =	rddreg [dreg:$0x1];
	p0 =	sne.s32 s2, $0x0  }
0x12c: {  	s3 =	rddreg [dreg:$0x2];
	[bflag:$0x3] =	sbarrier.arrive $0xFFFF;
	s2 =	simm.s32 @!p0 $0x1C07  }
0x12d: {  	[timem:s3], [sflag:s2] =	dma.local @!p0 [hbm:s0], s1  }
0x12e: {  	s0 =	simm.s32 @!p0 $0x7  }
0x12f: {  	_ =	swait.ge @!p0 [sflag:s0], s1  }
0x130: {  	s1 =	ssub.s32 @!p0 $0x0, s1;
	[sflag:s0] =	ssyncset.done @!p0 $0x0  }
0x131: {  	[sflag:s0] =	ssyncadd.s32 @!p0 s1  }
0x132: {  	[bflag:$0x3] =	sbarrier.arrive $0xFFFF  }
0x133: {  	_ =	shalt  }

// kernel: kernel.9.cloned.1.call-start
scs
__scs_entry_jumppad:
0x0: {  	(pc) =	sbr.rel $0x88, $3  }
0x1: {  	(tag) =	ssettag $0x0;
	lr =	simm.s32 $0x1  }
0x2: {  	[smem:$0x3F95] =	sst lr;
	_ =	strace $0xD0000000  }
0x3: {  	_ = 	snop  }
0x4: {  	_ = 	snop  }
0x5: {  	_ = 	snop  }
0x6: {  	_ = 	snop  }
0x7: {  	_ = 	snop  }
__scs_overlays_trampoline_lowered:
0x8: {  	[smem:$0x3FA4] =	sst s0  }
0x9: {  	[smem:$0x3FA5] =	sst s1  }
0xa: {  	[smem:$0x3FA6] =	sst s2  }
0xb: {  	[smem:$0x3FA7] =	sst s3  }
0xc: {  	[smem:$0x3FA8] =	sst s4  }
0xd: {  	[smem:$0x3FA9] =	sst s5  }
0xe: {  	[smem:$0x3FAA] =	sst s6  }
0xf: {  	[smem:$0x3FAB] =	sst s7  }
0x10: {  	[smem:$0x3FAC] =	sst s8  }
0x11: {  	[smem:$0x3FAD] =	sst s9;
	s0 =	simm.s32 @!p0 $0x0  }
0x12: {  	s1 =	sld [smem:$0x3F93];
	s0 =	simm.s32 @p0 $0x1  }
0x13: {  	[smem:$0x3FAE] =	sst s0;
	s0 =	simm.s32 @!p1 $0x0  }
0x14: {  	s2 =	sld [smem:$0x3F92];
	s0 =	simm.s32 @p1 $0x1  }
0x15: {  	[smem:$0x3FAF] =	sst s0;
	s0 =	simm.s32 @!p2 $0x0  }
0x16: {  	s3 =	sld [smem:$0x3FDB];
	s0 =	simm.s32 @p2 $0x1  }
0x17: {  	s4 =	simm.s32 $0x1BF5;
	[smem:$0x3FB1] =	sst s0  }
0x18: {  	s0 =	sld [smem:$0x3F94];
	_ =	swait.ge [sflag:s4], $0x0  }
0x19: {  	s7 =	sld [smem:$0x3F95]  }
0x1a: {  	s8 =	sadd.s32 $0xFFFFE003, lr  }
0x1b: {  	s9 =	sadd.s32 $0xFFFFFEF7, lr;
	s5 =	simm.s32 $0xFFFFFFFF;
	p2 =	slt.u32 s8, $0xFFFFF086  }
0x1c: {  	p1 =	slt.u32 s9, $0xF7A;
	s5 =	simm.s32 @!p2 $0x0  }
0x1d: {  	s5 =	simm.s32 @p1 $0x1;
	p0 =	seq.s32 s7, s2  }
0x1e: {  	s7 =	smul.u32 @!p0 $0xF7A, s2;
	p2 =	seq.s32 @!p0 s5, $0x0  }
0x1f: {  	s9 =	smul.u32 $0xF7A, s1;
	s8 =	simm.s32 @!p0 $0x1BF5;
	p2 =	por !p2, p0  }
0x20: {  	[sflag:s8] =	ssyncset.s32 @!p0 $0xFFFFF086;
	s6 =	sadd.s32 @!p0 s3, s7;
	s7 =	simm.s32 @!p0 $0x108  }
0x21: {  	s3 =	sadd.s32 s3, s9;
	s6 =	sadd.s32 @!p0 $0x88, s6;
	s7 =	simm.s32 @p2 $0x1082  }
0x22: {  	[simem:s7], [sflag:s8] =	dma.local @!p0 [hbm:s6], $0xF7A  }
0x23: {  	s9 =	sor.u32 $0xD0000000, s2;
	s6 =	simm.s32 $0x108;
	_ =	swait.ge @!p0 [sflag:s8], $0x0  }
0x24: {  	s3 =	sadd.s32 $0x88, s3;
	s6 =	simm.s32 @!p1 $0x1082;
	[sflag:s4] =	ssyncset.s32 $0xFFFFF086  }
0x25: {  	[simem:s6], [sflag:s4] =	dma.local [hbm:s3], $0xF7A  }
0x26: {  	[smem:$0x3F95] =	sst s1;
	(tag) =	ssettag s2;
	_ =	strace s9  }
0x27: {  	s1 =	sld [smem:$0x3FA5]  }
0x28: {  	s2 =	sld [smem:$0x3FA6]  }
0x29: {  	s4 =	sld [smem:$0x3FA8]  }
0x2a: {  	p0 =	seq.s32 s5, $0x0;
	s5 =	sld [smem:$0x3FA9]  }
0x2b: {  	s6 =	sld [smem:$0x3FAA]  }
0x2c: {  	s7 =	sld [smem:$0x3FAB]  }
0x2d: {  	s3 =	simm.s32 $0x108;
	s8 =	sld [smem:$0x3FAC]  }
0x2e: {  	s3 =	simm.s32 @!p0 $0x1082;
	s9 =	sld [smem:$0x3FAD]  }
0x2f: {  	lr =	sadd.s32 s0, s3;
	s0 =	sld [smem:$0x3FA4]  }
0x30: {  	s3 =	sld [smem:$0x3FA7]  }
0x31: {  	[smem:$0x3FB0] =	sst s10  }
0x32: {  	s10 =	sld [smem:$0x3FAE];
	_ =	sdelay $0x3  }
0x33: {  	p0 =	seq.s32 s10, $0x1;
	s10 =	sld [smem:$0x3FB0];
	_ =	sdelay $0x3  }
0x34: {  	[smem:$0x3FB0] =	sst s10  }
0x35: {  	s10 =	sld [smem:$0x3FAF];
	_ =	sdelay $0x3  }
0x36: {  	p1 =	seq.s32 s10, $0x1;
	s10 =	sld [smem:$0x3FB0];
	_ =	sdelay $0x3  }
0x37: {  	[smem:$0x3FB0] =	sst s10  }
0x38: {  	s10 =	sld [smem:$0x3FB1]  }
0x39: {  	_ = 	snop;
	(pc) =	sbr.ind lr, $3  }
0x3a: {  	_ = 	snop  }
0x3b: {  	_ = 	snop  }
0x3c: {  	p2 =	seq.s32 s10, $0x1;
	s10 =	sld [smem:$0x3FB0]  }
0x3d: {  	_ =	shalt  }
0x3e: {  	_ =	shalt  }
0x3f: {  	_ =	shalt  }
0x40: {  	_ =	shalt  }
0x41: {  	_ =	shalt  }
0x42: {  	_ =	shalt  }
0x43: {  	_ =	shalt  }
0x44: {  	_ =	shalt  }
0x45: {  	_ =	shalt  }
0x46: {  	_ =	shalt  }
0x47: {  	_ =	shalt  }
0x48: {  	_ =	shalt  }
0x49: {  	_ =	shalt  }
0x4a: {  	_ =	shalt  }
0x4b: {  	_ =	shalt  }
0x4c: {  	_ =	shalt  }
0x4d: {  	_ =	shalt  }
0x4e: {  	_ =	shalt  }
0x4f: {  	_ =	shalt  }
0x50: {  	_ =	shalt  }
0x51: {  	_ =	shalt  }
0x52: {  	_ =	shalt  }
0x53: {  	_ =	shalt  }
0x54: {  	_ =	shalt  }
0x55: {  	_ =	shalt  }
0x56: {  	_ =	shalt  }
0x57: {  	_ =	shalt  }
0x58: {  	_ =	shalt  }
0x59: {  	_ =	shalt  }
0x5a: {  	_ =	shalt  }
0x5b: {  	_ =	shalt  }
0x5c: {  	_ =	shalt  }
0x5d: {  	_ =	shalt  }
0x5e: {  	_ =	shalt  }
0x5f: {  	_ =	shalt  }
0x60: {  	_ =	shalt  }
0x61: {  	_ =	shalt  }
0x62: {  	_ =	shalt  }
0x63: {  	_ =	shalt  }
0x64: {  	_ =	shalt  }
0x65: {  	_ =	shalt  }
0x66: {  	_ =	shalt  }
0x67: {  	_ =	shalt  }
0x68: {  	_ =	shalt  }
0x69: {  	_ =	shalt  }
0x6a: {  	_ =	shalt  }
0x6b: {  	_ =	shalt  }
0x6c: {  	_ =	shalt  }
0x6d: {  	_ =	shalt  }
0x6e: {  	_ =	shalt  }
0x6f: {  	_ =	shalt  }
0x70: {  	_ =	shalt  }
0x71: {  	_ =	shalt  }
0x72: {  	_ =	shalt  }
0x73: {  	_ =	shalt  }
0x74: {  	_ =	shalt  }
0x75: {  	_ =	shalt  }
0x76: {  	_ =	shalt  }
0x77: {  	_ =	shalt  }
0x78: {  	_ =	shalt  }
0x79: {  	_ =	shalt  }
0x7a: {  	_ =	shalt  }
0x7b: {  	_ =	shalt  }
0x7c: {  	_ =	shalt  }
0x7d: {  	_ =	shalt  }
0x7e: {  	_ =	shalt  }
0x7f: {  	_ =	shalt  }
0x80: {  	_ =	shalt  }
0x81: {  	_ =	shalt  }
0x82: {  	_ =	shalt  }
0x83: {  	_ =	shalt  }
0x84: {  	_ =	shalt  }
0x85: {  	_ =	shalt  }
0x86: {  	_ =	shalt  }
0x87: {  	_ =	shalt  }
.Lfunc_end0:
.L_simem_size_0:
called_computation.1_lowered:
.L_overlay_start_0:
0x88: {  	s2 =	sld [smem:$0x3FD9]  }
0x89: {  	s3 =	sld [smem:$0x3FFE];
	_ =	sdelay $0x1  }
0x8a: {  	s1 =	srdreg.scid  }
0x8b: {  	s0 =	sand.u32 $0x1, s1  }
0x8c: {  	s17 =	sshll.u32 s0, $0xA;
	s2 =	sadd.s32 s3, s2  }
0x8d: {  	s2 =	sadd.s32 s2, s17  }
0x8e: {  	[smem:$0x3FBC] =	sst s2  }
0x8f: {  	_ = 	snop  }
0x90: {  	s2 =	sld [smem:$0x3FC7];
	(tm) =	ssettm $0x1  }
0x91: {  	s18 =	sld [smem:$0x3FFB];
	_ =	sdelay $0x3  }
0x92: {  	_ =	strace s18  }
0x93: {  	s3 =	sld [smem:$0x3FFC];
	_ =	sdelay $0x3  }
0x94: {  	_ =	strace s3  }
0x95: {  	s3 =	sld [smem:$0x3FFD];
	_ =	sdelay $0x3  }
0x96: {  	_ =	strace s3  }
0x97: {  	_ =	strace $0x8FFFFFFF  }
0x98: {  	s19 =	sld [smem:$0x3FDB];
	_ =	sdelay $0x1  }
0x99: {  	s4 =	simm.s32 $_scs_section_size  }
0x9a: {  	s5 =	simm.s32 $_size__tile_overlayer_lowered;
	s6 =	simm.s32 $_tile_overlayer_lowered  }
0x9b: {  	s22 =	simm.s32 $0x1BFF;
	s21 =	sshll.u32 s6, $0x1;
	s3 =	sadd.s32 s4, s19  }
0x9c: {  	s7 =	simm.s32 $0x0;
	s20 =	sshll.u32 s5, $0x1;
	s5 =	sadd.s32 s21, s3  }
0x9d: {  	[timem:s7], [sflag:s22] =	dma.local [hbm:s5], s20  }
0x9e: {  	_ =	swait.ge [sflag:s22], s20  }
0x9f: {  	s4 =	ssub.s32 $0x0, s20;
	[sflag:s22] =	ssyncset.done $0x0  }
0xa0: {  	[sflag:s22] =	ssyncadd.s32 s4;
	_ =	sdelay $0x1  }
0xa1: {  	s23 =	simm.s32 $0x1B8B  }
0xa2: {  	_ =	swait.ge [sflag:s23], $0x1  }
0xa3: {  	[sflag:s23] =	ssyncset.done $0x0  }
0xa4: {  	s25 =	simm.s32 $0x1B8E;
	s24 =	sld [smem:$0x3FFE];
	[sflag:s23] =	ssyncadd.s32 $0xFFFFFFFF  }
0xa5: {  	s26 =	simm.s32 $execute0_lowered;
	[smem:$0x3FD2] =	sst s25  }
0xa6: {  	s5 =	sshll.u32 s26, $0x1;
	_ =	strace $0x80000049;
	[dreg:$0x1] =	wrdreg $0xFFFFFFFF  }
0xa7: {  	s28 =	simm.s32 $_size_execute0_lowered;
	s3 =	sadd.s32 s3, s5;
	[dreg:$0x0] =	wrdreg $0x0  }
0xa8: {  	s5 =	sshll.u32 s28, $0x1;
	[dreg:$0x2] =	wrdreg s3  }
0xa9: {  	[dreg:$0x3] =	wrdreg s5  }
0xaa: {  	[dreg:$0x4] =	wrdreg $0xC0  }
0xab: {  	_ =	task [dreg:s7], $0x5FFFF  }
0xac: {  	[dreg:$0x1] =	wrdreg $0xFFFFFFFF  }
0xad: {  	[dreg:$0x0] =	wrdreg $0x60  }
0xae: {  	[dreg:$0x2] =	wrdreg s24  }
0xaf: {  	[dreg:$0x3] =	wrdreg s2  }
0xb0: {  	[dreg:$0x4] =	wrdreg $0x9  }
0xb1: {  	_ =	task.clear_ibuf [dreg:s7], $0x5FFFF;
	_ =	strace $0x90000049  }
0xb2: {  	s29 =	simm.s32 $0x9;
	_ =	strace $0x8000004B  }
0xb3: {  	_ =	swait.ge [sflag:s29], $0x1  }
0xb4: {  	[sflag:s29] =	ssyncadd.s32 $0xFFFFFFFF  }
0xb5: {  	_ =	strace $0x9000004B  }
0xb6: {  	_ =	sfence  }
0xb7: {  	s30 =	sld [smem:$0x0];
	_ =	sdelay $0x2  }
0xb8: {  	s31 =	sshll.u32 s1, $0xD;
	s1 =	sshrl.u32 s1, $0x2  }
0xb9: {  	s3 =	sand.u32 $0x4000, s31;
	s1 =	sadd.s32 s1, s30  }
0xba: {  	s0 =	sor.u32 s3, s0;
	s1 =	sshll.u32 s1, $0x11  }
0xbb: {  	s0 =	sor.u32 s1, s0  }
0xbc: {  	s0 =	sadd.s32 $0x8F2B, s0  }
0xbd: {  	[sflag:s0] =	ssyncadd.remote.s32 $0x1  }
0xbe: {  	_ =	sfence.sel $0xFFFF  }
0xbf: {  	[dreg:$0x0] =	wrdreg $0xFFFFFFFF;
	(pc) =	sbr.abs _section_cstart, $3  }
0xc0: {  	[dreg:$0x1] =	wrdreg $0xFFFFFFFF  }
0xc1: {  	_ =	task.clear_ibuf [dreg:s7], $0x2FFFF;
	_ =	strace $0x9FFFFFFF  }
0xc2: {  	(tm) =	ssettm $0x7FFFFFFF  }
0xc3: {  	_ =	shalt  }
tec
execute0_lowered:
.L_overlay_start_1:
0x0: {  	(tag) =	ssettag $0x1  }
0x1: {  	s1 =	srdreg.scid  }
0x2: {  	s0 =	stileid.u32;
	s5 =	rddreg [dreg:$0x0]  }
0x3: {  	s6 =	rddreg [dreg:$0x1];
	s2 =	simm.s32 $0x0;
	s10 =	simm.s32 $0xE000  }
0x4: {  	s3 =	sand.u32 $0x1, s1;
	s31 =	sshll.u32 s0, $0x1;
	s1 =	rddreg [dreg:$0x2]  }
0x5: {  	s12 =	simm.s32 $0x0;
	[smem:$0x7FF] =	sst s2;
	s11 =	sor.u32 s3, s31  }
0x6: {  	_ =	strace $0x8000004A;
	s3 =	ssub.s32 $0x2, s3;
	s4 =	smul.u32 $0x5, s11  }
0x7: {  	s8 =	sshll.u32 s11, $0xB;
	s9 =	sshrl.u32 s3, $0x1;
	p0 =	sne.s32 s11, $0x1F  }
.Ltmp0:
0x8: {  	s11 =	simm.s32 $0xA000;
	s4 =	smin.u32 s4, $0x97;
	(pc) =	sbr.rel .LBB2_1-.Ltmp0, $4  }
0x9: {  	s8 =	sadd.s32 s8, s5;
	s7 =	sshll.u32 s4, $0xA;
	s4 =	sshll.u32 s4, $0x3  }
0xa: {  	s9 =	ssub.s32 s3, s9;
	s7 =	sadd.s32 s7, s5;
	s4 =	sadd.s32 s6, s4  }
0xb: {  	s5 =	sadd.s32 $0x29400, s5;
	s6 =	sadd.s32 $0x4E0, s6;
	s3 =	sadd.s32 $0x2400, s7  }
0xc: {  	v0 =	vimm.f32 $-Inf;
	s7 =	sadd.s32 $0x29600, s8;
	s8 =	smax.u32 s9, $0x1;
	s9 =	simm.s32 $0x1  }
.LBB2_7:
0xd: {  	s12 =	sadd.s32 $0x1, s12  }
0xe: {  	p1 =	sne.s32 s12, s8  }
.Ltmp1:
0xf: {  	_ = 	snop;
	(pc) =	sbr.rel @!p1 .LBB2_8-.Ltmp1, $4  }
0x10: {  	[hbm4b:s7+s2] =	stream.linear.scatter [tilespmem:s11], [sflag:$0x1], $0x4000, $0x38;
	[tilespmem:$0xE180] =	vst v63  }
0x11: {  	_ =	swait.ge [sflag:s9], $0x4000  }
0x12: {  	[sflag:s9] =	ssyncset.done $0x0  }
0x13: {  	[sflag:s9] =	ssyncadd.s32 $0xFFFFC000  }
.LBB2_1:
0x14: {  	s13 =	simm.s32 $0x0;
	s14 =	simm.s32 $0x200  }
.LBB2_2:
0x15: {  	p1 =	sne.s32 s14, $0xFE00;
	[tilespmem:s13+$0xA070] =	vst v0  }
0x16: {  	[tilespmem:s13+$0xA000] =	vst v0  }
0x17: {  	[tilespmem:s13+$0xA010] =	vst v0  }
.Ltmp2:
0x18: {  	[tilespmem:s13+$0xA020] =	vst v0;
	(pc) =	sbr.rel @p1 .LBB2_2-.Ltmp2, $4  }
0x19: {  	[tilespmem:s13+$0xA030] =	vst v0  }
0x1a: {  	[tilespmem:s13+$0xA040] =	vst v0  }
0x1b: {  	[tilespmem:s13+$0xA050] =	vst v0  }
0x1c: {  	[tilespmem:s13+$0xA060] =	vst v0;
	s13 =	sshra.s32 s14, $0x2;
	s14 =	sadd.s32 $0x200, s14  }
0x1d: {  	[tilespmem:s13+$0xA070] =	vst v0  }
0x1e: {  	[tilespmem:s13+$0xA000] =	vst v0  }
0x1f: {  	[tilespmem:s13+$0xA010] =	vst v0  }
0x20: {  	[tilespmem:s13+$0xA020] =	vst v0  }
0x21: {  	[tilespmem:s13+$0xA030] =	vst v0  }
0x22: {  	[tilespmem:s13+$0xA040] =	vst v0  }
0x23: {  	[tilespmem:s13+$0xA050] =	vst v0  }
0x24: {  	[tilespmem:s13+$0xA060] =	vst v0;
	s13 =	simm.s32 $0x0  }
0x25: {  	[tilespmem:s13], [sflag:$0x1] =	stream.linear.gather [hbm4b:s3+s13], $0xA000, $0x38;
	[tilespmem:$0xE180] =	vst v63  }
0x26: {  	_ =	swait.ge [sflag:s9], $0xA000  }
0x27: {  	[sflag:s9] =	ssyncset.done $0x0  }
0x28: {  	[sflag:s9] =	ssyncadd.s32 $0xFFFF6000  }
0x29: {  	[tilespmem:s10], [sflag:$0x1] =	stream.linear.gather [hbm4b:s4+s13], $0x140, $0x38;
	[tilespmem:$0xE180] =	vst v63  }
0x2a: {  	_ =	swait.ge [sflag:s9], $0x140  }
0x2b: {  	[sflag:s9] =	ssyncset.done $0x0  }
0x2c: {  	s14 =	simm.s32 $0x400;
	[sflag:s9] =	ssyncadd.s32 $0xFFFFFEC0  }
.LBB2_4:
0x2d: {  	s15 =	sshra.s32 s13, $0x2  }
0x2e: {  	v1 =	vld [tilespmem:s15+$0xE000];
	_ =	sdelay $0x4  }
0x2f: {  	v1 =	vshll.u32 v1, $0x9  }
0x30: {  	v1 =	vshra.s32 v1, $0x2  }
0x31: {  	(v2sf) =	vpush v1, $0x0;
	_ =	sdelay $0xe  }
0x32: {  	v2 =	vld [tilespmem:s14+$0xFFFFFC00];
	s31 =	spop (v2sf)  }
0x33: {  	v3 =	vld [tilespmem:s31+$0xA000];
	_ =	sdelay $0x4  }
0x34: {  	v2 =	vmax.f32 v3, v2  }
0x35: {  	v3 =	vld [tilespmem:s31+$0xA010];
	[tilespmem:s31+$0xA000] =	vst v2  }
0x36: {  	v2 =	vld [tilespmem:s14+$0xFFFFFC10];
	_ =	sdelay $0x4  }
0x37: {  	v2 =	vmax.f32 v3, v2  }
0x38: {  	v3 =	vld [tilespmem:s31+$0xA020];
	[tilespmem:s31+$0xA010] =	vst v2  }
0x39: {  	v2 =	vld [tilespmem:s14+$0xFFFFFC20];
	_ =	sdelay $0x4  }
0x3a: {  	v2 =	vmax.f32 v3, v2  }
0x3b: {  	v3 =	vld [tilespmem:s31+$0xA030];
	[tilespmem:s31+$0xA020] =	vst v2  }
0x3c: {  	v2 =	vld [tilespmem:s14+$0xFFFFFC30];
	_ =	sdelay $0x4  }
0x3d: {  	v2 =	vmax.f32 v3, v2  }
0x3e: {  	v3 =	vld [tilespmem:s31+$0xA040];
	[tilespmem:s31+$0xA030] =	vst v2  }
0x3f: {  	v2 =	vld [tilespmem:s14+$0xFFFFFC40];
	_ =	sdelay $0x4  }
0x40: {  	v2 =	vmax.f32 v3, v2  }
0x41: {  	v3 =	vld [tilespmem:s31+$0xA050];
	[tilespmem:s31+$0xA040] =	vst v2  }
0x42: {  	v2 =	vld [tilespmem:s14+$0xFFFFFC50];
	_ =	sdelay $0x4  }
0x43: {  	v2 =	vmax.f32 v3, v2  }
0x44: {  	(v2sf) =	vpush v1, $0x1;
	v3 =	vld [tilespmem:s31+$0xA060];
	[tilespmem:s31+$0xA050] =	vst v2  }
0x45: {  	v2 =	vld [tilespmem:s14+$0xFFFFFC60];
	_ =	sdelay $0x4  }
0x46: {  	v2 =	vmax.f32 v3, v2  }
0x47: {  	v3 =	vld [tilespmem:s31+$0xA070];
	[tilespmem:s31+$0xA060] =	vst v2  }
0x48: {  	v2 =	vld [tilespmem:s14+$0xFFFFFC70];
	_ =	sdelay $0x4  }
0x49: {  	v2 =	vmax.f32 v3, v2  }
0x4a: {  	[tilespmem:s31+$0xA070] =	vst v2  }
0x4b: {  	s16 =	spop (v2sf);
	v2 =	vld [tilespmem:s14+$0xFFFFFC80]  }
0x4c: {  	v3 =	vld [tilespmem:s16+$0xA000];
	_ =	sdelay $0x4  }
0x4d: {  	v2 =	vmax.f32 v3, v2  }
0x4e: {  	v3 =	vld [tilespmem:s16+$0xA010];
	[tilespmem:s16+$0xA000] =	vst v2  }
0x4f: {  	v2 =	vld [tilespmem:s14+$0xFFFFFC90];
	_ =	sdelay $0x4  }
0x50: {  	v2 =	vmax.f32 v3, v2  }
0x51: {  	v3 =	vld [tilespmem:s16+$0xA020];
	[tilespmem:s16+$0xA010] =	vst v2  }
0x52: {  	v2 =	vld [tilespmem:s14+$0xFFFFFCA0];
	_ =	sdelay $0x4  }
0x53: {  	v2 =	vmax.f32 v3, v2  }
0x54: {  	v3 =	vld [tilespmem:s16+$0xA030];
	[tilespmem:s16+$0xA020] =	vst v2  }
0x55: {  	v2 =	vld [tilespmem:s14+$0xFFFFFCB0];
	_ =	sdelay $0x4  }
0x56: {  	v2 =	vmax.f32 v3, v2  }
0x57: {  	v3 =	vld [tilespmem:s16+$0xA040];
	[tilespmem:s16+$0xA030] =	vst v2  }
0x58: {  	v2 =	vld [tilespmem:s14+$0xFFFFFCC0];
	_ =	sdelay $0x4  }
0x59: {  	v2 =	vmax.f32 v3, v2  }
0x5a: {  	v3 =	vld [tilespmem:s16+$0xA050];
	[tilespmem:s16+$0xA040] =	vst v2  }
0x5b: {  	v2 =	vld [tilespmem:s14+$0xFFFFFCD0];
	_ =	sdelay $0x4  }
0x5c: {  	v2 =	vmax.f32 v3, v2  }
0x5d: {  	(v2sf) =	vpush v1, $0x2;
	v3 =	vld [tilespmem:s16+$0xA060];
	[tilespmem:s16+$0xA050] =	vst v2  }
0x5e: {  	v2 =	vld [tilespmem:s14+$0xFFFFFCE0];
	_ =	sdelay $0x4  }
0x5f: {  	v2 =	vmax.f32 v3, v2  }
0x60: {  	v3 =	vld [tilespmem:s16+$0xA070];
	[tilespmem:s16+$0xA060] =	vst v2  }
0x61: {  	v2 =	vld [tilespmem:s14+$0xFFFFFCF0];
	_ =	sdelay $0x4  }
0x62: {  	v2 =	vmax.f32 v3, v2  }
0x63: {  	[tilespmem:s16+$0xA070] =	vst v2  }
0x64: {  	s17 =	spop (v2sf);
	v2 =	vld [tilespmem:s14+$0xFFFFFD00]  }
0x65: {  	v3 =	vld [tilespmem:s17+$0xA000];
	_ =	sdelay $0x4  }
0x66: {  	v2 =	vmax.f32 v3, v2  }
0x67: {  	v3 =	vld [tilespmem:s17+$0xA010];
	[tilespmem:s17+$0xA000] =	vst v2  }
0x68: {  	v2 =	vld [tilespmem:s14+$0xFFFFFD10];
	_ =	sdelay $0x4  }
0x69: {  	v2 =	vmax.f32 v3, v2  }
0x6a: {  	v3 =	vld [tilespmem:s17+$0xA020];
	[tilespmem:s17+$0xA010] =	vst v2  }
0x6b: {  	v2 =	vld [tilespmem:s14+$0xFFFFFD20];
	_ =	sdelay $0x4  }
0x6c: {  	v2 =	vmax.f32 v3, v2  }
0x6d: {  	v3 =	vld [tilespmem:s17+$0xA030];
	[tilespmem:s17+$0xA020] =	vst v2  }
0x6e: {  	v2 =	vld [tilespmem:s14+$0xFFFFFD30];
	_ =	sdelay $0x4  }
0x6f: {  	v2 =	vmax.f32 v3, v2  }
0x70: {  	v3 =	vld [tilespmem:s17+$0xA040];
	[tilespmem:s17+$0xA030] =	vst v2  }
0x71: {  	v2 =	vld [tilespmem:s14+$0xFFFFFD40];
	_ =	sdelay $0x4  }
0x72: {  	v2 =	vmax.f32 v3, v2  }
0x73: {  	v3 =	vld [tilespmem:s17+$0xA050];
	[tilespmem:s17+$0xA040] =	vst v2  }
0x74: {  	v2 =	vld [tilespmem:s14+$0xFFFFFD50];
	_ =	sdelay $0x4  }
0x75: {  	v2 =	vmax.f32 v3, v2  }
0x76: {  	(v2sf) =	vpush v1, $0x3;
	v3 =	vld [tilespmem:s17+$0xA060];
	[tilespmem:s17+$0xA050] =	vst v2  }
0x77: {  	v2 =	vld [tilespmem:s14+$0xFFFFFD60];
	_ =	sdelay $0x4  }
0x78: {  	v2 =	vmax.f32 v3, v2  }
0x79: {  	v3 =	vld [tilespmem:s17+$0xA070];
	[tilespmem:s17+$0xA060] =	vst v2  }
0x7a: {  	v2 =	vld [tilespmem:s14+$0xFFFFFD70];
	_ =	sdelay $0x4  }
0x7b: {  	v2 =	vmax.f32 v3, v2  }
0x7c: {  	[tilespmem:s17+$0xA070] =	vst v2  }
0x7d: {  	s18 =	spop (v2sf);
	v2 =	vld [tilespmem:s14+$0xFFFFFD80]  }
0x7e: {  	v3 =	vld [tilespmem:s18+$0xA000];
	_ =	sdelay $0x4  }
0x7f: {  	v2 =	vmax.f32 v3, v2  }
0x80: {  	v3 =	vld [tilespmem:s18+$0xA010];
	[tilespmem:s18+$0xA000] =	vst v2  }
0x81: {  	v2 =	vld [tilespmem:s14+$0xFFFFFD90];
	_ =	sdelay $0x4  }
0x82: {  	v2 =	vmax.f32 v3, v2  }
0x83: {  	v3 =	vld [tilespmem:s18+$0xA020];
	[tilespmem:s18+$0xA010] =	vst v2  }
0x84: {  	v2 =	vld [tilespmem:s14+$0xFFFFFDA0];
	_ =	sdelay $0x4  }
0x85: {  	v2 =	vmax.f32 v3, v2  }
0x86: {  	v3 =	vld [tilespmem:s18+$0xA030];
	[tilespmem:s18+$0xA020] =	vst v2  }
0x87: {  	v2 =	vld [tilespmem:s14+$0xFFFFFDB0];
	_ =	sdelay $0x4  }
0x88: {  	v2 =	vmax.f32 v3, v2  }
0x89: {  	v3 =	vld [tilespmem:s18+$0xA040];
	[tilespmem:s18+$0xA030] =	vst v2  }
0x8a: {  	v2 =	vld [tilespmem:s14+$0xFFFFFDC0];
	_ =	sdelay $0x4  }
0x8b: {  	v2 =	vmax.f32 v3, v2  }
0x8c: {  	v3 =	vld [tilespmem:s18+$0xA050];
	[tilespmem:s18+$0xA040] =	vst v2  }
0x8d: {  	v2 =	vld [tilespmem:s14+$0xFFFFFDD0];
	_ =	sdelay $0x4  }
0x8e: {  	v2 =	vmax.f32 v3, v2  }
0x8f: {  	(v2sf) =	vpush v1, $0x4;
	v3 =	vld [tilespmem:s18+$0xA060];
	[tilespmem:s18+$0xA050] =	vst v2  }
0x90: {  	v2 =	vld [tilespmem:s14+$0xFFFFFDE0];
	_ =	sdelay $0x4  }
0x91: {  	v2 =	vmax.f32 v3, v2  }
0x92: {  	v3 =	vld [tilespmem:s18+$0xA070];
	[tilespmem:s18+$0xA060] =	vst v2  }
0x93: {  	v2 =	vld [tilespmem:s14+$0xFFFFFDF0];
	_ =	sdelay $0x4  }
0x94: {  	v2 =	vmax.f32 v3, v2  }
0x95: {  	[tilespmem:s18+$0xA070] =	vst v2  }
0x96: {  	s19 =	spop (v2sf);
	v2 =	vld [tilespmem:s14+$0xFFFFFE00]  }
0x97: {  	v3 =	vld [tilespmem:s19+$0xA000];
	_ =	sdelay $0x4  }
0x98: {  	v2 =	vmax.f32 v3, v2  }
0x99: {  	v3 =	vld [tilespmem:s19+$0xA010];
	[tilespmem:s19+$0xA000] =	vst v2  }
0x9a: {  	v2 =	vld [tilespmem:s14+$0xFFFFFE10];
	_ =	sdelay $0x4  }
0x9b: {  	v2 =	vmax.f32 v3, v2  }
0x9c: {  	v3 =	vld [tilespmem:s19+$0xA020];
	[tilespmem:s19+$0xA010] =	vst v2  }
0x9d: {  	v2 =	vld [tilespmem:s14+$0xFFFFFE20];
	_ =	sdelay $0x4  }
0x9e: {  	v2 =	vmax.f32 v3, v2  }
0x9f: {  	v3 =	vld [tilespmem:s19+$0xA030];
	[tilespmem:s19+$0xA020] =	vst v2  }
0xa0: {  	v2 =	vld [tilespmem:s14+$0xFFFFFE30];
	_ =	sdelay $0x4  }
0xa1: {  	v2 =	vmax.f32 v3, v2  }
0xa2: {  	v3 =	vld [tilespmem:s19+$0xA040];
	[tilespmem:s19+$0xA030] =	vst v2  }
0xa3: {  	v2 =	vld [tilespmem:s14+$0xFFFFFE40];
	_ =	sdelay $0x4  }
0xa4: {  	v2 =	vmax.f32 v3, v2  }
0xa5: {  	v3 =	vld [tilespmem:s19+$0xA050];
	[tilespmem:s19+$0xA040] =	vst v2  }
0xa6: {  	v2 =	vld [tilespmem:s14+$0xFFFFFE50];
	_ =	sdelay $0x4  }
0xa7: {  	v2 =	vmax.f32 v3, v2  }
0xa8: {  	(v2sf) =	vpush v1, $0x5;
	v3 =	vld [tilespmem:s19+$0xA060];
	[tilespmem:s19+$0xA050] =	vst v2  }
0xa9: {  	v2 =	vld [tilespmem:s14+$0xFFFFFE60];
	_ =	sdelay $0x4  }
0xaa: {  	v2 =	vmax.f32 v3, v2  }
0xab: {  	v3 =	vld [tilespmem:s19+$0xA070];
	[tilespmem:s19+$0xA060] =	vst v2  }
0xac: {  	v2 =	vld [tilespmem:s14+$0xFFFFFE70];
	_ =	sdelay $0x4  }
0xad: {  	v2 =	vmax.f32 v3, v2  }
0xae: {  	[tilespmem:s19+$0xA070] =	vst v2  }
0xaf: {  	s20 =	spop (v2sf);
	v2 =	vld [tilespmem:s14+$0xFFFFFE80]  }
0xb0: {  	v3 =	vld [tilespmem:s20+$0xA000];
	_ =	sdelay $0x4  }
0xb1: {  	v2 =	vmax.f32 v3, v2  }
0xb2: {  	v3 =	vld [tilespmem:s20+$0xA010];
	[tilespmem:s20+$0xA000] =	vst v2  }
0xb3: {  	v2 =	vld [tilespmem:s14+$0xFFFFFE90];
	_ =	sdelay $0x4  }
0xb4: {  	v2 =	vmax.f32 v3, v2  }
0xb5: {  	v3 =	vld [tilespmem:s20+$0xA020];
	[tilespmem:s20+$0xA010] =	vst v2  }
0xb6: {  	v2 =	vld [tilespmem:s14+$0xFFFFFEA0];
	_ =	sdelay $0x4  }
0xb7: {  	v2 =	vmax.f32 v3, v2  }
0xb8: {  	v3 =	vld [tilespmem:s20+$0xA030];
	[tilespmem:s20+$0xA020] =	vst v2  }
0xb9: {  	v2 =	vld [tilespmem:s14+$0xFFFFFEB0];
	_ =	sdelay $0x4  }
0xba: {  	v2 =	vmax.f32 v3, v2  }
0xbb: {  	v3 =	vld [tilespmem:s20+$0xA040];
	[tilespmem:s20+$0xA030] =	vst v2  }
0xbc: {  	v2 =	vld [tilespmem:s14+$0xFFFFFEC0];
	_ =	sdelay $0x4  }
0xbd: {  	v2 =	vmax.f32 v3, v2  }
0xbe: {  	v3 =	vld [tilespmem:s20+$0xA050];
	[tilespmem:s20+$0xA040] =	vst v2  }
0xbf: {  	v2 =	vld [tilespmem:s14+$0xFFFFFED0];
	_ =	sdelay $0x4  }
0xc0: {  	v2 =	vmax.f32 v3, v2  }
0xc1: {  	(v2sf) =	vpush v1, $0x6;
	v3 =	vld [tilespmem:s20+$0xA060];
	[tilespmem:s20+$0xA050] =	vst v2  }
0xc2: {  	v2 =	vld [tilespmem:s14+$0xFFFFFEE0];
	_ =	sdelay $0x4  }
0xc3: {  	v2 =	vmax.f32 v3, v2  }
0xc4: {  	v3 =	vld [tilespmem:s20+$0xA070];
	[tilespmem:s20+$0xA060] =	vst v2  }
0xc5: {  	v2 =	vld [tilespmem:s14+$0xFFFFFEF0];
	_ =	sdelay $0x4  }
0xc6: {  	v2 =	vmax.f32 v3, v2  }
0xc7: {  	[tilespmem:s20+$0xA070] =	vst v2  }
0xc8: {  	s21 =	spop (v2sf);
	v2 =	vld [tilespmem:s14+$0xFFFFFF00]  }
0xc9: {  	v3 =	vld [tilespmem:s21+$0xA000];
	_ =	sdelay $0x4  }
0xca: {  	v2 =	vmax.f32 v3, v2  }
0xcb: {  	v3 =	vld [tilespmem:s21+$0xA010];
	[tilespmem:s21+$0xA000] =	vst v2  }
0xcc: {  	v2 =	vld [tilespmem:s14+$0xFFFFFF10];
	_ =	sdelay $0x4  }
0xcd: {  	v2 =	vmax.f32 v3, v2  }
0xce: {  	v3 =	vld [tilespmem:s21+$0xA020];
	[tilespmem:s21+$0xA010] =	vst v2  }
0xcf: {  	v2 =	vld [tilespmem:s14+$0xFFFFFF20];
	_ =	sdelay $0x4  }
0xd0: {  	v2 =	vmax.f32 v3, v2  }
0xd1: {  	v3 =	vld [tilespmem:s21+$0xA030];
	[tilespmem:s21+$0xA020] =	vst v2  }
0xd2: {  	v2 =	vld [tilespmem:s14+$0xFFFFFF30];
	_ =	sdelay $0x4  }
0xd3: {  	v2 =	vmax.f32 v3, v2  }
0xd4: {  	v3 =	vld [tilespmem:s21+$0xA040];
	[tilespmem:s21+$0xA030] =	vst v2  }
0xd5: {  	v2 =	vld [tilespmem:s14+$0xFFFFFF40];
	_ =	sdelay $0x4  }
0xd6: {  	v2 =	vmax.f32 v3, v2  }
0xd7: {  	v3 =	vld [tilespmem:s21+$0xA050];
	[tilespmem:s21+$0xA040] =	vst v2  }
0xd8: {  	v2 =	vld [tilespmem:s14+$0xFFFFFF50];
	_ =	sdelay $0x4  }
0xd9: {  	v2 =	vmax.f32 v3, v2  }
0xda: {  	(v2sf) =	vpush v1, $0x7;
	v3 =	vld [tilespmem:s21+$0xA060];
	[tilespmem:s21+$0xA050] =	vst v2  }
0xdb: {  	v2 =	vld [tilespmem:s14+$0xFFFFFF60];
	_ =	sdelay $0x4  }
0xdc: {  	v2 =	vmax.f32 v3, v2  }
0xdd: {  	v3 =	vld [tilespmem:s21+$0xA070];
	[tilespmem:s21+$0xA060] =	vst v2  }
0xde: {  	v2 =	vld [tilespmem:s14+$0xFFFFFF70];
	_ =	sdelay $0x4  }
0xdf: {  	v2 =	vmax.f32 v3, v2  }
0xe0: {  	[tilespmem:s21+$0xA070] =	vst v2  }
0xe1: {  	s22 =	spop (v2sf);
	v2 =	vld [tilespmem:s14+$0xFFFFFF80]  }
0xe2: {  	v3 =	vld [tilespmem:s22+$0xA000];
	_ =	sdelay $0x4  }
0xe3: {  	v2 =	vmax.f32 v3, v2  }
0xe4: {  	v3 =	vld [tilespmem:s22+$0xA010];
	[tilespmem:s22+$0xA000] =	vst v2  }
0xe5: {  	v2 =	vld [tilespmem:s14+$0xFFFFFF90];
	_ =	sdelay $0x4  }
0xe6: {  	v2 =	vmax.f32 v3, v2  }
0xe7: {  	v3 =	vld [tilespmem:s22+$0xA020];
	[tilespmem:s22+$0xA010] =	vst v2  }
0xe8: {  	v2 =	vld [tilespmem:s14+$0xFFFFFFA0];
	_ =	sdelay $0x4  }
0xe9: {  	v2 =	vmax.f32 v3, v2  }
0xea: {  	v3 =	vld [tilespmem:s22+$0xA030];
	[tilespmem:s22+$0xA020] =	vst v2  }
0xeb: {  	v2 =	vld [tilespmem:s14+$0xFFFFFFB0];
	_ =	sdelay $0x4  }
0xec: {  	v2 =	vmax.f32 v3, v2  }
0xed: {  	v3 =	vld [tilespmem:s22+$0xA040];
	[tilespmem:s22+$0xA030] =	vst v2  }
0xee: {  	v2 =	vld [tilespmem:s14+$0xFFFFFFC0];
	_ =	sdelay $0x4  }
0xef: {  	v2 =	vmax.f32 v3, v2  }
0xf0: {  	v3 =	vld [tilespmem:s22+$0xA050];
	[tilespmem:s22+$0xA040] =	vst v2  }
0xf1: {  	v2 =	vld [tilespmem:s14+$0xFFFFFFD0];
	_ =	sdelay $0x4  }
0xf2: {  	v2 =	vmax.f32 v3, v2  }
0xf3: {  	(v2sf) =	vpush v1, $0x8;
	v3 =	vld [tilespmem:s22+$0xA060];
	[tilespmem:s22+$0xA050] =	vst v2  }
0xf4: {  	v2 =	vld [tilespmem:s14+$0xFFFFFFE0];
	_ =	sdelay $0x4  }
0xf5: {  	v2 =	vmax.f32 v3, v2  }
0xf6: {  	v3 =	vld [tilespmem:s22+$0xA070];
	[tilespmem:s22+$0xA060] =	vst v2  }
0xf7: {  	v2 =	vld [tilespmem:s14+$0xFFFFFFF0];
	_ =	sdelay $0x4  }
0xf8: {  	v2 =	vmax.f32 v3, v2  }
0xf9: {  	[tilespmem:s22+$0xA070] =	vst v2  }
0xfa: {  	s23 =	spop (v2sf);
	v2 =	vld [tilespmem:s14+$0x0]  }
0xfb: {  	v3 =	vld [tilespmem:s23+$0xA000];
	_ =	sdelay $0x4  }
0xfc: {  	v2 =	vmax.f32 v3, v2  }
0xfd: {  	v3 =	vld [tilespmem:s23+$0xA010];
	[tilespmem:s23+$0xA000] =	vst v2  }
0xfe: {  	v2 =	vld [tilespmem:s14+$0x10];
	_ =	sdelay $0x4  }
0xff: {  	v2 =	vmax.f32 v3, v2  }
0x100: {  	v3 =	vld [tilespmem:s23+$0xA020];
	[tilespmem:s23+$0xA010] =	vst v2  }
0x101: {  	v2 =	vld [tilespmem:s14+$0x20];
	_ =	sdelay $0x4  }
0x102: {  	v2 =	vmax.f32 v3, v2  }
0x103: {  	v3 =	vld [tilespmem:s23+$0xA030];
	[tilespmem:s23+$0xA020] =	vst v2  }
0x104: {  	v2 =	vld [tilespmem:s14+$0x30];
	_ =	sdelay $0x4  }
0x105: {  	v2 =	vmax.f32 v3, v2  }
0x106: {  	v3 =	vld [tilespmem:s23+$0xA040];
	[tilespmem:s23+$0xA030] =	vst v2  }
0x107: {  	v2 =	vld [tilespmem:s14+$0x40];
	_ =	sdelay $0x4  }
0x108: {  	v2 =	vmax.f32 v3, v2  }
0x109: {  	v3 =	vld [tilespmem:s23+$0xA050];
	[tilespmem:s23+$0xA040] =	vst v2  }
0x10a: {  	v2 =	vld [tilespmem:s14+$0x50];
	_ =	sdelay $0x4  }
0x10b: {  	v2 =	vmax.f32 v3, v2  }
0x10c: {  	(v2sf) =	vpush v1, $0x9;
	v3 =	vld [tilespmem:s23+$0xA060];
	[tilespmem:s23+$0xA050] =	vst v2  }
0x10d: {  	v2 =	vld [tilespmem:s14+$0x60];
	_ =	sdelay $0x4  }
0x10e: {  	v2 =	vmax.f32 v3, v2  }
0x10f: {  	v3 =	vld [tilespmem:s23+$0xA070];
	[tilespmem:s23+$0xA060] =	vst v2  }
0x110: {  	v2 =	vld [tilespmem:s14+$0x70];
	_ =	sdelay $0x4  }
0x111: {  	v2 =	vmax.f32 v3, v2  }
0x112: {  	[tilespmem:s23+$0xA070] =	vst v2  }
0x113: {  	s24 =	spop (v2sf);
	v2 =	vld [tilespmem:s14+$0x80]  }
0x114: {  	v3 =	vld [tilespmem:s24+$0xA000];
	_ =	sdelay $0x4  }
0x115: {  	v2 =	vmax.f32 v3, v2  }
0x116: {  	v3 =	vld [tilespmem:s24+$0xA010];
	[tilespmem:s24+$0xA000] =	vst v2  }
0x117: {  	v2 =	vld [tilespmem:s14+$0x90];
	_ =	sdelay $0x4  }
0x118: {  	v2 =	vmax.f32 v3, v2  }
0x119: {  	v3 =	vld [tilespmem:s24+$0xA020];
	[tilespmem:s24+$0xA010] =	vst v2  }
0x11a: {  	v2 =	vld [tilespmem:s14+$0xA0];
	_ =	sdelay $0x4  }
0x11b: {  	v2 =	vmax.f32 v3, v2  }
0x11c: {  	v3 =	vld [tilespmem:s24+$0xA030];
	[tilespmem:s24+$0xA020] =	vst v2  }
0x11d: {  	v2 =	vld [tilespmem:s14+$0xB0];
	_ =	sdelay $0x4  }
0x11e: {  	v2 =	vmax.f32 v3, v2  }
0x11f: {  	v3 =	vld [tilespmem:s24+$0xA040];
	[tilespmem:s24+$0xA030] =	vst v2  }
0x120: {  	v2 =	vld [tilespmem:s14+$0xC0];
	_ =	sdelay $0x4  }
0x121: {  	v2 =	vmax.f32 v3, v2  }
0x122: {  	v3 =	vld [tilespmem:s24+$0xA050];
	[tilespmem:s24+$0xA040] =	vst v2  }
0x123: {  	v2 =	vld [tilespmem:s14+$0xD0];
	_ =	sdelay $0x4  }
0x124: {  	v2 =	vmax.f32 v3, v2  }
0x125: {  	(v2sf) =	vpush v1, $0xA;
	v3 =	vld [tilespmem:s24+$0xA060];
	[tilespmem:s24+$0xA050] =	vst v2  }
0x126: {  	v2 =	vld [tilespmem:s14+$0xE0];
	_ =	sdelay $0x4  }
0x127: {  	v2 =	vmax.f32 v3, v2  }
0x128: {  	v3 =	vld [tilespmem:s24+$0xA070];
	[tilespmem:s24+$0xA060] =	vst v2  }
0x129: {  	v2 =	vld [tilespmem:s14+$0xF0];
	_ =	sdelay $0x4  }
0x12a: {  	v2 =	vmax.f32 v3, v2  }
0x12b: {  	[tilespmem:s24+$0xA070] =	vst v2  }
0x12c: {  	s25 =	spop (v2sf);
	v2 =	vld [tilespmem:s14+$0x100]  }
0x12d: {  	v3 =	vld [tilespmem:s25+$0xA000];
	_ =	sdelay $0x4  }
0x12e: {  	v2 =	vmax.f32 v3, v2  }
0x12f: {  	v3 =	vld [tilespmem:s25+$0xA010];
	[tilespmem:s25+$0xA000] =	vst v2  }
0x130: {  	v2 =	vld [tilespmem:s14+$0x110];
	_ =	sdelay $0x4  }
0x131: {  	v2 =	vmax.f32 v3, v2  }
0x132: {  	v3 =	vld [tilespmem:s25+$0xA020];
	[tilespmem:s25+$0xA010] =	vst v2  }
0x133: {  	v2 =	vld [tilespmem:s14+$0x120];
	_ =	sdelay $0x4  }
0x134: {  	v2 =	vmax.f32 v3, v2  }
0x135: {  	v3 =	vld [tilespmem:s25+$0xA030];
	[tilespmem:s25+$0xA020] =	vst v2  }
0x136: {  	v2 =	vld [tilespmem:s14+$0x130];
	_ =	sdelay $0x4  }
0x137: {  	v2 =	vmax.f32 v3, v2  }
0x138: {  	v3 =	vld [tilespmem:s25+$0xA040];
	[tilespmem:s25+$0xA030] =	vst v2  }
0x139: {  	v2 =	vld [tilespmem:s14+$0x140];
	_ =	sdelay $0x4  }
0x13a: {  	v2 =	vmax.f32 v3, v2  }
0x13b: {  	v3 =	vld [tilespmem:s25+$0xA050];
	[tilespmem:s25+$0xA040] =	vst v2  }
0x13c: {  	v2 =	vld [tilespmem:s14+$0x150];
	_ =	sdelay $0x4  }
0x13d: {  	v2 =	vmax.f32 v3, v2  }
0x13e: {  	(v2sf) =	vpush v1, $0xB;
	v3 =	vld [tilespmem:s25+$0xA060];
	[tilespmem:s25+$0xA050] =	vst v2  }
0x13f: {  	v2 =	vld [tilespmem:s14+$0x160];
	_ =	sdelay $0x4  }
0x140: {  	v2 =	vmax.f32 v3, v2  }
0x141: {  	v3 =	vld [tilespmem:s25+$0xA070];
	[tilespmem:s25+$0xA060] =	vst v2  }
0x142: {  	v2 =	vld [tilespmem:s14+$0x170];
	_ =	sdelay $0x4  }
0x143: {  	v2 =	vmax.f32 v3, v2  }
0x144: {  	[tilespmem:s25+$0xA070] =	vst v2  }
0x145: {  	s26 =	spop (v2sf);
	v2 =	vld [tilespmem:s14+$0x180]  }
0x146: {  	v3 =	vld [tilespmem:s26+$0xA000];
	_ =	sdelay $0x4  }
0x147: {  	v2 =	vmax.f32 v3, v2  }
0x148: {  	v3 =	vld [tilespmem:s26+$0xA010];
	[tilespmem:s26+$0xA000] =	vst v2  }
0x149: {  	v2 =	vld [tilespmem:s14+$0x190];
	_ =	sdelay $0x4  }
0x14a: {  	v2 =	vmax.f32 v3, v2  }
0x14b: {  	v3 =	vld [tilespmem:s26+$0xA020];
	[tilespmem:s26+$0xA010] =	vst v2  }
0x14c: {  	v2 =	vld [tilespmem:s14+$0x1A0];
	_ =	sdelay $0x4  }
0x14d: {  	v2 =	vmax.f32 v3, v2  }
0x14e: {  	v3 =	vld [tilespmem:s26+$0xA030];
	[tilespmem:s26+$0xA020] =	vst v2  }
0x14f: {  	v2 =	vld [tilespmem:s14+$0x1B0];
	_ =	sdelay $0x4  }
0x150: {  	v2 =	vmax.f32 v3, v2  }
0x151: {  	v3 =	vld [tilespmem:s26+$0xA040];
	[tilespmem:s26+$0xA030] =	vst v2  }
0x152: {  	v2 =	vld [tilespmem:s14+$0x1C0];
	_ =	sdelay $0x4  }
0x153: {  	v2 =	vmax.f32 v3, v2  }
0x154: {  	v3 =	vld [tilespmem:s26+$0xA050];
	[tilespmem:s26+$0xA040] =	vst v2  }
0x155: {  	v2 =	vld [tilespmem:s14+$0x1D0];
	_ =	sdelay $0x4  }
0x156: {  	v2 =	vmax.f32 v3, v2  }
0x157: {  	(v2sf) =	vpush v1, $0xC;
	v3 =	vld [tilespmem:s26+$0xA060];
	[tilespmem:s26+$0xA050] =	vst v2  }
0x158: {  	v2 =	vld [tilespmem:s14+$0x1E0];
	_ =	sdelay $0x4  }
0x159: {  	v2 =	vmax.f32 v3, v2  }
0x15a: {  	v3 =	vld [tilespmem:s26+$0xA070];
	[tilespmem:s26+$0xA060] =	vst v2  }
0x15b: {  	v2 =	vld [tilespmem:s14+$0x1F0];
	_ =	sdelay $0x4  }
0x15c: {  	v2 =	vmax.f32 v3, v2  }
0x15d: {  	[tilespmem:s26+$0xA070] =	vst v2  }
0x15e: {  	s28 =	spop (v2sf);
	v2 =	vld [tilespmem:s14+$0x200]  }
0x15f: {  	v3 =	vld [tilespmem:s28+$0xA000];
	_ =	sdelay $0x4  }
0x160: {  	v2 =	vmax.f32 v3, v2  }
0x161: {  	v3 =	vld [tilespmem:s28+$0xA010];
	[tilespmem:s28+$0xA000] =	vst v2  }
0x162: {  	v2 =	vld [tilespmem:s14+$0x210];
	_ =	sdelay $0x4  }
0x163: {  	v2 =	vmax.f32 v3, v2  }
0x164: {  	v3 =	vld [tilespmem:s28+$0xA020];
	[tilespmem:s28+$0xA010] =	vst v2  }
0x165: {  	v2 =	vld [tilespmem:s14+$0x220];
	_ =	sdelay $0x4  }
0x166: {  	v2 =	vmax.f32 v3, v2  }
0x167: {  	v3 =	vld [tilespmem:s28+$0xA030];
	[tilespmem:s28+$0xA020] =	vst v2  }
0x168: {  	v2 =	vld [tilespmem:s14+$0x230];
	_ =	sdelay $0x4  }
0x169: {  	v2 =	vmax.f32 v3, v2  }
0x16a: {  	v3 =	vld [tilespmem:s28+$0xA040];
	[tilespmem:s28+$0xA030] =	vst v2  }
0x16b: {  	v2 =	vld [tilespmem:s14+$0x240];
	_ =	sdelay $0x4  }
0x16c: {  	v2 =	vmax.f32 v3, v2  }
0x16d: {  	v3 =	vld [tilespmem:s28+$0xA050];
	[tilespmem:s28+$0xA040] =	vst v2  }
0x16e: {  	v2 =	vld [tilespmem:s14+$0x250];
	_ =	sdelay $0x4  }
0x16f: {  	v2 =	vmax.f32 v3, v2  }
0x170: {  	(v2sf) =	vpush v1, $0xD;
	v3 =	vld [tilespmem:s28+$0xA060];
	[tilespmem:s28+$0xA050] =	vst v2  }
0x171: {  	v2 =	vld [tilespmem:s14+$0x260];
	_ =	sdelay $0x4  }
0x172: {  	v2 =	vmax.f32 v3, v2  }
0x173: {  	v3 =	vld [tilespmem:s28+$0xA070];
	[tilespmem:s28+$0xA060] =	vst v2  }
0x174: {  	v2 =	vld [tilespmem:s14+$0x270];
	_ =	sdelay $0x4  }
0x175: {  	v2 =	vmax.f32 v3, v2  }
0x176: {  	[tilespmem:s28+$0xA070] =	vst v2  }
0x177: {  	s29 =	spop (v2sf);
	v2 =	vld [tilespmem:s14+$0x280]  }
0x178: {  	v3 =	vld [tilespmem:s29+$0xA000];
	_ =	sdelay $0x4  }
0x179: {  	v2 =	vmax.f32 v3, v2  }
0x17a: {  	v3 =	vld [tilespmem:s29+$0xA010];
	[tilespmem:s29+$0xA000] =	vst v2  }
0x17b: {  	v2 =	vld [tilespmem:s14+$0x290];
	_ =	sdelay $0x4  }
0x17c: {  	v2 =	vmax.f32 v3, v2  }
0x17d: {  	v3 =	vld [tilespmem:s29+$0xA020];
	[tilespmem:s29+$0xA010] =	vst v2  }
0x17e: {  	v2 =	vld [tilespmem:s14+$0x2A0];
	_ =	sdelay $0x4  }
0x17f: {  	v2 =	vmax.f32 v3, v2  }
0x180: {  	v3 =	vld [tilespmem:s29+$0xA030];
	[tilespmem:s29+$0xA020] =	vst v2  }
0x181: {  	v2 =	vld [tilespmem:s14+$0x2B0];
	_ =	sdelay $0x4  }
0x182: {  	v2 =	vmax.f32 v3, v2  }
0x183: {  	v3 =	vld [tilespmem:s29+$0xA040];
	[tilespmem:s29+$0xA030] =	vst v2  }
0x184: {  	v2 =	vld [tilespmem:s14+$0x2C0];
	_ =	sdelay $0x4  }
0x185: {  	v2 =	vmax.f32 v3, v2  }
0x186: {  	v3 =	vld [tilespmem:s29+$0xA050];
	[tilespmem:s29+$0xA040] =	vst v2  }
0x187: {  	v2 =	vld [tilespmem:s14+$0x2D0];
	_ =	sdelay $0x4  }
0x188: {  	v2 =	vmax.f32 v3, v2  }
0x189: {  	(v2sf) =	vpush v1, $0xE;
	v3 =	vld [tilespmem:s29+$0xA060];
	[tilespmem:s29+$0xA050] =	vst v2  }
0x18a: {  	v2 =	vld [tilespmem:s14+$0x2E0];
	_ =	sdelay $0x4  }
0x18b: {  	v2 =	vmax.f32 v3, v2  }
0x18c: {  	v3 =	vld [tilespmem:s29+$0xA070];
	[tilespmem:s29+$0xA060] =	vst v2  }
0x18d: {  	v2 =	vld [tilespmem:s14+$0x2F0];
	_ =	sdelay $0x4  }
0x18e: {  	v2 =	vmax.f32 v3, v2  }
0x18f: {  	[tilespmem:s29+$0xA070] =	vst v2  }
0x190: {  	s30 =	spop (v2sf);
	v2 =	vld [tilespmem:s14+$0x300]  }
0x191: {  	v3 =	vld [tilespmem:s30+$0xA000];
	_ =	sdelay $0x4  }
0x192: {  	v2 =	vmax.f32 v3, v2  }
0x193: {  	v3 =	vld [tilespmem:s30+$0xA010];
	[tilespmem:s30+$0xA000] =	vst v2  }
0x194: {  	v2 =	vld [tilespmem:s14+$0x310];
	_ =	sdelay $0x4  }
0x195: {  	v2 =	vmax.f32 v3, v2  }
0x196: {  	v3 =	vld [tilespmem:s30+$0xA020];
	[tilespmem:s30+$0xA010] =	vst v2  }
0x197: {  	v2 =	vld [tilespmem:s14+$0x320];
	_ =	sdelay $0x4  }
0x198: {  	v2 =	vmax.f32 v3, v2  }
0x199: {  	v3 =	vld [tilespmem:s30+$0xA030];
	[tilespmem:s30+$0xA020] =	vst v2  }
0x19a: {  	v2 =	vld [tilespmem:s14+$0x330];
	_ =	sdelay $0x4  }
0x19b: {  	v2 =	vmax.f32 v3, v2  }
0x19c: {  	v3 =	vld [tilespmem:s30+$0xA040];
	[tilespmem:s30+$0xA030] =	vst v2  }
0x19d: {  	v2 =	vld [tilespmem:s14+$0x340];
	_ =	sdelay $0x4  }
0x19e: {  	v2 =	vmax.f32 v3, v2  }
0x19f: {  	v3 =	vld [tilespmem:s30+$0xA050];
	[tilespmem:s30+$0xA040] =	vst v2  }
0x1a0: {  	v2 =	vld [tilespmem:s14+$0x350];
	_ =	sdelay $0x4  }
0x1a1: {  	v2 =	vmax.f32 v3, v2  }
0x1a2: {  	(v2sf) =	vpush v1, $0xF;
	v3 =	vld [tilespmem:s30+$0xA060];
	[tilespmem:s30+$0xA050] =	vst v2  }
0x1a3: {  	v2 =	vld [tilespmem:s14+$0x360];
	_ =	sdelay $0x4  }
0x1a4: {  	v1 =	vmax.f32 v3, v2  }
0x1a5: {  	v2 =	vld [tilespmem:s30+$0xA070];
	[tilespmem:s30+$0xA060] =	vst v1  }
0x1a6: {  	v1 =	vld [tilespmem:s14+$0x370];
	_ =	sdelay $0x4  }
0x1a7: {  	v1 =	vmax.f32 v2, v1  }
0x1a8: {  	[tilespmem:s30+$0xA070] =	vst v1  }
0x1a9: {  	s31 =	spop (v2sf);
	v1 =	vld [tilespmem:s14+$0x380]  }
0x1aa: {  	v2 =	vld [tilespmem:s31+$0xA000];
	_ =	sdelay $0x4  }
0x1ab: {  	v1 =	vmax.f32 v2, v1  }
0x1ac: {  	v2 =	vld [tilespmem:s31+$0xA010];
	[tilespmem:s31+$0xA000] =	vst v1  }
0x1ad: {  	v1 =	vld [tilespmem:s14+$0x390];
	_ =	sdelay $0x4  }
0x1ae: {  	v1 =	vmax.f32 v2, v1  }
0x1af: {  	v2 =	vld [tilespmem:s31+$0xA020];
	[tilespmem:s31+$0xA010] =	vst v1  }
0x1b0: {  	v1 =	vld [tilespmem:s14+$0x3A0];
	_ =	sdelay $0x4  }
0x1b1: {  	v1 =	vmax.f32 v2, v1  }
0x1b2: {  	v2 =	vld [tilespmem:s31+$0xA030];
	[tilespmem:s31+$0xA020] =	vst v1  }
0x1b3: {  	v1 =	vld [tilespmem:s14+$0x3B0];
	_ =	sdelay $0x4  }
0x1b4: {  	v1 =	vmax.f32 v2, v1  }
0x1b5: {  	v2 =	vld [tilespmem:s31+$0xA040];
	[tilespmem:s31+$0xA030] =	vst v1  }
0x1b6: {  	v1 =	vld [tilespmem:s14+$0x3C0];
	_ =	sdelay $0x4  }
0x1b7: {  	v1 =	vmax.f32 v2, v1  }
0x1b8: {  	v2 =	vld [tilespmem:s31+$0xA050];
	[tilespmem:s31+$0xA040] =	vst v1  }
0x1b9: {  	v1 =	vld [tilespmem:s14+$0x3D0];
	_ =	sdelay $0x4  }
0x1ba: {  	v1 =	vmax.f32 v2, v1  }
0x1bb: {  	v2 =	vld [tilespmem:s31+$0xA060];
	[tilespmem:s31+$0xA050] =	vst v1  }
0x1bc: {  	v1 =	vld [tilespmem:s14+$0x3E0];
	_ =	sdelay $0x4  }
0x1bd: {  	v1 =	vmax.f32 v2, v1  }
0x1be: {  	v2 =	vld [tilespmem:s31+$0xA070];
	[tilespmem:s31+$0xA060] =	vst v1  }
0x1bf: {  	v1 =	vld [tilespmem:s14+$0x3F0]  }
0x1c0: {  	p1 =	sne.s32 s13, $0x4C0  }
.Ltmp3:
0x1c1: {  	_ = 	snop;
	(pc) =	sbr.rel @p1 .LBB2_4-.Ltmp3, $3  }
0x1c2: {  	_ =	sdelay $0x1  }
0x1c3: {  	v1 =	vmax.f32 v2, v1  }
0x1c4: {  	s13 =	sadd.s32 $0x40, s13;
	s14 =	sadd.s32 $0x800, s14;
	[tilespmem:s31+$0xA070] =	vst v1  }
.Ltmp4:
0x1c5: {  	(pc) =	sbr.rel @p0 .LBB2_7-.Ltmp4, $1  }
0x1c6: {  	_ =	sdelay $0x3  }
0x1c7: {  	[tilespmem:s2], [sflag:$0x1] =	stream.linear.gather [hbm4b:s5+s2], $0x800, $0x38;
	[tilespmem:$0xE180] =	vst v63  }
0x1c8: {  	_ =	swait.ge [sflag:s9], $0x800  }
0x1c9: {  	[sflag:s9] =	ssyncset.done $0x0  }
0x1ca: {  	[sflag:s9] =	ssyncadd.s32 $0xFFFFF800  }
0x1cb: {  	[tilespmem:s10], [sflag:$0x1] =	stream.linear.gather [hbm4b:s6+s2], $0x10, $0x38;
	[tilespmem:$0xE180] =	vst v63  }
0x1cc: {  	_ =	swait.ge [sflag:s9], $0x10  }
0x1cd: {  	[sflag:s9] =	ssyncset.done $0x0  }
0x1ce: {  	[sflag:s9] =	ssyncadd.s32 $0xFFFFFFF0  }
0x1cf: {  	v1 =	vld [tilespmem:$0xE000];
	_ =	sdelay $0x4  }
0x1d0: {  	v1 =	vshll.u32 v1, $0x9  }
0x1d1: {  	v1 =	vshra.s32 v1, $0x2  }
0x1d2: {  	(v2sf) =	vpush v1, $0x0;
	_ =	sdelay $0xe  }
0x1d3: {  	v2 =	vld [tilespmem:$0x0];
	s13 =	spop (v2sf)  }
0x1d4: {  	v3 =	vld [tilespmem:s13+$0xA000];
	_ =	sdelay $0x4  }
0x1d5: {  	v2 =	vmax.f32 v3, v2  }
0x1d6: {  	v3 =	vld [tilespmem:s13+$0xA010];
	[tilespmem:s13+$0xA000] =	vst v2  }
0x1d7: {  	v2 =	vld [tilespmem:$0x10];
	_ =	sdelay $0x4  }
0x1d8: {  	v2 =	vmax.f32 v3, v2  }
0x1d9: {  	v3 =	vld [tilespmem:s13+$0xA020];
	[tilespmem:s13+$0xA010] =	vst v2  }
0x1da: {  	v2 =	vld [tilespmem:$0x20];
	_ =	sdelay $0x4  }
0x1db: {  	v2 =	vmax.f32 v3, v2  }
0x1dc: {  	v3 =	vld [tilespmem:s13+$0xA030];
	[tilespmem:s13+$0xA020] =	vst v2  }
0x1dd: {  	v2 =	vld [tilespmem:$0x30];
	_ =	sdelay $0x4  }
0x1de: {  	v2 =	vmax.f32 v3, v2  }
0x1df: {  	v3 =	vld [tilespmem:s13+$0xA040];
	[tilespmem:s13+$0xA030] =	vst v2  }
0x1e0: {  	v2 =	vld [tilespmem:$0x40];
	_ =	sdelay $0x4  }
0x1e1: {  	v2 =	vmax.f32 v3, v2  }
0x1e2: {  	v3 =	vld [tilespmem:s13+$0xA050];
	[tilespmem:s13+$0xA040] =	vst v2  }
0x1e3: {  	v2 =	vld [tilespmem:$0x50];
	_ =	sdelay $0x4  }
0x1e4: {  	v2 =	vmax.f32 v3, v2  }
0x1e5: {  	(v2sf) =	vpush v1, $0x1;
	v3 =	vld [tilespmem:s13+$0xA060];
	[tilespmem:s13+$0xA050] =	vst v2  }
0x1e6: {  	v2 =	vld [tilespmem:$0x60];
	_ =	sdelay $0x4  }
0x1e7: {  	v2 =	vmax.f32 v3, v2  }
0x1e8: {  	v3 =	vld [tilespmem:s13+$0xA070];
	[tilespmem:s13+$0xA060] =	vst v2  }
0x1e9: {  	v2 =	vld [tilespmem:$0x70];
	_ =	sdelay $0x4  }
0x1ea: {  	v2 =	vmax.f32 v3, v2  }
0x1eb: {  	[tilespmem:s13+$0xA070] =	vst v2  }
0x1ec: {  	s16 =	spop (v2sf);
	v2 =	vld [tilespmem:$0x80]  }
0x1ed: {  	v3 =	vld [tilespmem:s16+$0xA000];
	_ =	sdelay $0x4  }
0x1ee: {  	v2 =	vmax.f32 v3, v2  }
0x1ef: {  	v3 =	vld [tilespmem:s16+$0xA010];
	[tilespmem:s16+$0xA000] =	vst v2  }
0x1f0: {  	v2 =	vld [tilespmem:$0x90];
	_ =	sdelay $0x4  }
0x1f1: {  	v2 =	vmax.f32 v3, v2  }
0x1f2: {  	v3 =	vld [tilespmem:s16+$0xA020];
	[tilespmem:s16+$0xA010] =	vst v2  }
0x1f3: {  	v2 =	vld [tilespmem:$0xA0];
	_ =	sdelay $0x4  }
0x1f4: {  	v2 =	vmax.f32 v3, v2  }
0x1f5: {  	v3 =	vld [tilespmem:s16+$0xA030];
	[tilespmem:s16+$0xA020] =	vst v2  }
0x1f6: {  	v2 =	vld [tilespmem:$0xB0];
	_ =	sdelay $0x4  }
0x1f7: {  	v2 =	vmax.f32 v3, v2  }
0x1f8: {  	v3 =	vld [tilespmem:s16+$0xA040];
	[tilespmem:s16+$0xA030] =	vst v2  }
0x1f9: {  	v2 =	vld [tilespmem:$0xC0];
	_ =	sdelay $0x4  }
0x1fa: {  	v2 =	vmax.f32 v3, v2  }
0x1fb: {  	v3 =	vld [tilespmem:s16+$0xA050];
	[tilespmem:s16+$0xA040] =	vst v2  }
0x1fc: {  	v2 =	vld [tilespmem:$0xD0];
	_ =	sdelay $0x4  }
0x1fd: {  	v2 =	vmax.f32 v3, v2  }
0x1fe: {  	(v2sf) =	vpush v1, $0x2;
	v3 =	vld [tilespmem:s16+$0xA060];
	[tilespmem:s16+$0xA050] =	vst v2  }
0x1ff: {  	v2 =	vld [tilespmem:$0xE0];
	_ =	sdelay $0x4  }
0x200: {  	v2 =	vmax.f32 v3, v2  }
0x201: {  	v3 =	vld [tilespmem:s16+$0xA070];
	[tilespmem:s16+$0xA060] =	vst v2  }
0x202: {  	v2 =	vld [tilespmem:$0xF0];
	_ =	sdelay $0x4  }
0x203: {  	v2 =	vmax.f32 v3, v2  }
0x204: {  	[tilespmem:s16+$0xA070] =	vst v2  }
0x205: {  	s17 =	spop (v2sf);
	v2 =	vld [tilespmem:$0x100]  }
0x206: {  	v3 =	vld [tilespmem:s17+$0xA000];
	_ =	sdelay $0x4  }
0x207: {  	v2 =	vmax.f32 v3, v2  }
0x208: {  	v3 =	vld [tilespmem:s17+$0xA010];
	[tilespmem:s17+$0xA000] =	vst v2  }
0x209: {  	v2 =	vld [tilespmem:$0x110];
	_ =	sdelay $0x4  }
0x20a: {  	v2 =	vmax.f32 v3, v2  }
0x20b: {  	v3 =	vld [tilespmem:s17+$0xA020];
	[tilespmem:s17+$0xA010] =	vst v2  }
0x20c: {  	v2 =	vld [tilespmem:$0x120];
	_ =	sdelay $0x4  }
0x20d: {  	v2 =	vmax.f32 v3, v2  }
0x20e: {  	v3 =	vld [tilespmem:s17+$0xA030];
	[tilespmem:s17+$0xA020] =	vst v2  }
0x20f: {  	v2 =	vld [tilespmem:$0x130];
	_ =	sdelay $0x4  }
0x210: {  	v2 =	vmax.f32 v3, v2  }
0x211: {  	v3 =	vld [tilespmem:s17+$0xA040];
	[tilespmem:s17+$0xA030] =	vst v2  }
0x212: {  	v2 =	vld [tilespmem:$0x140];
	_ =	sdelay $0x4  }
0x213: {  	v2 =	vmax.f32 v3, v2  }
0x214: {  	v3 =	vld [tilespmem:s17+$0xA050];
	[tilespmem:s17+$0xA040] =	vst v2  }
0x215: {  	v2 =	vld [tilespmem:$0x150];
	_ =	sdelay $0x4  }
0x216: {  	v2 =	vmax.f32 v3, v2  }
0x217: {  	(v2sf) =	vpush v1, $0x3;
	v3 =	vld [tilespmem:s17+$0xA060];
	[tilespmem:s17+$0xA050] =	vst v2  }
0x218: {  	v2 =	vld [tilespmem:$0x160];
	_ =	sdelay $0x4  }
0x219: {  	v2 =	vmax.f32 v3, v2  }
0x21a: {  	v3 =	vld [tilespmem:s17+$0xA070];
	[tilespmem:s17+$0xA060] =	vst v2  }
0x21b: {  	v2 =	vld [tilespmem:$0x170];
	_ =	sdelay $0x4  }
0x21c: {  	v2 =	vmax.f32 v3, v2  }
0x21d: {  	[tilespmem:s17+$0xA070] =	vst v2  }
0x21e: {  	s18 =	spop (v2sf);
	v2 =	vld [tilespmem:$0x180]  }
0x21f: {  	v3 =	vld [tilespmem:s18+$0xA000];
	_ =	sdelay $0x4  }
0x220: {  	v2 =	vmax.f32 v3, v2  }
0x221: {  	v3 =	vld [tilespmem:s18+$0xA010];
	[tilespmem:s18+$0xA000] =	vst v2  }
0x222: {  	v2 =	vld [tilespmem:$0x190];
	_ =	sdelay $0x4  }
0x223: {  	v2 =	vmax.f32 v3, v2  }
0x224: {  	v3 =	vld [tilespmem:s18+$0xA020];
	[tilespmem:s18+$0xA010] =	vst v2  }
0x225: {  	v2 =	vld [tilespmem:$0x1A0];
	_ =	sdelay $0x4  }
0x226: {  	v2 =	vmax.f32 v3, v2  }
0x227: {  	v3 =	vld [tilespmem:s18+$0xA030];
	[tilespmem:s18+$0xA020] =	vst v2  }
0x228: {  	v2 =	vld [tilespmem:$0x1B0];
	_ =	sdelay $0x4  }
0x229: {  	v2 =	vmax.f32 v3, v2  }
0x22a: {  	v3 =	vld [tilespmem:s18+$0xA040];
	[tilespmem:s18+$0xA030] =	vst v2  }
0x22b: {  	v2 =	vld [tilespmem:$0x1C0];
	_ =	sdelay $0x4  }
0x22c: {  	v2 =	vmax.f32 v3, v2  }
0x22d: {  	v3 =	vld [tilespmem:s18+$0xA050];
	[tilespmem:s18+$0xA040] =	vst v2  }
0x22e: {  	v2 =	vld [tilespmem:$0x1D0];
	_ =	sdelay $0x4  }
0x22f: {  	v2 =	vmax.f32 v3, v2  }
0x230: {  	(v2sf) =	vpush v1, $0x4;
	v3 =	vld [tilespmem:s18+$0xA060];
	[tilespmem:s18+$0xA050] =	vst v2  }
0x231: {  	v2 =	vld [tilespmem:$0x1E0];
	_ =	sdelay $0x4  }
0x232: {  	v2 =	vmax.f32 v3, v2  }
0x233: {  	v3 =	vld [tilespmem:s18+$0xA070];
	[tilespmem:s18+$0xA060] =	vst v2  }
0x234: {  	v2 =	vld [tilespmem:$0x1F0];
	_ =	sdelay $0x4  }
0x235: {  	v2 =	vmax.f32 v3, v2  }
0x236: {  	[tilespmem:s18+$0xA070] =	vst v2  }
0x237: {  	s19 =	spop (v2sf);
	v2 =	vld [tilespmem:$0x200]  }
0x238: {  	v3 =	vld [tilespmem:s19+$0xA000];
	_ =	sdelay $0x4  }
0x239: {  	v2 =	vmax.f32 v3, v2  }
0x23a: {  	v3 =	vld [tilespmem:s19+$0xA010];
	[tilespmem:s19+$0xA000] =	vst v2  }
0x23b: {  	v2 =	vld [tilespmem:$0x210];
	_ =	sdelay $0x4  }
0x23c: {  	v2 =	vmax.f32 v3, v2  }
0x23d: {  	v3 =	vld [tilespmem:s19+$0xA020];
	[tilespmem:s19+$0xA010] =	vst v2  }
0x23e: {  	v2 =	vld [tilespmem:$0x220];
	_ =	sdelay $0x4  }
0x23f: {  	v2 =	vmax.f32 v3, v2  }
0x240: {  	v3 =	vld [tilespmem:s19+$0xA030];
	[tilespmem:s19+$0xA020] =	vst v2  }
0x241: {  	v2 =	vld [tilespmem:$0x230];
	_ =	sdelay $0x4  }
0x242: {  	v2 =	vmax.f32 v3, v2  }
0x243: {  	v3 =	vld [tilespmem:s19+$0xA040];
	[tilespmem:s19+$0xA030] =	vst v2  }
0x244: {  	v2 =	vld [tilespmem:$0x240];
	_ =	sdelay $0x4  }
0x245: {  	v2 =	vmax.f32 v3, v2  }
0x246: {  	v3 =	vld [tilespmem:s19+$0xA050];
	[tilespmem:s19+$0xA040] =	vst v2  }
0x247: {  	v2 =	vld [tilespmem:$0x250];
	_ =	sdelay $0x4  }
0x248: {  	v2 =	vmax.f32 v3, v2  }
0x249: {  	(v2sf) =	vpush v1, $0x5;
	v3 =	vld [tilespmem:s19+$0xA060];
	[tilespmem:s19+$0xA050] =	vst v2  }
0x24a: {  	v2 =	vld [tilespmem:$0x260];
	_ =	sdelay $0x4  }
0x24b: {  	v2 =	vmax.f32 v3, v2  }
0x24c: {  	v3 =	vld [tilespmem:s19+$0xA070];
	[tilespmem:s19+$0xA060] =	vst v2  }
0x24d: {  	v2 =	vld [tilespmem:$0x270];
	_ =	sdelay $0x4  }
0x24e: {  	v2 =	vmax.f32 v3, v2  }
0x24f: {  	[tilespmem:s19+$0xA070] =	vst v2  }
0x250: {  	s20 =	spop (v2sf);
	v2 =	vld [tilespmem:$0x280]  }
0x251: {  	v3 =	vld [tilespmem:s20+$0xA000];
	_ =	sdelay $0x4  }
0x252: {  	v2 =	vmax.f32 v3, v2  }
0x253: {  	v3 =	vld [tilespmem:s20+$0xA010];
	[tilespmem:s20+$0xA000] =	vst v2  }
0x254: {  	v2 =	vld [tilespmem:$0x290];
	_ =	sdelay $0x4  }
0x255: {  	v2 =	vmax.f32 v3, v2  }
0x256: {  	v3 =	vld [tilespmem:s20+$0xA020];
	[tilespmem:s20+$0xA010] =	vst v2  }
0x257: {  	v2 =	vld [tilespmem:$0x2A0];
	_ =	sdelay $0x4  }
0x258: {  	v2 =	vmax.f32 v3, v2  }
0x259: {  	v3 =	vld [tilespmem:s20+$0xA030];
	[tilespmem:s20+$0xA020] =	vst v2  }
0x25a: {  	v2 =	vld [tilespmem:$0x2B0];
	_ =	sdelay $0x4  }
0x25b: {  	v2 =	vmax.f32 v3, v2  }
0x25c: {  	v3 =	vld [tilespmem:s20+$0xA040];
	[tilespmem:s20+$0xA030] =	vst v2  }
0x25d: {  	v2 =	vld [tilespmem:$0x2C0];
	_ =	sdelay $0x4  }
0x25e: {  	v2 =	vmax.f32 v3, v2  }
0x25f: {  	v3 =	vld [tilespmem:s20+$0xA050];
	[tilespmem:s20+$0xA040] =	vst v2  }
0x260: {  	v2 =	vld [tilespmem:$0x2D0];
	_ =	sdelay $0x4  }
0x261: {  	v2 =	vmax.f32 v3, v2  }
0x262: {  	(v2sf) =	vpush v1, $0x6;
	v3 =	vld [tilespmem:s20+$0xA060];
	[tilespmem:s20+$0xA050] =	vst v2  }
0x263: {  	v2 =	vld [tilespmem:$0x2E0];
	_ =	sdelay $0x4  }
0x264: {  	v2 =	vmax.f32 v3, v2  }
0x265: {  	v3 =	vld [tilespmem:s20+$0xA070];
	[tilespmem:s20+$0xA060] =	vst v2  }
0x266: {  	v2 =	vld [tilespmem:$0x2F0];
	_ =	sdelay $0x4  }
0x267: {  	v2 =	vmax.f32 v3, v2  }
0x268: {  	[tilespmem:s20+$0xA070] =	vst v2  }
0x269: {  	s21 =	spop (v2sf);
	v2 =	vld [tilespmem:$0x300]  }
0x26a: {  	v3 =	vld [tilespmem:s21+$0xA000];
	_ =	sdelay $0x4  }
0x26b: {  	v2 =	vmax.f32 v3, v2  }
0x26c: {  	v3 =	vld [tilespmem:s21+$0xA010];
	[tilespmem:s21+$0xA000] =	vst v2  }
0x26d: {  	v2 =	vld [tilespmem:$0x310];
	_ =	sdelay $0x4  }
0x26e: {  	v2 =	vmax.f32 v3, v2  }
0x26f: {  	v3 =	vld [tilespmem:s21+$0xA020];
	[tilespmem:s21+$0xA010] =	vst v2  }
0x270: {  	v2 =	vld [tilespmem:$0x320];
	_ =	sdelay $0x4  }
0x271: {  	v2 =	vmax.f32 v3, v2  }
0x272: {  	v3 =	vld [tilespmem:s21+$0xA030];
	[tilespmem:s21+$0xA020] =	vst v2  }
0x273: {  	v2 =	vld [tilespmem:$0x330];
	_ =	sdelay $0x4  }
0x274: {  	v2 =	vmax.f32 v3, v2  }
0x275: {  	v3 =	vld [tilespmem:s21+$0xA040];
	[tilespmem:s21+$0xA030] =	vst v2  }
0x276: {  	v2 =	vld [tilespmem:$0x340];
	_ =	sdelay $0x4  }
0x277: {  	v2 =	vmax.f32 v3, v2  }
0x278: {  	v3 =	vld [tilespmem:s21+$0xA050];
	[tilespmem:s21+$0xA040] =	vst v2  }
0x279: {  	v2 =	vld [tilespmem:$0x350];
	_ =	sdelay $0x4  }
0x27a: {  	v2 =	vmax.f32 v3, v2  }
0x27b: {  	(v2sf) =	vpush v1, $0x7;
	v3 =	vld [tilespmem:s21+$0xA060];
	[tilespmem:s21+$0xA050] =	vst v2  }
0x27c: {  	v2 =	vld [tilespmem:$0x360];
	_ =	sdelay $0x4  }
0x27d: {  	v2 =	vmax.f32 v3, v2  }
0x27e: {  	v3 =	vld [tilespmem:s21+$0xA070];
	[tilespmem:s21+$0xA060] =	vst v2  }
0x27f: {  	v2 =	vld [tilespmem:$0x370];
	_ =	sdelay $0x4  }
0x280: {  	v2 =	vmax.f32 v3, v2  }
0x281: {  	[tilespmem:s21+$0xA070] =	vst v2  }
0x282: {  	s22 =	spop (v2sf);
	v2 =	vld [tilespmem:$0x380]  }
0x283: {  	v3 =	vld [tilespmem:s22+$0xA000];
	_ =	sdelay $0x4  }
0x284: {  	v2 =	vmax.f32 v3, v2  }
0x285: {  	v3 =	vld [tilespmem:s22+$0xA010];
	[tilespmem:s22+$0xA000] =	vst v2  }
0x286: {  	v2 =	vld [tilespmem:$0x390];
	_ =	sdelay $0x4  }
0x287: {  	v2 =	vmax.f32 v3, v2  }
0x288: {  	v3 =	vld [tilespmem:s22+$0xA020];
	[tilespmem:s22+$0xA010] =	vst v2  }
0x289: {  	v2 =	vld [tilespmem:$0x3A0];
	_ =	sdelay $0x4  }
0x28a: {  	v2 =	vmax.f32 v3, v2  }
0x28b: {  	v3 =	vld [tilespmem:s22+$0xA030];
	[tilespmem:s22+$0xA020] =	vst v2  }
0x28c: {  	v2 =	vld [tilespmem:$0x3B0];
	_ =	sdelay $0x4  }
0x28d: {  	v2 =	vmax.f32 v3, v2  }
0x28e: {  	v3 =	vld [tilespmem:s22+$0xA040];
	[tilespmem:s22+$0xA030] =	vst v2  }
0x28f: {  	v2 =	vld [tilespmem:$0x3C0];
	_ =	sdelay $0x4  }
0x290: {  	v2 =	vmax.f32 v3, v2  }
0x291: {  	v3 =	vld [tilespmem:s22+$0xA050];
	[tilespmem:s22+$0xA040] =	vst v2  }
0x292: {  	v2 =	vld [tilespmem:$0x3D0];
	_ =	sdelay $0x4  }
0x293: {  	v2 =	vmax.f32 v3, v2  }
0x294: {  	(v2sf) =	vpush v1, $0x8;
	v3 =	vld [tilespmem:s22+$0xA060];
	[tilespmem:s22+$0xA050] =	vst v2  }
0x295: {  	v2 =	vld [tilespmem:$0x3E0];
	_ =	sdelay $0x4  }
0x296: {  	v2 =	vmax.f32 v3, v2  }
0x297: {  	v3 =	vld [tilespmem:s22+$0xA070];
	[tilespmem:s22+$0xA060] =	vst v2  }
0x298: {  	v2 =	vld [tilespmem:$0x3F0];
	_ =	sdelay $0x4  }
0x299: {  	v2 =	vmax.f32 v3, v2  }
0x29a: {  	[tilespmem:s22+$0xA070] =	vst v2  }
0x29b: {  	s23 =	spop (v2sf);
	v2 =	vld [tilespmem:$0x400]  }
0x29c: {  	v3 =	vld [tilespmem:s23+$0xA000];
	_ =	sdelay $0x4  }
0x29d: {  	v2 =	vmax.f32 v3, v2  }
0x29e: {  	v3 =	vld [tilespmem:s23+$0xA010];
	[tilespmem:s23+$0xA000] =	vst v2  }
0x29f: {  	v2 =	vld [tilespmem:$0x410];
	_ =	sdelay $0x4  }
0x2a0: {  	v2 =	vmax.f32 v3, v2  }
0x2a1: {  	v3 =	vld [tilespmem:s23+$0xA020];
	[tilespmem:s23+$0xA010] =	vst v2  }
0x2a2: {  	v2 =	vld [tilespmem:$0x420];
	_ =	sdelay $0x4  }
0x2a3: {  	v2 =	vmax.f32 v3, v2  }
0x2a4: {  	v3 =	vld [tilespmem:s23+$0xA030];
	[tilespmem:s23+$0xA020] =	vst v2  }
0x2a5: {  	v2 =	vld [tilespmem:$0x430];
	_ =	sdelay $0x4  }
0x2a6: {  	v2 =	vmax.f32 v3, v2  }
0x2a7: {  	v3 =	vld [tilespmem:s23+$0xA040];
	[tilespmem:s23+$0xA030] =	vst v2  }
0x2a8: {  	v2 =	vld [tilespmem:$0x440];
	_ =	sdelay $0x4  }
0x2a9: {  	v2 =	vmax.f32 v3, v2  }
0x2aa: {  	v3 =	vld [tilespmem:s23+$0xA050];
	[tilespmem:s23+$0xA040] =	vst v2  }
0x2ab: {  	v2 =	vld [tilespmem:$0x450];
	_ =	sdelay $0x4  }
0x2ac: {  	v2 =	vmax.f32 v3, v2  }
0x2ad: {  	(v2sf) =	vpush v1, $0x9;
	v3 =	vld [tilespmem:s23+$0xA060];
	[tilespmem:s23+$0xA050] =	vst v2  }
0x2ae: {  	v2 =	vld [tilespmem:$0x460];
	_ =	sdelay $0x4  }
0x2af: {  	v2 =	vmax.f32 v3, v2  }
0x2b0: {  	v3 =	vld [tilespmem:s23+$0xA070];
	[tilespmem:s23+$0xA060] =	vst v2  }
0x2b1: {  	v2 =	vld [tilespmem:$0x470];
	_ =	sdelay $0x4  }
0x2b2: {  	v2 =	vmax.f32 v3, v2  }
0x2b3: {  	[tilespmem:s23+$0xA070] =	vst v2  }
0x2b4: {  	s24 =	spop (v2sf);
	v2 =	vld [tilespmem:$0x480]  }
0x2b5: {  	v3 =	vld [tilespmem:s24+$0xA000];
	_ =	sdelay $0x4  }
0x2b6: {  	v2 =	vmax.f32 v3, v2  }
0x2b7: {  	v3 =	vld [tilespmem:s24+$0xA010];
	[tilespmem:s24+$0xA000] =	vst v2  }
0x2b8: {  	v2 =	vld [tilespmem:$0x490];
	_ =	sdelay $0x4  }
0x2b9: {  	v2 =	vmax.f32 v3, v2  }
0x2ba: {  	v3 =	vld [tilespmem:s24+$0xA020];
	[tilespmem:s24+$0xA010] =	vst v2  }
0x2bb: {  	v2 =	vld [tilespmem:$0x4A0];
	_ =	sdelay $0x4  }
0x2bc: {  	v2 =	vmax.f32 v3, v2  }
0x2bd: {  	v3 =	vld [tilespmem:s24+$0xA030];
	[tilespmem:s24+$0xA020] =	vst v2  }
0x2be: {  	v2 =	vld [tilespmem:$0x4B0];
	_ =	sdelay $0x4  }
0x2bf: {  	v2 =	vmax.f32 v3, v2  }
0x2c0: {  	v3 =	vld [tilespmem:s24+$0xA040];
	[tilespmem:s24+$0xA030] =	vst v2  }
0x2c1: {  	v2 =	vld [tilespmem:$0x4C0];
	_ =	sdelay $0x4  }
0x2c2: {  	v2 =	vmax.f32 v3, v2  }
0x2c3: {  	v3 =	vld [tilespmem:s24+$0xA050];
	[tilespmem:s24+$0xA040] =	vst v2  }
0x2c4: {  	v2 =	vld [tilespmem:$0x4D0];
	_ =	sdelay $0x4  }
0x2c5: {  	v2 =	vmax.f32 v3, v2  }
0x2c6: {  	(v2sf) =	vpush v1, $0xA;
	v3 =	vld [tilespmem:s24+$0xA060];
	[tilespmem:s24+$0xA050] =	vst v2  }
0x2c7: {  	v2 =	vld [tilespmem:$0x4E0];
	_ =	sdelay $0x4  }
0x2c8: {  	v2 =	vmax.f32 v3, v2  }
0x2c9: {  	v3 =	vld [tilespmem:s24+$0xA070];
	[tilespmem:s24+$0xA060] =	vst v2  }
0x2ca: {  	v2 =	vld [tilespmem:$0x4F0];
	_ =	sdelay $0x4  }
0x2cb: {  	v2 =	vmax.f32 v3, v2  }
0x2cc: {  	[tilespmem:s24+$0xA070] =	vst v2  }
0x2cd: {  	s25 =	spop (v2sf);
	v2 =	vld [tilespmem:$0x500]  }
0x2ce: {  	v3 =	vld [tilespmem:s25+$0xA000];
	_ =	sdelay $0x4  }
0x2cf: {  	v2 =	vmax.f32 v3, v2  }
0x2d0: {  	v3 =	vld [tilespmem:s25+$0xA010];
	[tilespmem:s25+$0xA000] =	vst v2  }
0x2d1: {  	v2 =	vld [tilespmem:$0x510];
	_ =	sdelay $0x4  }
0x2d2: {  	v2 =	vmax.f32 v3, v2  }
0x2d3: {  	v3 =	vld [tilespmem:s25+$0xA020];
	[tilespmem:s25+$0xA010] =	vst v2  }
0x2d4: {  	v2 =	vld [tilespmem:$0x520];
	_ =	sdelay $0x4  }
0x2d5: {  	v2 =	vmax.f32 v3, v2  }
0x2d6: {  	v3 =	vld [tilespmem:s25+$0xA030];
	[tilespmem:s25+$0xA020] =	vst v2  }
0x2d7: {  	v2 =	vld [tilespmem:$0x530];
	_ =	sdelay $0x4  }
0x2d8: {  	v2 =	vmax.f32 v3, v2  }
0x2d9: {  	v3 =	vld [tilespmem:s25+$0xA040];
	[tilespmem:s25+$0xA030] =	vst v2  }
0x2da: {  	v2 =	vld [tilespmem:$0x540];
	_ =	sdelay $0x4  }
0x2db: {  	v2 =	vmax.f32 v3, v2  }
0x2dc: {  	v3 =	vld [tilespmem:s25+$0xA050];
	[tilespmem:s25+$0xA040] =	vst v2  }
0x2dd: {  	v2 =	vld [tilespmem:$0x550];
	_ =	sdelay $0x4  }
0x2de: {  	v2 =	vmax.f32 v3, v2  }
0x2df: {  	(v2sf) =	vpush v1, $0xB;
	v3 =	vld [tilespmem:s25+$0xA060];
	[tilespmem:s25+$0xA050] =	vst v2  }
0x2e0: {  	v2 =	vld [tilespmem:$0x560];
	_ =	sdelay $0x4  }
0x2e1: {  	v2 =	vmax.f32 v3, v2  }
0x2e2: {  	v3 =	vld [tilespmem:s25+$0xA070];
	[tilespmem:s25+$0xA060] =	vst v2  }
0x2e3: {  	v2 =	vld [tilespmem:$0x570];
	_ =	sdelay $0x4  }
0x2e4: {  	v2 =	vmax.f32 v3, v2  }
0x2e5: {  	[tilespmem:s25+$0xA070] =	vst v2  }
0x2e6: {  	s26 =	spop (v2sf);
	v2 =	vld [tilespmem:$0x580]  }
0x2e7: {  	v3 =	vld [tilespmem:s26+$0xA000];
	_ =	sdelay $0x4  }
0x2e8: {  	v2 =	vmax.f32 v3, v2  }
0x2e9: {  	v3 =	vld [tilespmem:s26+$0xA010];
	[tilespmem:s26+$0xA000] =	vst v2  }
0x2ea: {  	v2 =	vld [tilespmem:$0x590];
	_ =	sdelay $0x4  }
0x2eb: {  	v2 =	vmax.f32 v3, v2  }
0x2ec: {  	v3 =	vld [tilespmem:s26+$0xA020];
	[tilespmem:s26+$0xA010] =	vst v2  }
0x2ed: {  	v2 =	vld [tilespmem:$0x5A0];
	_ =	sdelay $0x4  }
0x2ee: {  	v2 =	vmax.f32 v3, v2  }
0x2ef: {  	v3 =	vld [tilespmem:s26+$0xA030];
	[tilespmem:s26+$0xA020] =	vst v2  }
0x2f0: {  	v2 =	vld [tilespmem:$0x5B0];
	_ =	sdelay $0x4  }
0x2f1: {  	v2 =	vmax.f32 v3, v2  }
0x2f2: {  	v3 =	vld [tilespmem:s26+$0xA040];
	[tilespmem:s26+$0xA030] =	vst v2  }
0x2f3: {  	v2 =	vld [tilespmem:$0x5C0];
	_ =	sdelay $0x4  }
0x2f4: {  	v2 =	vmax.f32 v3, v2  }
0x2f5: {  	v3 =	vld [tilespmem:s26+$0xA050];
	[tilespmem:s26+$0xA040] =	vst v2  }
0x2f6: {  	v2 =	vld [tilespmem:$0x5D0];
	_ =	sdelay $0x4  }
0x2f7: {  	v2 =	vmax.f32 v3, v2  }
0x2f8: {  	(v2sf) =	vpush v1, $0xC;
	v3 =	vld [tilespmem:s26+$0xA060];
	[tilespmem:s26+$0xA050] =	vst v2  }
0x2f9: {  	v2 =	vld [tilespmem:$0x5E0];
	_ =	sdelay $0x4  }
0x2fa: {  	v2 =	vmax.f32 v3, v2  }
0x2fb: {  	v3 =	vld [tilespmem:s26+$0xA070];
	[tilespmem:s26+$0xA060] =	vst v2  }
0x2fc: {  	v2 =	vld [tilespmem:$0x5F0];
	_ =	sdelay $0x4  }
0x2fd: {  	v2 =	vmax.f32 v3, v2  }
0x2fe: {  	[tilespmem:s26+$0xA070] =	vst v2  }
0x2ff: {  	s28 =	spop (v2sf);
	v2 =	vld [tilespmem:$0x600]  }
0x300: {  	v3 =	vld [tilespmem:s28+$0xA000];
	_ =	sdelay $0x4  }
0x301: {  	v2 =	vmax.f32 v3, v2  }
0x302: {  	v3 =	vld [tilespmem:s28+$0xA010];
	[tilespmem:s28+$0xA000] =	vst v2  }
0x303: {  	v2 =	vld [tilespmem:$0x610];
	_ =	sdelay $0x4  }
0x304: {  	v2 =	vmax.f32 v3, v2  }
0x305: {  	v3 =	vld [tilespmem:s28+$0xA020];
	[tilespmem:s28+$0xA010] =	vst v2  }
0x306: {  	v2 =	vld [tilespmem:$0x620];
	_ =	sdelay $0x4  }
0x307: {  	v2 =	vmax.f32 v3, v2  }
0x308: {  	v3 =	vld [tilespmem:s28+$0xA030];
	[tilespmem:s28+$0xA020] =	vst v2  }
0x309: {  	v2 =	vld [tilespmem:$0x630];
	_ =	sdelay $0x4  }
0x30a: {  	v2 =	vmax.f32 v3, v2  }
0x30b: {  	v3 =	vld [tilespmem:s28+$0xA040];
	[tilespmem:s28+$0xA030] =	vst v2  }
0x30c: {  	v2 =	vld [tilespmem:$0x640];
	_ =	sdelay $0x4  }
0x30d: {  	v2 =	vmax.f32 v3, v2  }
0x30e: {  	v3 =	vld [tilespmem:s28+$0xA050];
	[tilespmem:s28+$0xA040] =	vst v2  }
0x30f: {  	v2 =	vld [tilespmem:$0x650];
	_ =	sdelay $0x4  }
0x310: {  	v2 =	vmax.f32 v3, v2  }
0x311: {  	(v2sf) =	vpush v1, $0xD;
	v3 =	vld [tilespmem:s28+$0xA060];
	[tilespmem:s28+$0xA050] =	vst v2  }
0x312: {  	v2 =	vld [tilespmem:$0x660];
	_ =	sdelay $0x4  }
0x313: {  	v2 =	vmax.f32 v3, v2  }
0x314: {  	v3 =	vld [tilespmem:s28+$0xA070];
	[tilespmem:s28+$0xA060] =	vst v2  }
0x315: {  	v2 =	vld [tilespmem:$0x670];
	_ =	sdelay $0x4  }
0x316: {  	v2 =	vmax.f32 v3, v2  }
0x317: {  	[tilespmem:s28+$0xA070] =	vst v2  }
0x318: {  	s29 =	spop (v2sf);
	v2 =	vld [tilespmem:$0x680]  }
0x319: {  	v3 =	vld [tilespmem:s29+$0xA000];
	_ =	sdelay $0x4  }
0x31a: {  	v2 =	vmax.f32 v3, v2  }
0x31b: {  	v3 =	vld [tilespmem:s29+$0xA010];
	[tilespmem:s29+$0xA000] =	vst v2  }
0x31c: {  	v2 =	vld [tilespmem:$0x690];
	_ =	sdelay $0x4  }
0x31d: {  	v2 =	vmax.f32 v3, v2  }
0x31e: {  	v3 =	vld [tilespmem:s29+$0xA020];
	[tilespmem:s29+$0xA010] =	vst v2  }
0x31f: {  	v2 =	vld [tilespmem:$0x6A0];
	_ =	sdelay $0x4  }
0x320: {  	v2 =	vmax.f32 v3, v2  }
0x321: {  	v3 =	vld [tilespmem:s29+$0xA030];
	[tilespmem:s29+$0xA020] =	vst v2  }
0x322: {  	v2 =	vld [tilespmem:$0x6B0];
	_ =	sdelay $0x4  }
0x323: {  	v2 =	vmax.f32 v3, v2  }
0x324: {  	v3 =	vld [tilespmem:s29+$0xA040];
	[tilespmem:s29+$0xA030] =	vst v2  }
0x325: {  	v2 =	vld [tilespmem:$0x6C0];
	_ =	sdelay $0x4  }
0x326: {  	v2 =	vmax.f32 v3, v2  }
0x327: {  	v3 =	vld [tilespmem:s29+$0xA050];
	[tilespmem:s29+$0xA040] =	vst v2  }
0x328: {  	v2 =	vld [tilespmem:$0x6D0];
	_ =	sdelay $0x4  }
0x329: {  	v2 =	vmax.f32 v3, v2  }
0x32a: {  	(v2sf) =	vpush v1, $0xE;
	v3 =	vld [tilespmem:s29+$0xA060];
	[tilespmem:s29+$0xA050] =	vst v2  }
0x32b: {  	v2 =	vld [tilespmem:$0x6E0];
	_ =	sdelay $0x4  }
0x32c: {  	v2 =	vmax.f32 v3, v2  }
0x32d: {  	v3 =	vld [tilespmem:s29+$0xA070];
	[tilespmem:s29+$0xA060] =	vst v2  }
0x32e: {  	v2 =	vld [tilespmem:$0x6F0];
	_ =	sdelay $0x4  }
0x32f: {  	v2 =	vmax.f32 v3, v2  }
0x330: {  	[tilespmem:s29+$0xA070] =	vst v2  }
0x331: {  	s30 =	spop (v2sf);
	v2 =	vld [tilespmem:$0x700]  }
0x332: {  	v3 =	vld [tilespmem:s30+$0xA000];
	_ =	sdelay $0x4  }
0x333: {  	v2 =	vmax.f32 v3, v2  }
0x334: {  	v3 =	vld [tilespmem:s30+$0xA010];
	[tilespmem:s30+$0xA000] =	vst v2  }
0x335: {  	v2 =	vld [tilespmem:$0x710];
	_ =	sdelay $0x4  }
0x336: {  	v2 =	vmax.f32 v3, v2  }
0x337: {  	v3 =	vld [tilespmem:s30+$0xA020];
	[tilespmem:s30+$0xA010] =	vst v2  }
0x338: {  	v2 =	vld [tilespmem:$0x720];
	_ =	sdelay $0x4  }
0x339: {  	v2 =	vmax.f32 v3, v2  }
0x33a: {  	v3 =	vld [tilespmem:s30+$0xA030];
	[tilespmem:s30+$0xA020] =	vst v2  }
0x33b: {  	v2 =	vld [tilespmem:$0x730];
	_ =	sdelay $0x4  }
0x33c: {  	v2 =	vmax.f32 v3, v2  }
0x33d: {  	v3 =	vld [tilespmem:s30+$0xA040];
	[tilespmem:s30+$0xA030] =	vst v2  }
0x33e: {  	v2 =	vld [tilespmem:$0x740];
	_ =	sdelay $0x4  }
0x33f: {  	v2 =	vmax.f32 v3, v2  }
0x340: {  	v3 =	vld [tilespmem:s30+$0xA050];
	[tilespmem:s30+$0xA040] =	vst v2  }
0x341: {  	v2 =	vld [tilespmem:$0x750];
	_ =	sdelay $0x4  }
0x342: {  	v2 =	vmax.f32 v3, v2  }
0x343: {  	(v2sf) =	vpush v1, $0xF;
	v3 =	vld [tilespmem:s30+$0xA060];
	[tilespmem:s30+$0xA050] =	vst v2  }
0x344: {  	v2 =	vld [tilespmem:$0x760];
	_ =	sdelay $0x4  }
0x345: {  	v1 =	vmax.f32 v3, v2  }
0x346: {  	v2 =	vld [tilespmem:s30+$0xA070];
	[tilespmem:s30+$0xA060] =	vst v1  }
0x347: {  	v1 =	vld [tilespmem:$0x770];
	_ =	sdelay $0x4  }
0x348: {  	v1 =	vmax.f32 v2, v1  }
0x349: {  	[tilespmem:s30+$0xA070] =	vst v1  }
0x34a: {  	s31 =	spop (v2sf);
	v1 =	vld [tilespmem:$0x780]  }
0x34b: {  	v2 =	vld [tilespmem:s31+$0xA000];
	_ =	sdelay $0x4  }
0x34c: {  	v1 =	vmax.f32 v2, v1  }
0x34d: {  	v2 =	vld [tilespmem:s31+$0xA010];
	[tilespmem:s31+$0xA000] =	vst v1  }
0x34e: {  	v1 =	vld [tilespmem:$0x790];
	_ =	sdelay $0x4  }
0x34f: {  	v1 =	vmax.f32 v2, v1  }
0x350: {  	v2 =	vld [tilespmem:s31+$0xA020];
	[tilespmem:s31+$0xA010] =	vst v1  }
0x351: {  	v1 =	vld [tilespmem:$0x7A0];
	_ =	sdelay $0x4  }
0x352: {  	v1 =	vmax.f32 v2, v1  }
0x353: {  	v2 =	vld [tilespmem:s31+$0xA030];
	[tilespmem:s31+$0xA020] =	vst v1  }
0x354: {  	v1 =	vld [tilespmem:$0x7B0];
	_ =	sdelay $0x4  }
0x355: {  	v1 =	vmax.f32 v2, v1  }
0x356: {  	v2 =	vld [tilespmem:s31+$0xA040];
	[tilespmem:s31+$0xA030] =	vst v1  }
0x357: {  	v1 =	vld [tilespmem:$0x7C0];
	_ =	sdelay $0x4  }
0x358: {  	v1 =	vmax.f32 v2, v1  }
0x359: {  	v2 =	vld [tilespmem:s31+$0xA050];
	[tilespmem:s31+$0xA040] =	vst v1  }
0x35a: {  	v1 =	vld [tilespmem:$0x7D0];
	_ =	sdelay $0x4  }
0x35b: {  	v1 =	vmax.f32 v2, v1  }
0x35c: {  	v2 =	vld [tilespmem:s31+$0xA060];
	[tilespmem:s31+$0xA050] =	vst v1  }
0x35d: {  	v1 =	vld [tilespmem:$0x7E0];
	_ =	sdelay $0x4  }
0x35e: {  	v1 =	vmax.f32 v2, v1  }
0x35f: {  	v2 =	vld [tilespmem:s31+$0xA070];
	[tilespmem:s31+$0xA060] =	vst v1  }
0x360: {  	v1 =	vld [tilespmem:$0x7F0];
	_ =	sdelay $0x1  }
.Ltmp5:
0x361: {  	_ = 	snop;
	(pc) =	sbr.rel .LBB2_7-.Ltmp5, $3  }
0x362: {  	_ =	sdelay $0x1  }
0x363: {  	v1 =	vmax.f32 v2, v1  }
0x364: {  	[tilespmem:s31+$0xA070] =	vst v1  }
.LBB2_8:
0x365: {  	_ =	sfence.sel $0x180000  }
0x366: {  	[bflag:$0x0] =	sbarrier.arrive $0xFFFF  }
0x367: {  	p0 =	sne.s32 s0, $0x0;
	_ =	strace $0x9000004A  }
0x368: {  	s0 =	sadd.s32 @!p0 $0x100000, s1;
	[bflag:$0x2] =	sbarrier.arrive $0xFFFF  }
0x369: {  	[sflag:s0] =	ssyncadd.tile.s32 @!p0 $0x1;
	_ =	shalt  }
.Lfunc_end2:
_tile_overlayer_lowered:
.L_overlay_start_2:
0x36a: {  	(tag) =	ssettag $0x2  }
0x36b: {  	s0 =	rddreg [dreg:$0x0];
	s2 =	stileid.u32  }
0x36c: {  	s1 =	rddreg [dreg:$0x1];
	p0 =	sne.s32 s2, $0x0  }
0x36d: {  	s3 =	rddreg [dreg:$0x2];
	[bflag:$0x3] =	sbarrier.arrive $0xFFFF;
	s2 =	simm.s32 @!p0 $0x1C01  }
0x36e: {  	[timem:s3], [sflag:s2] =	dma.local @!p0 [hbm:s0], s1  }
0x36f: {  	s0 =	simm.s32 @!p0 $0x1  }
0x370: {  	_ =	swait.ge @!p0 [sflag:s0], s1  }
0x371: {  	s1 =	ssub.s32 @!p0 $0x0, s1;
	[sflag:s0] =	ssyncset.done @!p0 $0x0  }
0x372: {  	[sflag:s0] =	ssyncadd.s32 @!p0 s1  }
0x373: {  	[bflag:$0x3] =	sbarrier.arrive $0xFFFF  }
0x374: {  	_ =	shalt  }

</sc_bundles>
